<compile_context>
chip_gen: v7x
topology: tpu7x:2x2x1
jax: 0.10.2.dev20260603
libtpu: 0.0.44.dev20260713+nightly
codegen_flags: <defaults>
</compile_context>

<pallas_src>
import jax
import jax.numpy as jnp
import numpy as np
from jax import lax
from jax.experimental import pallas as pl
from jax.experimental.pallas import tpu as pltpu
from jax.experimental.pallas import tpu_sc as plsc

_D = 512
_B = 32
_S = 2048
_NC = 2
_NS = 16
_NW = _NC * _NS
_PPW = _S // _NW
_LANES = 16
_CHUNK = 64
_NSTEP = _B * _PPW // _CHUNK
_NBUF = 2
_DIST = 1


def _positional_table():
    pos = np.arange(0, _S, dtype=np.float32)[:, None]
    _2i = np.arange(0, _D, 2, dtype=np.float32)
    angle = pos / np.power(np.float32(1000.0), _2i / np.float32(_D))
    pe = np.zeros((_S, _D), dtype=np.float32)
    pe[:, 0::2] = np.sin(angle)
    pe[:, 1::2] = np.cos(angle)
    return pe


_PE = _positional_table()


def _emb_body(x_hbm, pe_hbm, table_hbm, out_hbm, *refs):
    idx_v, pe_v = refs[0], refs[1]
    bufs = refs[2:2 + _NBUF]
    gsem = refs[2 + _NBUF:2 + 2 * _NBUF]
    ssem = refs[2 + 2 * _NBUF:2 + 3 * _NBUF]
    isem, psem = refs[2 + 3 * _NBUF], refs[3 + 3 * _NBUF]
    w = lax.axis_index("s") * _NC + lax.axis_index("c")
    p0 = w * _PPW

    pltpu.async_copy(pe_hbm.at[pl.ds(p0, _PPW)], pe_v, psem)

    @pl.loop(0, _B)
    def _idx(b):
        pltpu.async_copy(x_hbm.at[pl.ds(b * _S + p0, _PPW)], idx_v.at[b],
                         isem)

    @pl.loop(0, _B)
    def _idx_drain(b):
        pltpu.make_async_copy(x_hbm.at[pl.ds(0, _PPW)], idx_v.at[b],
                              isem).wait()

    _CPT = _PPW // _CHUNK

    def start_gather(k, slot):
        b = k // _CPT
        h = k % _CPT
        pltpu.async_copy(
            table_hbm.at[idx_v.at[b, pl.ds(h * _CHUNK, _CHUNK)]],
            bufs[slot], gsem[slot])

    def start_scatter(k, slot):
        b = k // _CPT
        h = k % _CPT
        base = b * _S + p0 + h * _CHUNK
        pltpu.async_copy(bufs[slot], out_hbm.at[pl.ds(base, _CHUNK)],
                         ssem[slot])

    def wait_bytes(sem, slot):
        pltpu.make_async_copy(out_hbm.at[pl.ds(0, _CHUNK)], bufs[slot],
                              sem[slot]).wait()

    for s in range(_DIST):
        start_gather(s, s)

    pltpu.make_async_copy(pe_hbm.at[pl.ds(0, _PPW)], pe_v, psem).wait()

    @pl.loop(0, _NSTEP, step=_NBUF)
    def _step(g):
        for s in range(_NBUF):
            k = g + s
            wait_bytes(gsem, s)
            h32 = (k % _CPT) * _CHUNK
            s2 = (s + _DIST) % _NBUF

            @pl.when(k + _DIST < _NSTEP)
            def _prefetch():
                @pl.when(k >= _NBUF - _DIST)
                def _reuse():
                    wait_bytes(ssem, s2)
                start_gather(k + _DIST, s2)

            @plsc.parallel_loop(0, _CHUNK, 1, unroll=4)
            def _row(r):
                pr = h32 + r
                for c in range(_D // _LANES):
                    slc = pl.ds(c * _LANES, _LANES)
                    plsc.addupdate(bufs[s].at[r, slc], pe_v[pr, slc])

            start_scatter(k, s)

    for s in range(_NBUF):
        wait_bytes(ssem, s)


@jax.jit
def kernel(x, tok_emb_table):
    mesh = plsc.VectorSubcoreMesh(core_axis_name="c", subcore_axis_name="s")
    run = pl.kernel(
        _emb_body,
        out_type=jax.ShapeDtypeStruct((_B * _S, _D), jnp.float32),
        mesh=mesh,
        scratch_types=(
            [pltpu.VMEM((_B, _PPW), jnp.int32),
             pltpu.VMEM((_PPW, _D), jnp.float32)]
            + [pltpu.VMEM((_CHUNK, _D), jnp.float32)] * _NBUF
            + [pltpu.SemaphoreType.DMA] * (2 * _NBUF + 2)
        ),
    )
    out = run(x.astype(jnp.int32).reshape(-1), jnp.asarray(_PE),
              tok_emb_table)
    return out.reshape(_B, _S, _D)

# --- scband reference (transcript-rebuilt; emitter-appended) ---
"""Pipeline reference for scband-transformer-embedding-61194694033534 (READ-ONLY COPY).

The authoritative reference and input builder live on the scoring server;
editing this copy changes nothing except your own understanding.
"""

import jax, jax.numpy as jnp
import numpy as np

VOCAB = 100000
D_MODEL = 512
MAX_LEN = 2048
BATCH = 32
SEQ = 2048


def _positional_encoding(max_len, d_model, dtype=jnp.float32):
    pos = jnp.arange(0, max_len, dtype=dtype)[:, None]
    _2i = jnp.arange(0, d_model, 2, dtype=dtype)
    angle = pos / jnp.power(1000.0, _2i / d_model)  # NOTE: base 1000, faithful to source
    pe = jnp.zeros((max_len, d_model), dtype=dtype)
    pe = pe.at[:, 0::2].set(jnp.sin(angle))
    pe = pe.at[:, 1::2].set(jnp.cos(angle))
    return pe


def setup_inputs(seed: int = 0) -> dict:
    key = jax.random.key(seed)
    k1, k2 = jax.random.split(key)
    x = jax.random.randint(k1, (BATCH, SEQ), 0, VOCAB, dtype=jnp.int64 if jax.config.jax_enable_x64 else jnp.int32)
    tok_emb_table = jax.random.normal(k2, (VOCAB, D_MODEL), dtype=jnp.float32)
    return {"x": x, "tok_emb_table": tok_emb_table}


def reference(x, tok_emb_table):
    # tok_emb = nn.Embedding lookup
    tok_emb = jnp.take(tok_emb_table, x, axis=0)  # [B, L, D]
    # pos_emb = PositionalEncoding (depends only on length)
    length = x.shape[1]
    pe = _positional_encoding(MAX_LEN, D_MODEL)
    pos_emb = pe[:length, :]  # [L, D]
    # dropout is identity in eval/reference mode
    out = tok_emb + pos_emb[None, :, :]
    return out

if __name__ == "__main__":
    import jax
    _d = setup_inputs()
    print(jax.jit(kernel)(*tuple(_d.values())))

</pallas_src>

<mosaic_0001>
#map = affine_map<(d0, d1) -> (0)>
#map1 = affine_map<(d0, d1) -> (0, 0)>
module attributes {stable_mosaic.version = 14 : i64} {
  func.func @_emb_body(%arg0: i32, %arg1: i32, %arg2: memref<65536xi32, #tpu.memory_space<hbm>>, %arg3: memref<2048x512xf32, #tpu.memory_space<hbm>>, %arg4: memref<100000x512xf32, #tpu.memory_space<hbm>>, %arg5: memref<65536x512xf32, #tpu.memory_space<hbm>>, %arg6: memref<32x64xi32, #tpu.memory_space<vmem>>, %arg7: memref<64x512xf32, #tpu.memory_space<vmem>>, %arg8: memref<64x512xf32, #tpu.memory_space<vmem>>, %arg9: memref<64x512xf32, #tpu.memory_space<vmem>>, %arg10: memref<!tpu.dma_semaphore, #tpu.memory_space<semaphore_mem>>, %arg11: memref<!tpu.dma_semaphore, #tpu.memory_space<semaphore_mem>>, %arg12: memref<!tpu.dma_semaphore, #tpu.memory_space<semaphore_mem>>, %arg13: memref<!tpu.dma_semaphore, #tpu.memory_space<semaphore_mem>>, %arg14: memref<!tpu.dma_semaphore, #tpu.memory_space<semaphore_mem>>, %arg15: memref<!tpu.dma_semaphore, #tpu.memory_space<semaphore_mem>>) attributes {dimension_semantics = [#tpu.dimension_semantics<core_parallel>, #tpu.dimension_semantics<subcore_parallel>], iteration_bounds = array<i64: 2, 16>, scalar_prefetch = 0 : i64, scratch_operands = 10 : i64, tpu.core_type = #tpu.core_type<sc_vector_subcore>, window_params = [{transform_indices = #map}, {transform_indices = #map1}, {transform_indices = #map1}, {transform_indices = #map1}]} {
    %mul3A = arith.constant 2 : i32
    %mul3A_0 = arith.muli %arg1, %mul3A : i32
    %add3A = arith.addi %mul3A_0, %arg0 : i32
    %mul3A_1 = arith.constant 64 : i32
    %mul3A_2 = arith.muli %add3A, %mul3A_1 : i32
    %dma_start3A = arith.constant 0 : i32
    %dma_start3A_3 = tpu.memref_slice %arg3[%mul3A_2, %dma_start3A] : memref<2048x512xf32, #tpu.memory_space<hbm>> -> memref<64x512xf32, #tpu.memory_space<hbm>>
    %dma_start3A_4 = arith.constant 0 : i32
    %dma_start3A_5 = tpu.memref_slice %arg3[%mul3A_2, %dma_start3A_4] : memref<2048x512xf32, #tpu.memory_space<hbm>> -> memref<64x512xf32, #tpu.memory_space<hbm>>
    tpu.enqueue_dma source(%dma_start3A_5 : memref<64x512xf32, #tpu.memory_space<hbm>>) target(%arg7 : memref<64x512xf32, #tpu.memory_space<vmem>>) target_semaphore(%arg15 : memref<!tpu.dma_semaphore, #tpu.memory_space<semaphore_mem>>)
    %scan3A = arith.constant 0 : i32
    %scan3A_6 = arith.constant 32 : i32
    %scan3A_7 = arith.addi %scan3A, %scan3A_6 : i32
    %scan3A_8 = arith.constant 1 : i32
    scf.for %scan3A_44 = %scan3A to %scan3A_7 step %scan3A_8  : i32 {
      %mul3A_45 = arith.constant 1 : i32
      %mul3A_46 = arith.muli %scan3A_44, %mul3A_45 : i32
      %add3A_47 = arith.constant 0 : i32
      %add3A_48 = arith.addi %add3A_47, %mul3A_46 : i32
      %mul3A_49 = arith.constant 2048 : i32
      %mul3A_50 = arith.muli %add3A_48, %mul3A_49 : i32
      %add3A_51 = arith.addi %mul3A_50, %mul3A_2 : i32
      %dma_start3A_52 = arith.constant 0 : i32
      %dma_start3A_53 = tpu.memref_slice %arg6[%add3A_48, %dma_start3A_52] : memref<32x64xi32, #tpu.memory_space<vmem>> -> memref<1x64xi32, #tpu.memory_space<vmem>>
      %dma_start3A_54 = tpu.memref_squeeze %dma_start3A_53 : memref<1x64xi32, #tpu.memory_space<vmem>> -> memref<64xi32, #tpu.memory_space<vmem>>
      %dma_start3A_55 = tpu.memref_slice %arg2[%add3A_51] : memref<65536xi32, #tpu.memory_space<hbm>> -> memref<64xi32, #tpu.memory_space<hbm>>
      %dma_start3A_56 = arith.constant 0 : i32
      %dma_start3A_57 = tpu.memref_slice %arg6[%add3A_48, %dma_start3A_56] : memref<32x64xi32, #tpu.memory_space<vmem>> -> memref<1x64xi32, #tpu.memory_space<vmem>>
      %dma_start3A_58 = tpu.memref_squeeze %dma_start3A_57 : memref<1x64xi32, #tpu.memory_space<vmem>> -> memref<64xi32, #tpu.memory_space<vmem>>
      %dma_start3A_59 = tpu.memref_slice %arg2[%add3A_51] : memref<65536xi32, #tpu.memory_space<hbm>> -> memref<64xi32, #tpu.memory_space<hbm>>
      tpu.enqueue_dma source(%dma_start3A_59 : memref<64xi32, #tpu.memory_space<hbm>>) target(%dma_start3A_58 : memref<64xi32, #tpu.memory_space<vmem>>) target_semaphore(%arg14 : memref<!tpu.dma_semaphore, #tpu.memory_space<semaphore_mem>>)
    }
    %scan3A_9 = arith.constant 32 : i32
    %scan3A_10 = arith.constant 0 : i32
    %scan3A_11 = arith.constant 32 : i32
    %scan3A_12 = arith.addi %scan3A_10, %scan3A_11 : i32
    %scan3A_13 = arith.constant 1 : i32
    scf.for %scan3A_44 = %scan3A_10 to %scan3A_12 step %scan3A_13  : i32 {
      %mul3A_45 = arith.constant 1 : i32
      %mul3A_46 = arith.muli %scan3A_44, %mul3A_45 : i32
      %add3A_47 = arith.constant 0 : i32
      %add3A_48 = arith.addi %add3A_47, %mul3A_46 : i32
      %dma_wait3A_49 = arith.constant 0 : i32
      %dma_wait3A_50 = tpu.memref_slice %arg6[%add3A_48, %dma_wait3A_49] : memref<32x64xi32, #tpu.memory_space<vmem>> -> memref<1x64xi32, #tpu.memory_space<vmem>>
      %dma_wait3A_51 = tpu.memref_squeeze %dma_wait3A_50 : memref<1x64xi32, #tpu.memory_space<vmem>> -> memref<64xi32, #tpu.memory_space<vmem>>
      %dma_wait3A_52 = arith.constant 0 : i32
      %dma_wait3A_53 = tpu.memref_slice %arg2[%dma_wait3A_52] : memref<65536xi32, #tpu.memory_space<hbm>> -> memref<64xi32, #tpu.memory_space<hbm>>
      %dma_wait3A_54 = arith.constant 0 : i32
      %dma_wait3A_55 = tpu.memref_slice %arg6[%add3A_48, %dma_wait3A_54] : memref<32x64xi32, #tpu.memory_space<vmem>> -> memref<1x64xi32, #tpu.memory_space<vmem>>
      %dma_wait3A_56 = tpu.memref_squeeze %dma_wait3A_55 : memref<1x64xi32, #tpu.memory_space<vmem>> -> memref<64xi32, #tpu.memory_space<vmem>>
      %dma_wait3A_57 = arith.constant 0 : i32
      %dma_wait3A_58 = tpu.memref_slice %arg2[%dma_wait3A_57] : memref<65536xi32, #tpu.memory_space<hbm>> -> memref<64xi32, #tpu.memory_space<hbm>>
      tpu.wait_dma2 semaphore(%arg14 : memref<!tpu.dma_semaphore, #tpu.memory_space<semaphore_mem>>) src(%dma_wait3A_58 : memref<64xi32, #tpu.memory_space<hbm>>) dst(%dma_wait3A_56 : memref<64xi32, #tpu.memory_space<vmem>>)
    }
    %scan3A_14 = arith.constant 32 : i32
    %dma_start3A_15 = arith.constant 0 : i32
    %dma_start3A_16 = arith.constant 0 : i32
    %dma_start3A_17 = tpu.memref_slice %arg6[%dma_start3A_15, %dma_start3A_16] : memref<32x64xi32, #tpu.memory_space<vmem>> -> memref<1x64xi32, #tpu.memory_space<vmem>>
    %dma_start3A_18 = tpu.memref_squeeze %dma_start3A_17 : memref<1x64xi32, #tpu.memory_space<vmem>> -> memref<64xi32, #tpu.memory_space<vmem>>
    %dma_start3A_19 = arith.constant 0 : i32
    %dma_start3A_20 = arith.constant 0 : i32
    %dma_start3A_21 = tpu.memref_slice %arg4[%dma_start3A_19, %dma_start3A_20] : memref<100000x512xf32, #tpu.memory_space<hbm>> -> memref<100000x512xf32, #tpu.memory_space<hbm>>
    tpu.enqueue_indirect_dma source(%dma_start3A_21 : memref<100000x512xf32, #tpu.memory_space<hbm>>) target(%arg8 : memref<64x512xf32, #tpu.memory_space<vmem>>) offsets(%dma_start3A_18 : memref<64xi32, #tpu.memory_space<vmem>>) semaphore(%arg10 : memref<!tpu.dma_semaphore, #tpu.memory_space<semaphore_mem>>)
    %dma_wait3A = arith.constant 0 : i32
    %dma_wait3A_22 = arith.constant 0 : i32
    %dma_wait3A_23 = tpu.memref_slice %arg3[%dma_wait3A, %dma_wait3A_22] : memref<2048x512xf32, #tpu.memory_space<hbm>> -> memref<64x512xf32, #tpu.memory_space<hbm>>
    %dma_wait3A_24 = arith.constant 0 : i32
    %dma_wait3A_25 = arith.constant 0 : i32
    %dma_wait3A_26 = tpu.memref_slice %arg3[%dma_wait3A_24, %dma_wait3A_25] : memref<2048x512xf32, #tpu.memory_space<hbm>> -> memref<64x512xf32, #tpu.memory_space<hbm>>
    tpu.wait_dma2 semaphore(%arg15 : memref<!tpu.dma_semaphore, #tpu.memory_space<semaphore_mem>>) src(%dma_wait3A_26 : memref<64x512xf32, #tpu.memory_space<hbm>>) dst(%arg7 : memref<64x512xf32, #tpu.memory_space<vmem>>)
    %scan3A_27 = arith.constant 0 : i32
    %scan3A_28 = arith.constant 16 : i32
    %scan3A_29 = arith.addi %scan3A_27, %scan3A_28 : i32
    %scan3A_30 = arith.constant 1 : i32
    scf.for %scan3A_44 = %scan3A_27 to %scan3A_29 step %scan3A_30  : i32 {
      %mul3A_45 = arith.constant 2 : i32
      %mul3A_46 = arith.muli %scan3A_44, %mul3A_45 : i32
      %add3A_47 = arith.constant 0 : i32
      %add3A_48 = arith.addi %add3A_47, %mul3A_46 : i32
      %add3A_49 = arith.constant 0 : i32
      %add3A_50 = arith.addi %add3A_48, %add3A_49 : i32
      %dma_wait3A_51 = arith.constant 0 : i32
      %dma_wait3A_52 = arith.constant 0 : i32
      %dma_wait3A_53 = tpu.memref_slice %arg5[%dma_wait3A_51, %dma_wait3A_52] : memref<65536x512xf32, #tpu.memory_space<hbm>> -> memref<64x512xf32, #tpu.memory_space<hbm>>
      %dma_wait3A_54 = arith.constant 0 : i32
      %dma_wait3A_55 = arith.constant 0 : i32
      %dma_wait3A_56 = tpu.memref_slice %arg5[%dma_wait3A_54, %dma_wait3A_55] : memref<65536x512xf32, #tpu.memory_space<hbm>> -> memref<64x512xf32, #tpu.memory_space<hbm>>
      tpu.wait_dma2 semaphore(%arg10 : memref<!tpu.dma_semaphore, #tpu.memory_space<semaphore_mem>>) src(%dma_wait3A_56 : memref<64x512xf32, #tpu.memory_space<hbm>>) dst(%arg8 : memref<64x512xf32, #tpu.memory_space<vmem>>)
      %jit3A = arith.constant 1 : i32
      %eq3A = arith.constant 0 : i32
      %eq3A_57 = arith.cmpi eq, %jit3A, %eq3A : i32
      %jit3A_58 = arith.constant 1 : i32
      %select_n3A = arith.select %eq3A_57, %jit3A_58, %jit3A : i32
      %rem3A = arith.remsi %add3A_50, %select_n3A : i32
      %ne3A = arith.constant 0 : i32
      %ne3A_59 = arith.cmpi ne, %rem3A, %ne3A : i32
      %lt3A = arith.constant 0 : i32
      %lt3A_60 = arith.cmpi slt, %rem3A, %lt3A : i32
      %lt3A_61 = arith.constant 0 : i32
      %lt3A_62 = arith.cmpi slt, %select_n3A, %lt3A_61 : i32
      %ne3A_63 = arith.xori %lt3A_60, %lt3A_62 : i1
      %and3A = arith.andi %ne3A_63, %ne3A_59 : i1
      %add3A_64 = arith.addi %rem3A, %select_n3A : i32
      %select_n3A_65 = arith.select %and3A, %add3A_64, %rem3A : i32
      %mul3A_66 = arith.constant 64 : i32
      %mul3A_67 = arith.muli %select_n3A_65, %mul3A_66 : i32
      %add3A_68 = arith.constant 1 : i32
      %add3A_69 = arith.addi %add3A_50, %add3A_68 : i32
      %lt3A_70 = arith.constant 32 : i32
      %lt3A_71 = arith.cmpi slt, %add3A_69, %lt3A_70 : i32
      %convert_element_type3A = arith.extui %lt3A_71 : i1 to i32
      %cond3A = arith.constant 0 : i32
      %cond3A_72 = arith.cmpi ne, %convert_element_type3A, %cond3A : i32
      scf.if %cond3A_72 {
        %ge3A = arith.constant 1 : i32
        %ge3A_208 = arith.cmpi sge, %add3A_50, %ge3A : i32
        %convert_element_type3A_209 = arith.extui %ge3A_208 : i1 to i32
        %cond3A_210 = arith.constant 0 : i32
        %cond3A_211 = arith.cmpi ne, %convert_element_type3A_209, %cond3A_210 : i32
        scf.if %cond3A_211 {
          %dma_wait3A_261 = arith.constant 0 : i32
          %dma_wait3A_262 = arith.constant 0 : i32
          %dma_wait3A_263 = tpu.memref_slice %arg5[%dma_wait3A_261, %dma_wait3A_262] : memref<65536x512xf32, #tpu.memory_space<hbm>> -> memref<64x512xf32, #tpu.memory_space<hbm>>
          %dma_wait3A_264 = arith.constant 0 : i32
          %dma_wait3A_265 = arith.constant 0 : i32
          %dma_wait3A_266 = tpu.memref_slice %arg5[%dma_wait3A_264, %dma_wait3A_265] : memref<65536x512xf32, #tpu.memory_space<hbm>> -> memref<64x512xf32, #tpu.memory_space<hbm>>
          tpu.wait_dma2 semaphore(%arg13 : memref<!tpu.dma_semaphore, #tpu.memory_space<semaphore_mem>>) src(%dma_wait3A_266 : memref<64x512xf32, #tpu.memory_space<hbm>>) dst(%arg9 : memref<64x512xf32, #tpu.memory_space<vmem>>)
        } else {
        }
        %add3A_212 = arith.constant 1 : i32
        %add3A_213 = arith.addi %add3A_50, %add3A_212 : i32
        %jit3A_214 = arith.constant 1 : i32
        %div3A_215 = arith.divsi %add3A_213, %jit3A_214 : i32
        %sign3A_216 = arith.constant 0 : i32
        %sign3A_217 = arith.cmpi sgt, %add3A_213, %sign3A_216 : i32
        %sign3A_218 = arith.extui %sign3A_217 : i1 to i32
        %sign3A_219 = arith.constant 0 : i32
        %sign3A_220 = arith.cmpi slt, %add3A_213, %sign3A_219 : i32
        %sign3A_221 = arith.extui %sign3A_220 : i1 to i32
        %sign3A_222 = arith.subi %sign3A_218, %sign3A_221 : i32
        %sign3A_223 = arith.constant 0 : i32
        %sign3A_224 = arith.cmpi sgt, %jit3A_214, %sign3A_223 : i32
        %sign3A_225 = arith.extui %sign3A_224 : i1 to i32
        %sign3A_226 = arith.constant 0 : i32
        %sign3A_227 = arith.cmpi slt, %jit3A_214, %sign3A_226 : i32
        %sign3A_228 = arith.extui %sign3A_227 : i1 to i32
        %sign3A_229 = arith.subi %sign3A_225, %sign3A_228 : i32
        %ne3A_230 = arith.cmpi ne, %sign3A_222, %sign3A_229 : i32
        %rem3A_231 = arith.remsi %add3A_213, %jit3A_214 : i32
        %ne3A_232 = arith.constant 0 : i32
        %ne3A_233 = arith.cmpi ne, %rem3A_231, %ne3A_232 : i32
        %and3A_234 = arith.andi %ne3A_230, %ne3A_233 : i1
        %sub3A_235 = arith.constant 1 : i32
        %sub3A_236 = arith.subi %div3A_215, %sub3A_235 : i32
        %select_n3A_237 = arith.select %and3A_234, %sub3A_236, %div3A_215 : i32
        %jit3A_238 = arith.constant 1 : i32
        %eq3A_239 = arith.constant 0 : i32
        %eq3A_240 = arith.cmpi eq, %jit3A_238, %eq3A_239 : i32
        %jit3A_241 = arith.constant 1 : i32
        %select_n3A_242 = arith.select %eq3A_240, %jit3A_241, %jit3A_238 : i32
        %rem3A_243 = arith.remsi %add3A_213, %select_n3A_242 : i32
        %ne3A_244 = arith.constant 0 : i32
        %ne3A_245 = arith.cmpi ne, %rem3A_243, %ne3A_244 : i32
        %lt3A_246 = arith.constant 0 : i32
        %lt3A_247 = arith.cmpi slt, %rem3A_243, %lt3A_246 : i32
        %lt3A_248 = arith.constant 0 : i32
        %lt3A_249 = arith.cmpi slt, %select_n3A_242, %lt3A_248 : i32
        %ne3A_250 = arith.xori %lt3A_247, %lt3A_249 : i1
        %and3A_251 = arith.andi %ne3A_250, %ne3A_245 : i1
        %add3A_252 = arith.addi %rem3A_243, %select_n3A_242 : i32
        %select_n3A_253 = arith.select %and3A_251, %add3A_252, %rem3A_243 : i32
        %mul3A_254 = arith.constant 64 : i32
        %mul3A_255 = arith.muli %select_n3A_253, %mul3A_254 : i32
        %dma_start3A_256 = tpu.memref_slice %arg6[%select_n3A_237, %mul3A_255] : memref<32x64xi32, #tpu.memory_space<vmem>> -> memref<1x64xi32, #tpu.memory_space<vmem>>
        %dma_start3A_257 = tpu.memref_squeeze %dma_start3A_256 : memref<1x64xi32, #tpu.memory_space<vmem>> -> memref<64xi32, #tpu.memory_space<vmem>>
        %dma_start3A_258 = arith.constant 0 : i32
        %dma_start3A_259 = arith.constant 0 : i32
        %dma_start3A_260 = tpu.memref_slice %arg4[%dma_start3A_258, %dma_start3A_259] : memref<100000x512xf32, #tpu.memory_space<hbm>> -> memref<100000x512xf32, #tpu.memory_space<hbm>>
        tpu.enqueue_indirect_dma source(%dma_start3A_260 : memref<100000x512xf32, #tpu.memory_space<hbm>>) target(%arg9 : memref<64x512xf32, #tpu.memory_space<vmem>>) offsets(%dma_start3A_257 : memref<64xi32, #tpu.memory_space<vmem>>) semaphore(%arg11 : memref<!tpu.dma_semaphore, #tpu.memory_space<semaphore_mem>>)
      } else {
      }
      %parallel_loop3A = arith.constant 0 : i32
      %parallel_loop3A_73 = arith.constant 64 : i32
      %parallel_loop3A_74 = arith.constant 1 : i32
      scf.for %parallel_loop3A_208 = %parallel_loop3A to %parallel_loop3A_73 step %parallel_loop3A_74  : i32 {
        %parallel_loop3A_209 = arith.addi %mul3A_67, %parallel_loop3A_208 : i32
        %parallel_loop3A_210 = arith.index_cast %parallel_loop3A_209 : i32 to index
        %parallel_loop3A_211 = arith.constant 0 : index
        %parallel_loop3A_212 = tpu.vector_load %arg7[%parallel_loop3A_210, %parallel_loop3A_211] {strides = array<i32>} : memref<64x512xf32, #tpu.memory_space<vmem>>, vector<1x16xf32>,
        %parallel_loop3A_213 = vector.shape_cast %parallel_loop3A_212 : vector<1x16xf32> to vector<16xf32>
        %parallel_loop3A_214 = arith.index_cast %parallel_loop3A_208 : i32 to index
        %parallel_loop3A_215 = arith.constant 0 : index
        %parallel_loop3A_216 = tpu.vector_load %arg8[%parallel_loop3A_214, %parallel_loop3A_215] {strides = array<i32>} : memref<64x512xf32, #tpu.memory_space<vmem>>, vector<1x16xf32>,
        %parallel_loop3A_217 = vector.shape_cast %parallel_loop3A_216 : vector<1x16xf32> to vector<16xf32>
        %parallel_loop3A_218 = vector.shape_cast %parallel_loop3A_213 : vector<16xf32> to vector<1x16xf32>
        tpu.vector_store %arg8[%parallel_loop3A_214, %parallel_loop3A_215], %parallel_loop3A_218 {add = true, strides = array<i32>} : memref<64x512xf32, #tpu.memory_space<vmem>>, vector<1x16xf32>,
        %parallel_loop3A_219 = arith.index_cast %parallel_loop3A_209 : i32 to index
        %parallel_loop3A_220 = arith.constant 16 : index
        %parallel_loop3A_221 = tpu.vector_load %arg7[%parallel_loop3A_219, %parallel_loop3A_220] {strides = array<i32>} : memref<64x512xf32, #tpu.memory_space<vmem>>, vector<1x16xf32>,
        %parallel_loop3A_222 = vector.shape_cast %parallel_loop3A_221 : vector<1x16xf32> to vector<16xf32>
        %parallel_loop3A_223 = arith.index_cast %parallel_loop3A_208 : i32 to index
        %parallel_loop3A_224 = arith.constant 16 : index
        %parallel_loop3A_225 = tpu.vector_load %arg8[%parallel_loop3A_223, %parallel_loop3A_224] {strides = array<i32>} : memref<64x512xf32, #tpu.memory_space<vmem>>, vector<1x16xf32>,
        %parallel_loop3A_226 = vector.shape_cast %parallel_loop3A_225 : vector<1x16xf32> to vector<16xf32>
        %parallel_loop3A_227 = vector.shape_cast %parallel_loop3A_222 : vector<16xf32> to vector<1x16xf32>
        tpu.vector_store %arg8[%parallel_loop3A_223, %parallel_loop3A_224], %parallel_loop3A_227 {add = true, strides = array<i32>} : memref<64x512xf32, #tpu.memory_space<vmem>>, vector<1x16xf32>,
        %parallel_loop3A_228 = arith.index_cast %parallel_loop3A_209 : i32 to index
        %parallel_loop3A_229 = arith.constant 32 : index
        %parallel_loop3A_230 = tpu.vector_load %arg7[%parallel_loop3A_228, %parallel_loop3A_229] {strides = array<i32>} : memref<64x512xf32, #tpu.memory_space<vmem>>, vector<1x16xf32>,
        %parallel_loop3A_231 = vector.shape_cast %parallel_loop3A_230 : vector<1x16xf32> to vector<16xf32>
        %parallel_loop3A_232 = arith.index_cast %parallel_loop3A_208 : i32 to index
        %parallel_loop3A_233 = arith.constant 32 : index
        %parallel_loop3A_234 = tpu.vector_load %arg8[%parallel_loop3A_232, %parallel_loop3A_233] {strides = array<i32>} : memref<64x512xf32, #tpu.memory_space<vmem>>, vector<1x16xf32>,
        %parallel_loop3A_235 = vector.shape_cast %parallel_loop3A_234 : vector<1x16xf32> to vector<16xf32>
        %parallel_loop3A_236 = vector.shape_cast %parallel_loop3A_231 : vector<16xf32> to vector<1x16xf32>
        tpu.vector_store %arg8[%parallel_loop3A_232, %parallel_loop3A_233], %parallel_loop3A_236 {add = true, strides = array<i32>} : memref<64x512xf32, #tpu.memory_space<vmem>>, vector<1x16xf32>,
        %parallel_loop3A_237 = arith.index_cast %parallel_loop3A_209 : i32 to index
        %parallel_loop3A_238 = arith.constant 48 : index
        %parallel_loop3A_239 = tpu.vector_load %arg7[%parallel_loop3A_237, %parallel_loop3A_238] {strides = array<i32>} : memref<64x512xf32, #tpu.memory_space<vmem>>, vector<1x16xf32>,
        %parallel_loop3A_240 = vector.shape_cast %parallel_loop3A_239 : vector<1x16xf32> to vector<16xf32>
        %parallel_loop3A_241 = arith.index_cast %parallel_loop3A_208 : i32 to index
        %parallel_loop3A_242 = arith.constant 48 : index
        %parallel_loop3A_243 = tpu.vector_load %arg8[%parallel_loop3A_241, %parallel_loop3A_242] {strides = array<i32>} : memref<64x512xf32, #tpu.memory_space<vmem>>, vector<1x16xf32>,
        %parallel_loop3A_244 = vector.shape_cast %parallel_loop3A_243 : vector<1x16xf32> to vector<16xf32>
        %parallel_loop3A_245 = vector.shape_cast %parallel_loop3A_240 : vector<16xf32> to vector<1x16xf32>
        tpu.vector_store %arg8[%parallel_loop3A_241, %parallel_loop3A_242], %parallel_loop3A_245 {add = true, strides = array<i32>} : memref<64x512xf32, #tpu.memory_space<vmem>>, vector<1x16xf32>,
        %parallel_loop3A_246 = arith.index_cast %parallel_loop3A_209 : i32 to index
        %parallel_loop3A_247 = arith.constant 64 : index
        %parallel_loop3A_248 = tpu.vector_load %arg7[%parallel_loop3A_246, %parallel_loop3A_247] {strides = array<i32>} : memref<64x512xf32, #tpu.memory_space<vmem>>, vector<1x16xf32>,
        %parallel_loop3A_249 = vector.shape_cast %parallel_loop3A_248 : vector<1x16xf32> to vector<16xf32>
        %parallel_loop3A_250 = arith.index_cast %parallel_loop3A_208 : i32 to index
        %parallel_loop3A_251 = arith.constant 64 : index
        %parallel_loop3A_252 = tpu.vector_load %arg8[%parallel_loop3A_250, %parallel_loop3A_251] {strides = array<i32>} : memref<64x512xf32, #tpu.memory_space<vmem>>, vector<1x16xf32>,
        %parallel_loop3A_253 = vector.shape_cast %parallel_loop3A_252 : vector<1x16xf32> to vector<16xf32>
        %parallel_loop3A_254 = vector.shape_cast %parallel_loop3A_249 : vector<16xf32> to vector<1x16xf32>
        tpu.vector_store %arg8[%parallel_loop3A_250, %parallel_loop3A_251], %parallel_loop3A_254 {add = true, strides = array<i32>} : memref<64x512xf32, #tpu.memory_space<vmem>>, vector<1x16xf32>,
        %parallel_loop3A_255 = arith.index_cast %parallel_loop3A_209 : i32 to index
        %parallel_loop3A_256 = arith.constant 80 : index
        %parallel_loop3A_257 = tpu.vector_load %arg7[%parallel_loop3A_255, %parallel_loop3A_256] {strides = array<i32>} : memref<64x512xf32, #tpu.memory_space<vmem>>, vector<1x16xf32>,
        %parallel_loop3A_258 = vector.shape_cast %parallel_loop3A_257 : vector<1x16xf32> to vector<16xf32>
        %parallel_loop3A_259 = arith.index_cast %parallel_loop3A_208 : i32 to index
        %parallel_loop3A_260 = arith.constant 80 : index
        %parallel_loop3A_261 = tpu.vector_load %arg8[%parallel_loop3A_259, %parallel_loop3A_260] {strides = array<i32>} : memref<64x512xf32, #tpu.memory_space<vmem>>, vector<1x16xf32>,
        %parallel_loop3A_262 = vector.shape_cast %parallel_loop3A_261 : vector<1x16xf32> to vector<16xf32>
        %parallel_loop3A_263 = vector.shape_cast %parallel_loop3A_258 : vector<16xf32> to vector<1x16xf32>
        tpu.vector_store %arg8[%parallel_loop3A_259, %parallel_loop3A_260], %parallel_loop3A_263 {add = true, strides = array<i32>} : memref<64x512xf32, #tpu.memory_space<vmem>>, vector<1x16xf32>,
        %parallel_loop3A_264 = arith.index_cast %parallel_loop3A_209 : i32 to index
        %parallel_loop3A_265 = arith.constant 96 : index
        %parallel_loop3A_266 = tpu.vector_load %arg7[%parallel_loop3A_264, %parallel_loop3A_265] {strides = array<i32>} : memref<64x512xf32, #tpu.memory_space<vmem>>, vector<1x16xf32>,
        %parallel_loop3A_267 = vector.shape_cast %parallel_loop3A_266 : vector<1x16xf32> to vector<16xf32>
        %parallel_loop3A_268 = arith.index_cast %parallel_loop3A_208 : i32 to index
        %parallel_loop3A_269 = arith.constant 96 : index
        %parallel_loop3A_270 = tpu.vector_load %arg8[%parallel_loop3A_268, %parallel_loop3A_269] {strides = array<i32>} : memref<64x512xf32, #tpu.memory_space<vmem>>, vector<1x16xf32>,
        %parallel_loop3A_271 = vector.shape_cast %parallel_loop3A_270 : vector<1x16xf32> to vector<16xf32>
        %parallel_loop3A_272 = vector.shape_cast %parallel_loop3A_267 : vector<16xf32> to vector<1x16xf32>
        tpu.vector_store %arg8[%parallel_loop3A_268, %parallel_loop3A_269], %parallel_loop3A_272 {add = true, strides = array<i32>} : memref<64x512xf32, #tpu.memory_space<vmem>>, vector<1x16xf32>,
        %parallel_loop3A_273 = arith.index_cast %parallel_loop3A_209 : i32 to index
        %parallel_loop3A_274 = arith.constant 112 : index
        %parallel_loop3A_275 = tpu.vector_load %arg7[%parallel_loop3A_273, %parallel_loop3A_274] {strides = array<i32>} : memref<64x512xf32, #tpu.memory_space<vmem>>, vector<1x16xf32>,
        %parallel_loop3A_276 = vector.shape_cast %parallel_loop3A_275 : vector<1x16xf32> to vector<16xf32>
        %parallel_loop3A_277 = arith.index_cast %parallel_loop3A_208 : i32 to index
        %parallel_loop3A_278 = arith.constant 112 : index
        %parallel_loop3A_279 = tpu.vector_load %arg8[%parallel_loop3A_277, %parallel_loop3A_278] {strides = array<i32>} : memref<64x512xf32, #tpu.memory_space<vmem>>, vector<1x16xf32>,
        %parallel_loop3A_280 = vector.shape_cast %parallel_loop3A_279 : vector<1x16xf32> to vector<16xf32>
        %parallel_loop3A_281 = vector.shape_cast %parallel_loop3A_276 : vector<16xf32> to vector<1x16xf32>
        tpu.vector_store %arg8[%parallel_loop3A_277, %parallel_loop3A_278], %parallel_loop3A_281 {add = true, strides = array<i32>} : memref<64x512xf32, #tpu.memory_space<vmem>>, vector<1x16xf32>,
        %parallel_loop3A_282 = arith.index_cast %parallel_loop3A_209 : i32 to index
        %parallel_loop3A_283 = arith.constant 128 : index
        %parallel_loop3A_284 = tpu.vector_load %arg7[%parallel_loop3A_282, %parallel_loop3A_283] {strides = array<i32>} : memref<64x512xf32, #tpu.memory_space<vmem>>, vector<1x16xf32>,
        %parallel_loop3A_285 = vector.shape_cast %parallel_loop3A_284 : vector<1x16xf32> to vector<16xf32>
        %parallel_loop3A_286 = arith.index_cast %parallel_loop3A_208 : i32 to index
        %parallel_loop3A_287 = arith.constant 128 : index
        %parallel_loop3A_288 = tpu.vector_load %arg8[%parallel_loop3A_286, %parallel_loop3A_287] {strides = array<i32>} : memref<64x512xf32, #tpu.memory_space<vmem>>, vector<1x16xf32>,
        %parallel_loop3A_289 = vector.shape_cast %parallel_loop3A_288 : vector<1x16xf32> to vector<16xf32>
        %parallel_loop3A_290 = vector.shape_cast %parallel_loop3A_285 : vector<16xf32> to vector<1x16xf32>
        tpu.vector_store %arg8[%parallel_loop3A_286, %parallel_loop3A_287], %parallel_loop3A_290 {add = true, strides = array<i32>} : memref<64x512xf32, #tpu.memory_space<vmem>>, vector<1x16xf32>,
        %parallel_loop3A_291 = arith.index_cast %parallel_loop3A_209 : i32 to index
        %parallel_loop3A_292 = arith.constant 144 : index
        %parallel_loop3A_293 = tpu.vector_load %arg7[%parallel_loop3A_291, %parallel_loop3A_292] {strides = array<i32>} : memref<64x512xf32, #tpu.memory_space<vmem>>, vector<1x16xf32>,
        %parallel_loop3A_294 = vector.shape_cast %parallel_loop3A_293 : vector<1x16xf32> to vector<16xf32>
        %parallel_loop3A_295 = arith.index_cast %parallel_loop3A_208 : i32 to index
        %parallel_loop3A_296 = arith.constant 144 : index
        %parallel_loop3A_297 = tpu.vector_load %arg8[%parallel_loop3A_295, %parallel_loop3A_296] {strides = array<i32>} : memref<64x512xf32, #tpu.memory_space<vmem>>, vector<1x16xf32>,
        %parallel_loop3A_298 = vector.shape_cast %parallel_loop3A_297 : vector<1x16xf32> to vector<16xf32>
        %parallel_loop3A_299 = vector.shape_cast %parallel_loop3A_294 : vector<16xf32> to vector<1x16xf32>
        tpu.vector_store %arg8[%parallel_loop3A_295, %parallel_loop3A_296], %parallel_loop3A_299 {add = true, strides = array<i32>} : memref<64x512xf32, #tpu.memory_space<vmem>>, vector<1x16xf32>,
        %parallel_loop3A_300 = arith.index_cast %parallel_loop3A_209 : i32 to index
        %parallel_loop3A_301 = arith.constant 160 : index
        %parallel_loop3A_302 = tpu.vector_load %arg7[%parallel_loop3A_300, %parallel_loop3A_301] {strides = array<i32>} : memref<64x512xf32, #tpu.memory_space<vmem>>, vector<1x16xf32>,
        %parallel_loop3A_303 = vector.shape_cast %parallel_loop3A_302 : vector<1x16xf32> to vector<16xf32>
        %parallel_loop3A_304 = arith.index_cast %parallel_loop3A_208 : i32 to index
        %parallel_loop3A_305 = arith.constant 160 : index
        %parallel_loop3A_306 = tpu.vector_load %arg8[%parallel_loop3A_304, %parallel_loop3A_305] {strides = array<i32>} : memref<64x512xf32, #tpu.memory_space<vmem>>, vector<1x16xf32>,
        %parallel_loop3A_307 = vector.shape_cast %parallel_loop3A_306 : vector<1x16xf32> to vector<16xf32>
        %parallel_loop3A_308 = vector.shape_cast %parallel_loop3A_303 : vector<16xf32> to vector<1x16xf32>
        tpu.vector_store %arg8[%parallel_loop3A_304, %parallel_loop3A_305], %parallel_loop3A_308 {add = true, strides = array<i32>} : memref<64x512xf32, #tpu.memory_space<vmem>>, vector<1x16xf32>,
        %parallel_loop3A_309 = arith.index_cast %parallel_loop3A_209 : i32 to index
        %parallel_loop3A_310 = arith.constant 176 : index
        %parallel_loop3A_311 = tpu.vector_load %arg7[%parallel_loop3A_309, %parallel_loop3A_310] {strides = array<i32>} : memref<64x512xf32, #tpu.memory_space<vmem>>, vector<1x16xf32>,
        %parallel_loop3A_312 = vector.shape_cast %parallel_loop3A_311 : vector<1x16xf32> to vector<16xf32>
        %parallel_loop3A_313 = arith.index_cast %parallel_loop3A_208 : i32 to index
        %parallel_loop3A_314 = arith.constant 176 : index
        %parallel_loop3A_315 = tpu.vector_load %arg8[%parallel_loop3A_313, %parallel_loop3A_314] {strides = array<i32>} : memref<64x512xf32, #tpu.memory_space<vmem>>, vector<1x16xf32>,
        %parallel_loop3A_316 = vector.shape_cast %parallel_loop3A_315 : vector<1x16xf32> to vector<16xf32>
        %parallel_loop3A_317 = vector.shape_cast %parallel_loop3A_312 : vector<16xf32> to vector<1x16xf32>
        tpu.vector_store %arg8[%parallel_loop3A_313, %parallel_loop3A_314], %parallel_loop3A_317 {add = true, strides = array<i32>} : memref<64x512xf32, #tpu.memory_space<vmem>>, vector<1x16xf32>,
        %parallel_loop3A_318 = arith.index_cast %parallel_loop3A_209 : i32 to index
        %parallel_loop3A_319 = arith.constant 192 : index
        %parallel_loop3A_320 = tpu.vector_load %arg7[%parallel_loop3A_318, %parallel_loop3A_319] {strides = array<i32>} : memref<64x512xf32, #tpu.memory_space<vmem>>, vector<1x16xf32>,
        %parallel_loop3A_321 = vector.shape_cast %parallel_loop3A_320 : vector<1x16xf32> to vector<16xf32>
        %parallel_loop3A_322 = arith.index_cast %parallel_loop3A_208 : i32 to index
        %parallel_loop3A_323 = arith.constant 192 : index
        %parallel_loop3A_324 = tpu.vector_load %arg8[%parallel_loop3A_322, %parallel_loop3A_323] {strides = array<i32>} : memref<64x512xf32, #tpu.memory_space<vmem>>, vector<1x16xf32>,
        %parallel_loop3A_325 = vector.shape_cast %parallel_loop3A_324 : vector<1x16xf32> to vector<16xf32>
        %parallel_loop3A_326 = vector.shape_cast %parallel_loop3A_321 : vector<16xf32> to vector<1x16xf32>
        tpu.vector_store %arg8[%parallel_loop3A_322, %parallel_loop3A_323], %parallel_loop3A_326 {add = true, strides = array<i32>} : memref<64x512xf32, #tpu.memory_space<vmem>>, vector<1x16xf32>,
        %parallel_loop3A_327 = arith.index_cast %parallel_loop3A_209 : i32 to index
        %parallel_loop3A_328 = arith.constant 208 : index
        %parallel_loop3A_329 = tpu.vector_load %arg7[%parallel_loop3A_327, %parallel_loop3A_328] {strides = array<i32>} : memref<64x512xf32, #tpu.memory_space<vmem>>, vector<1x16xf32>,
        %parallel_loop3A_330 = vector.shape_cast %parallel_loop3A_329 : vector<1x16xf32> to vector<16xf32>
        %parallel_loop3A_331 = arith.index_cast %parallel_loop3A_208 : i32 to index
        %parallel_loop3A_332 = arith.constant 208 : index
        %parallel_loop3A_333 = tpu.vector_load %arg8[%parallel_loop3A_331, %parallel_loop3A_332] {strides = array<i32>} : memref<64x512xf32, #tpu.memory_space<vmem>>, vector<1x16xf32>,
        %parallel_loop3A_334 = vector.shape_cast %parallel_loop3A_333 : vector<1x16xf32> to vector<16xf32>
        %parallel_loop3A_335 = vector.shape_cast %parallel_loop3A_330 : vector<16xf32> to vector<1x16xf32>
        tpu.vector_store %arg8[%parallel_loop3A_331, %parallel_loop3A_332], %parallel_loop3A_335 {add = true, strides = array<i32>} : memref<64x512xf32, #tpu.memory_space<vmem>>, vector<1x16xf32>,
        %parallel_loop3A_336 = arith.index_cast %parallel_loop3A_209 : i32 to index
        %parallel_loop3A_337 = arith.constant 224 : index
        %parallel_loop3A_338 = tpu.vector_load %arg7[%parallel_loop3A_336, %parallel_loop3A_337] {strides = array<i32>} : memref<64x512xf32, #tpu.memory_space<vmem>>, vector<1x16xf32>,
        %parallel_loop3A_339 = vector.shape_cast %parallel_loop3A_338 : vector<1x16xf32> to vector<16xf32>
        %parallel_loop3A_340 = arith.index_cast %parallel_loop3A_208 : i32 to index
        %parallel_loop3A_341 = arith.constant 224 : index
        %parallel_loop3A_342 = tpu.vector_load %arg8[%parallel_loop3A_340, %parallel_loop3A_341] {strides = array<i32>} : memref<64x512xf32, #tpu.memory_space<vmem>>, vector<1x16xf32>,
        %parallel_loop3A_343 = vector.shape_cast %parallel_loop3A_342 : vector<1x16xf32> to vector<16xf32>
        %parallel_loop3A_344 = vector.shape_cast %parallel_loop3A_339 : vector<16xf32> to vector<1x16xf32>
        tpu.vector_store %arg8[%parallel_loop3A_340, %parallel_loop3A_341], %parallel_loop3A_344 {add = true, strides = array<i32>} : memref<64x512xf32, #tpu.memory_space<vmem>>, vector<1x16xf32>,
        %parallel_loop3A_345 = arith.index_cast %parallel_loop3A_209 : i32 to index
        %parallel_loop3A_346 = arith.constant 240 : index
        %parallel_loop3A_347 = tpu.vector_load %arg7[%parallel_loop3A_345, %parallel_loop3A_346] {strides = array<i32>} : memref<64x512xf32, #tpu.memory_space<vmem>>, vector<1x16xf32>,
        %parallel_loop3A_348 = vector.shape_cast %parallel_loop3A_347 : vector<1x16xf32> to vector<16xf32>
        %parallel_loop3A_349 = arith.index_cast %parallel_loop3A_208 : i32 to index
        %parallel_loop3A_350 = arith.constant 240 : index
        %parallel_loop3A_351 = tpu.vector_load %arg8[%parallel_loop3A_349, %parallel_loop3A_350] {strides = array<i32>} : memref<64x512xf32, #tpu.memory_space<vmem>>, vector<1x16xf32>,
        %parallel_loop3A_352 = vector.shape_cast %parallel_loop3A_351 : vector<1x16xf32> to vector<16xf32>
        %parallel_loop3A_353 = vector.shape_cast %parallel_loop3A_348 : vector<16xf32> to vector<1x16xf32>
        tpu.vector_store %arg8[%parallel_loop3A_349, %parallel_loop3A_350], %parallel_loop3A_353 {add = true, strides = array<i32>} : memref<64x512xf32, #tpu.memory_space<vmem>>, vector<1x16xf32>,
        %parallel_loop3A_354 = arith.index_cast %parallel_loop3A_209 : i32 to index
        %parallel_loop3A_355 = arith.constant 256 : index
        %parallel_loop3A_356 = tpu.vector_load %arg7[%parallel_loop3A_354, %parallel_loop3A_355] {strides = array<i32>} : memref<64x512xf32, #tpu.memory_space<vmem>>, vector<1x16xf32>,
        %parallel_loop3A_357 = vector.shape_cast %parallel_loop3A_356 : vector<1x16xf32> to vector<16xf32>
        %parallel_loop3A_358 = arith.index_cast %parallel_loop3A_208 : i32 to index
        %parallel_loop3A_359 = arith.constant 256 : index
        %parallel_loop3A_360 = tpu.vector_load %arg8[%parallel_loop3A_358, %parallel_loop3A_359] {strides = array<i32>} : memref<64x512xf32, #tpu.memory_space<vmem>>, vector<1x16xf32>,
        %parallel_loop3A_361 = vector.shape_cast %parallel_loop3A_360 : vector<1x16xf32> to vector<16xf32>
        %parallel_loop3A_362 = vector.shape_cast %parallel_loop3A_357 : vector<16xf32> to vector<1x16xf32>
        tpu.vector_store %arg8[%parallel_loop3A_358, %parallel_loop3A_359], %parallel_loop3A_362 {add = true, strides = array<i32>} : memref<64x512xf32, #tpu.memory_space<vmem>>, vector<1x16xf32>,
        %parallel_loop3A_363 = arith.index_cast %parallel_loop3A_209 : i32 to index
        %parallel_loop3A_364 = arith.constant 272 : index
        %parallel_loop3A_365 = tpu.vector_load %arg7[%parallel_loop3A_363, %parallel_loop3A_364] {strides = array<i32>} : memref<64x512xf32, #tpu.memory_space<vmem>>, vector<1x16xf32>,
        %parallel_loop3A_366 = vector.shape_cast %parallel_loop3A_365 : vector<1x16xf32> to vector<16xf32>
        %parallel_loop3A_367 = arith.index_cast %parallel_loop3A_208 : i32 to index
        %parallel_loop3A_368 = arith.constant 272 : index
        %parallel_loop3A_369 = tpu.vector_load %arg8[%parallel_loop3A_367, %parallel_loop3A_368] {strides = array<i32>} : memref<64x512xf32, #tpu.memory_space<vmem>>, vector<1x16xf32>,
        %parallel_loop3A_370 = vector.shape_cast %parallel_loop3A_369 : vector<1x16xf32> to vector<16xf32>
        %parallel_loop3A_371 = vector.shape_cast %parallel_loop3A_366 : vector<16xf32> to vector<1x16xf32>
        tpu.vector_store %arg8[%parallel_loop3A_367, %parallel_loop3A_368], %parallel_loop3A_371 {add = true, strides = array<i32>} : memref<64x512xf32, #tpu.memory_space<vmem>>, vector<1x16xf32>,
        %parallel_loop3A_372 = arith.index_cast %parallel_loop3A_209 : i32 to index
        %parallel_loop3A_373 = arith.constant 288 : index
        %parallel_loop3A_374 = tpu.vector_load %arg7[%parallel_loop3A_372, %parallel_loop3A_373] {strides = array<i32>} : memref<64x512xf32, #tpu.memory_space<vmem>>, vector<1x16xf32>,
        %parallel_loop3A_375 = vector.shape_cast %parallel_loop3A_374 : vector<1x16xf32> to vector<16xf32>
        %parallel_loop3A_376 = arith.index_cast %parallel_loop3A_208 : i32 to index
        %parallel_loop3A_377 = arith.constant 288 : index
        %parallel_loop3A_378 = tpu.vector_load %arg8[%parallel_loop3A_376, %parallel_loop3A_377] {strides = array<i32>} : memref<64x512xf32, #tpu.memory_space<vmem>>, vector<1x16xf32>,
        %parallel_loop3A_379 = vector.shape_cast %parallel_loop3A_378 : vector<1x16xf32> to vector<16xf32>
        %parallel_loop3A_380 = vector.shape_cast %parallel_loop3A_375 : vector<16xf32> to vector<1x16xf32>
        tpu.vector_store %arg8[%parallel_loop3A_376, %parallel_loop3A_377], %parallel_loop3A_380 {add = true, strides = array<i32>} : memref<64x512xf32, #tpu.memory_space<vmem>>, vector<1x16xf32>,
        %parallel_loop3A_381 = arith.index_cast %parallel_loop3A_209 : i32 to index
        %parallel_loop3A_382 = arith.constant 304 : index
        %parallel_loop3A_383 = tpu.vector_load %arg7[%parallel_loop3A_381, %parallel_loop3A_382] {strides = array<i32>} : memref<64x512xf32, #tpu.memory_space<vmem>>, vector<1x16xf32>,
        %parallel_loop3A_384 = vector.shape_cast %parallel_loop3A_383 : vector<1x16xf32> to vector<16xf32>
        %parallel_loop3A_385 = arith.index_cast %parallel_loop3A_208 : i32 to index
        %parallel_loop3A_386 = arith.constant 304 : index
        %parallel_loop3A_387 = tpu.vector_load %arg8[%parallel_loop3A_385, %parallel_loop3A_386] {strides = array<i32>} : memref<64x512xf32, #tpu.memory_space<vmem>>, vector<1x16xf32>,
        %parallel_loop3A_388 = vector.shape_cast %parallel_loop3A_387 : vector<1x16xf32> to vector<16xf32>
        %parallel_loop3A_389 = vector.shape_cast %parallel_loop3A_384 : vector<16xf32> to vector<1x16xf32>
        tpu.vector_store %arg8[%parallel_loop3A_385, %parallel_loop3A_386], %parallel_loop3A_389 {add = true, strides = array<i32>} : memref<64x512xf32, #tpu.memory_space<vmem>>, vector<1x16xf32>,
        %parallel_loop3A_390 = arith.index_cast %parallel_loop3A_209 : i32 to index
        %parallel_loop3A_391 = arith.constant 320 : index
        %parallel_loop3A_392 = tpu.vector_load %arg7[%parallel_loop3A_390, %parallel_loop3A_391] {strides = array<i32>} : memref<64x512xf32, #tpu.memory_space<vmem>>, vector<1x16xf32>,
        %parallel_loop3A_393 = vector.shape_cast %parallel_loop3A_392 : vector<1x16xf32> to vector<16xf32>
        %parallel_loop3A_394 = arith.index_cast %parallel_loop3A_208 : i32 to index
        %parallel_loop3A_395 = arith.constant 320 : index
        %parallel_loop3A_396 = tpu.vector_load %arg8[%parallel_loop3A_394, %parallel_loop3A_395] {strides = array<i32>} : memref<64x512xf32, #tpu.memory_space<vmem>>, vector<1x16xf32>,
        %parallel_loop3A_397 = vector.shape_cast %parallel_loop3A_396 : vector<1x16xf32> to vector<16xf32>
        %parallel_loop3A_398 = vector.shape_cast %parallel_loop3A_393 : vector<16xf32> to vector<1x16xf32>
        tpu.vector_store %arg8[%parallel_loop3A_394, %parallel_loop3A_395], %parallel_loop3A_398 {add = true, strides = array<i32>} : memref<64x512xf32, #tpu.memory_space<vmem>>, vector<1x16xf32>,
        %parallel_loop3A_399 = arith.index_cast %parallel_loop3A_209 : i32 to index
        %parallel_loop3A_400 = arith.constant 336 : index
        %parallel_loop3A_401 = tpu.vector_load %arg7[%parallel_loop3A_399, %parallel_loop3A_400] {strides = array<i32>} : memref<64x512xf32, #tpu.memory_space<vmem>>, vector<1x16xf32>,
        %parallel_loop3A_402 = vector.shape_cast %parallel_loop3A_401 : vector<1x16xf32> to vector<16xf32>
        %parallel_loop3A_403 = arith.index_cast %parallel_loop3A_208 : i32 to index
        %parallel_loop3A_404 = arith.constant 336 : index
        %parallel_loop3A_405 = tpu.vector_load %arg8[%parallel_loop3A_403, %parallel_loop3A_404] {strides = array<i32>} : memref<64x512xf32, #tpu.memory_space<vmem>>, vector<1x16xf32>,
        %parallel_loop3A_406 = vector.shape_cast %parallel_loop3A_405 : vector<1x16xf32> to vector<16xf32>
        %parallel_loop3A_407 = vector.shape_cast %parallel_loop3A_402 : vector<16xf32> to vector<1x16xf32>
        tpu.vector_store %arg8[%parallel_loop3A_403, %parallel_loop3A_404], %parallel_loop3A_407 {add = true, strides = array<i32>} : memref<64x512xf32, #tpu.memory_space<vmem>>, vector<1x16xf32>,
        %parallel_loop3A_408 = arith.index_cast %parallel_loop3A_209 : i32 to index
        %parallel_loop3A_409 = arith.constant 352 : index
        %parallel_loop3A_410 = tpu.vector_load %arg7[%parallel_loop3A_408, %parallel_loop3A_409] {strides = array<i32>} : memref<64x512xf32, #tpu.memory_space<vmem>>, vector<1x16xf32>,
        %parallel_loop3A_411 = vector.shape_cast %parallel_loop3A_410 : vector<1x16xf32> to vector<16xf32>
        %parallel_loop3A_412 = arith.index_cast %parallel_loop3A_208 : i32 to index
        %parallel_loop3A_413 = arith.constant 352 : index
        %parallel_loop3A_414 = tpu.vector_load %arg8[%parallel_loop3A_412, %parallel_loop3A_413] {strides = array<i32>} : memref<64x512xf32, #tpu.memory_space<vmem>>, vector<1x16xf32>,
        %parallel_loop3A_415 = vector.shape_cast %parallel_loop3A_414 : vector<1x16xf32> to vector<16xf32>
        %parallel_loop3A_416 = vector.shape_cast %parallel_loop3A_411 : vector<16xf32> to vector<1x16xf32>
        tpu.vector_store %arg8[%parallel_loop3A_412, %parallel_loop3A_413], %parallel_loop3A_416 {add = true, strides = array<i32>} : memref<64x512xf32, #tpu.memory_space<vmem>>, vector<1x16xf32>,
        %parallel_loop3A_417 = arith.index_cast %parallel_loop3A_209 : i32 to index
        %parallel_loop3A_418 = arith.constant 368 : index
        %parallel_loop3A_419 = tpu.vector_load %arg7[%parallel_loop3A_417, %parallel_loop3A_418] {strides = array<i32>} : memref<64x512xf32, #tpu.memory_space<vmem>>, vector<1x16xf32>,
        %parallel_loop3A_420 = vector.shape_cast %parallel_loop3A_419 : vector<1x16xf32> to vector<16xf32>
        %parallel_loop3A_421 = arith.index_cast %parallel_loop3A_208 : i32 to index
        %parallel_loop3A_422 = arith.constant 368 : index
        %parallel_loop3A_423 = tpu.vector_load %arg8[%parallel_loop3A_421, %parallel_loop3A_422] {strides = array<i32>} : memref<64x512xf32, #tpu.memory_space<vmem>>, vector<1x16xf32>,
        %parallel_loop3A_424 = vector.shape_cast %parallel_loop3A_423 : vector<1x16xf32> to vector<16xf32>
        %parallel_loop3A_425 = vector.shape_cast %parallel_loop3A_420 : vector<16xf32> to vector<1x16xf32>
        tpu.vector_store %arg8[%parallel_loop3A_421, %parallel_loop3A_422], %parallel_loop3A_425 {add = true, strides = array<i32>} : memref<64x512xf32, #tpu.memory_space<vmem>>, vector<1x16xf32>,
        %parallel_loop3A_426 = arith.index_cast %parallel_loop3A_209 : i32 to index
        %parallel_loop3A_427 = arith.constant 384 : index
        %parallel_loop3A_428 = tpu.vector_load %arg7[%parallel_loop3A_426, %parallel_loop3A_427] {strides = array<i32>} : memref<64x512xf32, #tpu.memory_space<vmem>>, vector<1x16xf32>,
        %parallel_loop3A_429 = vector.shape_cast %parallel_loop3A_428 : vector<1x16xf32> to vector<16xf32>
        %parallel_loop3A_430 = arith.index_cast %parallel_loop3A_208 : i32 to index
        %parallel_loop3A_431 = arith.constant 384 : index
        %parallel_loop3A_432 = tpu.vector_load %arg8[%parallel_loop3A_430, %parallel_loop3A_431] {strides = array<i32>} : memref<64x512xf32, #tpu.memory_space<vmem>>, vector<1x16xf32>,
        %parallel_loop3A_433 = vector.shape_cast %parallel_loop3A_432 : vector<1x16xf32> to vector<16xf32>
        %parallel_loop3A_434 = vector.shape_cast %parallel_loop3A_429 : vector<16xf32> to vector<1x16xf32>
        tpu.vector_store %arg8[%parallel_loop3A_430, %parallel_loop3A_431], %parallel_loop3A_434 {add = true, strides = array<i32>} : memref<64x512xf32, #tpu.memory_space<vmem>>, vector<1x16xf32>,
        %parallel_loop3A_435 = arith.index_cast %parallel_loop3A_209 : i32 to index
        %parallel_loop3A_436 = arith.constant 400 : index
        %parallel_loop3A_437 = tpu.vector_load %arg7[%parallel_loop3A_435, %parallel_loop3A_436] {strides = array<i32>} : memref<64x512xf32, #tpu.memory_space<vmem>>, vector<1x16xf32>,
        %parallel_loop3A_438 = vector.shape_cast %parallel_loop3A_437 : vector<1x16xf32> to vector<16xf32>
        %parallel_loop3A_439 = arith.index_cast %parallel_loop3A_208 : i32 to index
        %parallel_loop3A_440 = arith.constant 400 : index
        %parallel_loop3A_441 = tpu.vector_load %arg8[%parallel_loop3A_439, %parallel_loop3A_440] {strides = array<i32>} : memref<64x512xf32, #tpu.memory_space<vmem>>, vector<1x16xf32>,
        %parallel_loop3A_442 = vector.shape_cast %parallel_loop3A_441 : vector<1x16xf32> to vector<16xf32>
        %parallel_loop3A_443 = vector.shape_cast %parallel_loop3A_438 : vector<16xf32> to vector<1x16xf32>
        tpu.vector_store %arg8[%parallel_loop3A_439, %parallel_loop3A_440], %parallel_loop3A_443 {add = true, strides = array<i32>} : memref<64x512xf32, #tpu.memory_space<vmem>>, vector<1x16xf32>,
        %parallel_loop3A_444 = arith.index_cast %parallel_loop3A_209 : i32 to index
        %parallel_loop3A_445 = arith.constant 416 : index
        %parallel_loop3A_446 = tpu.vector_load %arg7[%parallel_loop3A_444, %parallel_loop3A_445] {strides = array<i32>} : memref<64x512xf32, #tpu.memory_space<vmem>>, vector<1x16xf32>,
        %parallel_loop3A_447 = vector.shape_cast %parallel_loop3A_446 : vector<1x16xf32> to vector<16xf32>
        %parallel_loop3A_448 = arith.index_cast %parallel_loop3A_208 : i32 to index
        %parallel_loop3A_449 = arith.constant 416 : index
        %parallel_loop3A_450 = tpu.vector_load %arg8[%parallel_loop3A_448, %parallel_loop3A_449] {strides = array<i32>} : memref<64x512xf32, #tpu.memory_space<vmem>>, vector<1x16xf32>,
        %parallel_loop3A_451 = vector.shape_cast %parallel_loop3A_450 : vector<1x16xf32> to vector<16xf32>
        %parallel_loop3A_452 = vector.shape_cast %parallel_loop3A_447 : vector<16xf32> to vector<1x16xf32>
        tpu.vector_store %arg8[%parallel_loop3A_448, %parallel_loop3A_449], %parallel_loop3A_452 {add = true, strides = array<i32>} : memref<64x512xf32, #tpu.memory_space<vmem>>, vector<1x16xf32>,
        %parallel_loop3A_453 = arith.index_cast %parallel_loop3A_209 : i32 to index
        %parallel_loop3A_454 = arith.constant 432 : index
        %parallel_loop3A_455 = tpu.vector_load %arg7[%parallel_loop3A_453, %parallel_loop3A_454] {strides = array<i32>} : memref<64x512xf32, #tpu.memory_space<vmem>>, vector<1x16xf32>,
        %parallel_loop3A_456 = vector.shape_cast %parallel_loop3A_455 : vector<1x16xf32> to vector<16xf32>
        %parallel_loop3A_457 = arith.index_cast %parallel_loop3A_208 : i32 to index
        %parallel_loop3A_458 = arith.constant 432 : index
        %parallel_loop3A_459 = tpu.vector_load %arg8[%parallel_loop3A_457, %parallel_loop3A_458] {strides = array<i32>} : memref<64x512xf32, #tpu.memory_space<vmem>>, vector<1x16xf32>,
        %parallel_loop3A_460 = vector.shape_cast %parallel_loop3A_459 : vector<1x16xf32> to vector<16xf32>
        %parallel_loop3A_461 = vector.shape_cast %parallel_loop3A_456 : vector<16xf32> to vector<1x16xf32>
        tpu.vector_store %arg8[%parallel_loop3A_457, %parallel_loop3A_458], %parallel_loop3A_461 {add = true, strides = array<i32>} : memref<64x512xf32, #tpu.memory_space<vmem>>, vector<1x16xf32>,
        %parallel_loop3A_462 = arith.index_cast %parallel_loop3A_209 : i32 to index
        %parallel_loop3A_463 = arith.constant 448 : index
        %parallel_loop3A_464 = tpu.vector_load %arg7[%parallel_loop3A_462, %parallel_loop3A_463] {strides = array<i32>} : memref<64x512xf32, #tpu.memory_space<vmem>>, vector<1x16xf32>,
        %parallel_loop3A_465 = vector.shape_cast %parallel_loop3A_464 : vector<1x16xf32> to vector<16xf32>
        %parallel_loop3A_466 = arith.index_cast %parallel_loop3A_208 : i32 to index
        %parallel_loop3A_467 = arith.constant 448 : index
        %parallel_loop3A_468 = tpu.vector_load %arg8[%parallel_loop3A_466, %parallel_loop3A_467] {strides = array<i32>} : memref<64x512xf32, #tpu.memory_space<vmem>>, vector<1x16xf32>,
        %parallel_loop3A_469 = vector.shape_cast %parallel_loop3A_468 : vector<1x16xf32> to vector<16xf32>
        %parallel_loop3A_470 = vector.shape_cast %parallel_loop3A_465 : vector<16xf32> to vector<1x16xf32>
        tpu.vector_store %arg8[%parallel_loop3A_466, %parallel_loop3A_467], %parallel_loop3A_470 {add = true, strides = array<i32>} : memref<64x512xf32, #tpu.memory_space<vmem>>, vector<1x16xf32>,
        %parallel_loop3A_471 = arith.index_cast %parallel_loop3A_209 : i32 to index
        %parallel_loop3A_472 = arith.constant 464 : index
        %parallel_loop3A_473 = tpu.vector_load %arg7[%parallel_loop3A_471, %parallel_loop3A_472] {strides = array<i32>} : memref<64x512xf32, #tpu.memory_space<vmem>>, vector<1x16xf32>,
        %parallel_loop3A_474 = vector.shape_cast %parallel_loop3A_473 : vector<1x16xf32> to vector<16xf32>
        %parallel_loop3A_475 = arith.index_cast %parallel_loop3A_208 : i32 to index
        %parallel_loop3A_476 = arith.constant 464 : index
        %parallel_loop3A_477 = tpu.vector_load %arg8[%parallel_loop3A_475, %parallel_loop3A_476] {strides = array<i32>} : memref<64x512xf32, #tpu.memory_space<vmem>>, vector<1x16xf32>,
        %parallel_loop3A_478 = vector.shape_cast %parallel_loop3A_477 : vector<1x16xf32> to vector<16xf32>
        %parallel_loop3A_479 = vector.shape_cast %parallel_loop3A_474 : vector<16xf32> to vector<1x16xf32>
        tpu.vector_store %arg8[%parallel_loop3A_475, %parallel_loop3A_476], %parallel_loop3A_479 {add = true, strides = array<i32>} : memref<64x512xf32, #tpu.memory_space<vmem>>, vector<1x16xf32>,
        %parallel_loop3A_480 = arith.index_cast %parallel_loop3A_209 : i32 to index
        %parallel_loop3A_481 = arith.constant 480 : index
        %parallel_loop3A_482 = tpu.vector_load %arg7[%parallel_loop3A_480, %parallel_loop3A_481] {strides = array<i32>} : memref<64x512xf32, #tpu.memory_space<vmem>>, vector<1x16xf32>,
        %parallel_loop3A_483 = vector.shape_cast %parallel_loop3A_482 : vector<1x16xf32> to vector<16xf32>
        %parallel_loop3A_484 = arith.index_cast %parallel_loop3A_208 : i32 to index
        %parallel_loop3A_485 = arith.constant 480 : index
        %parallel_loop3A_486 = tpu.vector_load %arg8[%parallel_loop3A_484, %parallel_loop3A_485] {strides = array<i32>} : memref<64x512xf32, #tpu.memory_space<vmem>>, vector<1x16xf32>,
        %parallel_loop3A_487 = vector.shape_cast %parallel_loop3A_486 : vector<1x16xf32> to vector<16xf32>
        %parallel_loop3A_488 = vector.shape_cast %parallel_loop3A_483 : vector<16xf32> to vector<1x16xf32>
        tpu.vector_store %arg8[%parallel_loop3A_484, %parallel_loop3A_485], %parallel_loop3A_488 {add = true, strides = array<i32>} : memref<64x512xf32, #tpu.memory_space<vmem>>, vector<1x16xf32>,
        %parallel_loop3A_489 = arith.index_cast %parallel_loop3A_209 : i32 to index
        %parallel_loop3A_490 = arith.constant 496 : index
        %parallel_loop3A_491 = tpu.vector_load %arg7[%parallel_loop3A_489, %parallel_loop3A_490] {strides = array<i32>} : memref<64x512xf32, #tpu.memory_space<vmem>>, vector<1x16xf32>,
        %parallel_loop3A_492 = vector.shape_cast %parallel_loop3A_491 : vector<1x16xf32> to vector<16xf32>
        %parallel_loop3A_493 = arith.index_cast %parallel_loop3A_208 : i32 to index
        %parallel_loop3A_494 = arith.constant 496 : index
        %parallel_loop3A_495 = tpu.vector_load %arg8[%parallel_loop3A_493, %parallel_loop3A_494] {strides = array<i32>} : memref<64x512xf32, #tpu.memory_space<vmem>>, vector<1x16xf32>,
        %parallel_loop3A_496 = vector.shape_cast %parallel_loop3A_495 : vector<1x16xf32> to vector<16xf32>
        %parallel_loop3A_497 = vector.shape_cast %parallel_loop3A_492 : vector<16xf32> to vector<1x16xf32>
        tpu.vector_store %arg8[%parallel_loop3A_493, %parallel_loop3A_494], %parallel_loop3A_497 {add = true, strides = array<i32>} : memref<64x512xf32, #tpu.memory_space<vmem>>, vector<1x16xf32>,
      } {sc.loop_unroll_factor = 4 : i64, sc.parallel_access}
      %jit3A_75 = arith.constant 1 : i32
      %div3A = arith.divsi %add3A_50, %jit3A_75 : i32
      %sign3A = arith.constant 0 : i32
      %sign3A_76 = arith.cmpi sgt, %add3A_50, %sign3A : i32
      %sign3A_77 = arith.extui %sign3A_76 : i1 to i32
      %sign3A_78 = arith.constant 0 : i32
      %sign3A_79 = arith.cmpi slt, %add3A_50, %sign3A_78 : i32
      %sign3A_80 = arith.extui %sign3A_79 : i1 to i32
      %sign3A_81 = arith.subi %sign3A_77, %sign3A_80 : i32
      %sign3A_82 = arith.constant 0 : i32
      %sign3A_83 = arith.cmpi sgt, %jit3A_75, %sign3A_82 : i32
      %sign3A_84 = arith.extui %sign3A_83 : i1 to i32
      %sign3A_85 = arith.constant 0 : i32
      %sign3A_86 = arith.cmpi slt, %jit3A_75, %sign3A_85 : i32
      %sign3A_87 = arith.extui %sign3A_86 : i1 to i32
      %sign3A_88 = arith.subi %sign3A_84, %sign3A_87 : i32
      %ne3A_89 = arith.cmpi ne, %sign3A_81, %sign3A_88 : i32
      %rem3A_90 = arith.remsi %add3A_50, %jit3A_75 : i32
      %ne3A_91 = arith.constant 0 : i32
      %ne3A_92 = arith.cmpi ne, %rem3A_90, %ne3A_91 : i32
      %and3A_93 = arith.andi %ne3A_89, %ne3A_92 : i1
      %sub3A = arith.constant 1 : i32
      %sub3A_94 = arith.subi %div3A, %sub3A : i32
      %select_n3A_95 = arith.select %and3A_93, %sub3A_94, %div3A : i32
      %jit3A_96 = arith.constant 1 : i32
      %eq3A_97 = arith.constant 0 : i32
      %eq3A_98 = arith.cmpi eq, %jit3A_96, %eq3A_97 : i32
      %jit3A_99 = arith.constant 1 : i32
      %select_n3A_100 = arith.select %eq3A_98, %jit3A_99, %jit3A_96 : i32
      %rem3A_101 = arith.remsi %add3A_50, %select_n3A_100 : i32
      %ne3A_102 = arith.constant 0 : i32
      %ne3A_103 = arith.cmpi ne, %rem3A_101, %ne3A_102 : i32
      %lt3A_104 = arith.constant 0 : i32
      %lt3A_105 = arith.cmpi slt, %rem3A_101, %lt3A_104 : i32
      %lt3A_106 = arith.constant 0 : i32
      %lt3A_107 = arith.cmpi slt, %select_n3A_100, %lt3A_106 : i32
      %ne3A_108 = arith.xori %lt3A_105, %lt3A_107 : i1
      %and3A_109 = arith.andi %ne3A_108, %ne3A_103 : i1
      %add3A_110 = arith.addi %rem3A_101, %select_n3A_100 : i32
      %select_n3A_111 = arith.select %and3A_109, %add3A_110, %rem3A_101 : i32
      %mul3A_112 = arith.constant 2048 : i32
      %mul3A_113 = arith.muli %select_n3A_95, %mul3A_112 : i32
      %add3A_114 = arith.addi %mul3A_113, %mul3A_2 : i32
      %mul3A_115 = arith.constant 64 : i32
      %mul3A_116 = arith.muli %select_n3A_111, %mul3A_115 : i32
      %add3A_117 = arith.addi %add3A_114, %mul3A_116 : i32
      %dma_start3A_118 = arith.constant 0 : i32
      %dma_start3A_119 = tpu.memref_slice %arg5[%add3A_117, %dma_start3A_118] : memref<65536x512xf32, #tpu.memory_space<hbm>> -> memref<64x512xf32, #tpu.memory_space<hbm>>
      %dma_start3A_120 = arith.constant 0 : i32
      %dma_start3A_121 = tpu.memref_slice %arg5[%add3A_117, %dma_start3A_120] : memref<65536x512xf32, #tpu.memory_space<hbm>> -> memref<64x512xf32, #tpu.memory_space<hbm>>
      tpu.enqueue_dma source(%arg8 : memref<64x512xf32, #tpu.memory_space<vmem>>) target(%dma_start3A_121 : memref<64x512xf32, #tpu.memory_space<hbm>>) target_semaphore(%arg12 : memref<!tpu.dma_semaphore, #tpu.memory_space<semaphore_mem>>)
      %add3A_122 = arith.constant 1 : i32
      %add3A_123 = arith.addi %add3A_48, %add3A_122 : i32
      %dma_wait3A_124 = arith.constant 0 : i32
      %dma_wait3A_125 = arith.constant 0 : i32
      %dma_wait3A_126 = tpu.memref_slice %arg5[%dma_wait3A_124, %dma_wait3A_125] : memref<65536x512xf32, #tpu.memory_space<hbm>> -> memref<64x512xf32, #tpu.memory_space<hbm>>
      %dma_wait3A_127 = arith.constant 0 : i32
      %dma_wait3A_128 = arith.constant 0 : i32
      %dma_wait3A_129 = tpu.memref_slice %arg5[%dma_wait3A_127, %dma_wait3A_128] : memref<65536x512xf32, #tpu.memory_space<hbm>> -> memref<64x512xf32, #tpu.memory_space<hbm>>
      tpu.wait_dma2 semaphore(%arg11 : memref<!tpu.dma_semaphore, #tpu.memory_space<semaphore_mem>>) src(%dma_wait3A_129 : memref<64x512xf32, #tpu.memory_space<hbm>>) dst(%arg9 : memref<64x512xf32, #tpu.memory_space<vmem>>)
      %jit3A_130 = arith.constant 1 : i32
      %eq3A_131 = arith.constant 0 : i32
      %eq3A_132 = arith.cmpi eq, %jit3A_130, %eq3A_131 : i32
      %jit3A_133 = arith.constant 1 : i32
      %select_n3A_134 = arith.select %eq3A_132, %jit3A_133, %jit3A_130 : i32
      %rem3A_135 = arith.remsi %add3A_123, %select_n3A_134 : i32
      %ne3A_136 = arith.constant 0 : i32
      %ne3A_137 = arith.cmpi ne, %rem3A_135, %ne3A_136 : i32
      %lt3A_138 = arith.constant 0 : i32
      %lt3A_139 = arith.cmpi slt, %rem3A_135, %lt3A_138 : i32
      %lt3A_140 = arith.constant 0 : i32
      %lt3A_141 = arith.cmpi slt, %select_n3A_134, %lt3A_140 : i32
      %ne3A_142 = arith.xori %lt3A_139, %lt3A_141 : i1
      %and3A_143 = arith.andi %ne3A_142, %ne3A_137 : i1
      %add3A_144 = arith.addi %rem3A_135, %select_n3A_134 : i32
      %select_n3A_145 = arith.select %and3A_143, %add3A_144, %rem3A_135 : i32
      %mul3A_146 = arith.constant 64 : i32
      %mul3A_147 = arith.muli %select_n3A_145, %mul3A_146 : i32
      %add3A_148 = arith.constant 1 : i32
      %add3A_149 = arith.addi %add3A_123, %add3A_148 : i32
      %lt3A_150 = arith.constant 32 : i32
      %lt3A_151 = arith.cmpi slt, %add3A_149, %lt3A_150 : i32
      %convert_element_type3A_152 = arith.extui %lt3A_151 : i1 to i32
      %cond3A_153 = arith.constant 0 : i32
      %cond3A_154 = arith.cmpi ne, %convert_element_type3A_152, %cond3A_153 : i32
      scf.if %cond3A_154 {
        %ge3A = arith.constant 1 : i32
        %ge3A_208 = arith.cmpi sge, %add3A_123, %ge3A : i32
        %convert_element_type3A_209 = arith.extui %ge3A_208 : i1 to i32
        %cond3A_210 = arith.constant 0 : i32
        %cond3A_211 = arith.cmpi ne, %convert_element_type3A_209, %cond3A_210 : i32
        scf.if %cond3A_211 {
          %dma_wait3A_261 = arith.constant 0 : i32
          %dma_wait3A_262 = arith.constant 0 : i32
          %dma_wait3A_263 = tpu.memref_slice %arg5[%dma_wait3A_261, %dma_wait3A_262] : memref<65536x512xf32, #tpu.memory_space<hbm>> -> memref<64x512xf32, #tpu.memory_space<hbm>>
          %dma_wait3A_264 = arith.constant 0 : i32
          %dma_wait3A_265 = arith.constant 0 : i32
          %dma_wait3A_266 = tpu.memref_slice %arg5[%dma_wait3A_264, %dma_wait3A_265] : memref<65536x512xf32, #tpu.memory_space<hbm>> -> memref<64x512xf32, #tpu.memory_space<hbm>>
          tpu.wait_dma2 semaphore(%arg12 : memref<!tpu.dma_semaphore, #tpu.memory_space<semaphore_mem>>) src(%dma_wait3A_266 : memref<64x512xf32, #tpu.memory_space<hbm>>) dst(%arg8 : memref<64x512xf32, #tpu.memory_space<vmem>>)
        } else {
        }
        %add3A_212 = arith.constant 1 : i32
        %add3A_213 = arith.addi %add3A_123, %add3A_212 : i32
        %jit3A_214 = arith.constant 1 : i32
        %div3A_215 = arith.divsi %add3A_213, %jit3A_214 : i32
        %sign3A_216 = arith.constant 0 : i32
        %sign3A_217 = arith.cmpi sgt, %add3A_213, %sign3A_216 : i32
        %sign3A_218 = arith.extui %sign3A_217 : i1 to i32
        %sign3A_219 = arith.constant 0 : i32
        %sign3A_220 = arith.cmpi slt, %add3A_213, %sign3A_219 : i32
        %sign3A_221 = arith.extui %sign3A_220 : i1 to i32
        %sign3A_222 = arith.subi %sign3A_218, %sign3A_221 : i32
        %sign3A_223 = arith.constant 0 : i32
        %sign3A_224 = arith.cmpi sgt, %jit3A_214, %sign3A_223 : i32
        %sign3A_225 = arith.extui %sign3A_224 : i1 to i32
        %sign3A_226 = arith.constant 0 : i32
        %sign3A_227 = arith.cmpi slt, %jit3A_214, %sign3A_226 : i32
        %sign3A_228 = arith.extui %sign3A_227 : i1 to i32
        %sign3A_229 = arith.subi %sign3A_225, %sign3A_228 : i32
        %ne3A_230 = arith.cmpi ne, %sign3A_222, %sign3A_229 : i32
        %rem3A_231 = arith.remsi %add3A_213, %jit3A_214 : i32
        %ne3A_232 = arith.constant 0 : i32
        %ne3A_233 = arith.cmpi ne, %rem3A_231, %ne3A_232 : i32
        %and3A_234 = arith.andi %ne3A_230, %ne3A_233 : i1
        %sub3A_235 = arith.constant 1 : i32
        %sub3A_236 = arith.subi %div3A_215, %sub3A_235 : i32
        %select_n3A_237 = arith.select %and3A_234, %sub3A_236, %div3A_215 : i32
        %jit3A_238 = arith.constant 1 : i32
        %eq3A_239 = arith.constant 0 : i32
        %eq3A_240 = arith.cmpi eq, %jit3A_238, %eq3A_239 : i32
        %jit3A_241 = arith.constant 1 : i32
        %select_n3A_242 = arith.select %eq3A_240, %jit3A_241, %jit3A_238 : i32
        %rem3A_243 = arith.remsi %add3A_213, %select_n3A_242 : i32
        %ne3A_244 = arith.constant 0 : i32
        %ne3A_245 = arith.cmpi ne, %rem3A_243, %ne3A_244 : i32
        %lt3A_246 = arith.constant 0 : i32
        %lt3A_247 = arith.cmpi slt, %rem3A_243, %lt3A_246 : i32
        %lt3A_248 = arith.constant 0 : i32
        %lt3A_249 = arith.cmpi slt, %select_n3A_242, %lt3A_248 : i32
        %ne3A_250 = arith.xori %lt3A_247, %lt3A_249 : i1
        %and3A_251 = arith.andi %ne3A_250, %ne3A_245 : i1
        %add3A_252 = arith.addi %rem3A_243, %select_n3A_242 : i32
        %select_n3A_253 = arith.select %and3A_251, %add3A_252, %rem3A_243 : i32
        %mul3A_254 = arith.constant 64 : i32
        %mul3A_255 = arith.muli %select_n3A_253, %mul3A_254 : i32
        %dma_start3A_256 = tpu.memref_slice %arg6[%select_n3A_237, %mul3A_255] : memref<32x64xi32, #tpu.memory_space<vmem>> -> memref<1x64xi32, #tpu.memory_space<vmem>>
        %dma_start3A_257 = tpu.memref_squeeze %dma_start3A_256 : memref<1x64xi32, #tpu.memory_space<vmem>> -> memref<64xi32, #tpu.memory_space<vmem>>
        %dma_start3A_258 = arith.constant 0 : i32
        %dma_start3A_259 = arith.constant 0 : i32
        %dma_start3A_260 = tpu.memref_slice %arg4[%dma_start3A_258, %dma_start3A_259] : memref<100000x512xf32, #tpu.memory_space<hbm>> -> memref<100000x512xf32, #tpu.memory_space<hbm>>
        tpu.enqueue_indirect_dma source(%dma_start3A_260 : memref<100000x512xf32, #tpu.memory_space<hbm>>) target(%arg8 : memref<64x512xf32, #tpu.memory_space<vmem>>) offsets(%dma_start3A_257 : memref<64xi32, #tpu.memory_space<vmem>>) semaphore(%arg10 : memref<!tpu.dma_semaphore, #tpu.memory_space<semaphore_mem>>)
      } else {
      }
      %parallel_loop3A_155 = arith.constant 0 : i32
      %parallel_loop3A_156 = arith.constant 64 : i32
      %parallel_loop3A_157 = arith.constant 1 : i32
      scf.for %parallel_loop3A_208 = %parallel_loop3A_155 to %parallel_loop3A_156 step %parallel_loop3A_157  : i32 {
        %parallel_loop3A_209 = arith.addi %mul3A_147, %parallel_loop3A_208 : i32
        %parallel_loop3A_210 = arith.index_cast %parallel_loop3A_209 : i32 to index
        %parallel_loop3A_211 = arith.constant 0 : index
        %parallel_loop3A_212 = tpu.vector_load %arg7[%parallel_loop3A_210, %parallel_loop3A_211] {strides = array<i32>} : memref<64x512xf32, #tpu.memory_space<vmem>>, vector<1x16xf32>,
        %parallel_loop3A_213 = vector.shape_cast %parallel_loop3A_212 : vector<1x16xf32> to vector<16xf32>
        %parallel_loop3A_214 = arith.index_cast %parallel_loop3A_208 : i32 to index
        %parallel_loop3A_215 = arith.constant 0 : index
        %parallel_loop3A_216 = tpu.vector_load %arg9[%parallel_loop3A_214, %parallel_loop3A_215] {strides = array<i32>} : memref<64x512xf32, #tpu.memory_space<vmem>>, vector<1x16xf32>,
        %parallel_loop3A_217 = vector.shape_cast %parallel_loop3A_216 : vector<1x16xf32> to vector<16xf32>
        %parallel_loop3A_218 = vector.shape_cast %parallel_loop3A_213 : vector<16xf32> to vector<1x16xf32>
        tpu.vector_store %arg9[%parallel_loop3A_214, %parallel_loop3A_215], %parallel_loop3A_218 {add = true, strides = array<i32>} : memref<64x512xf32, #tpu.memory_space<vmem>>, vector<1x16xf32>,
        %parallel_loop3A_219 = arith.index_cast %parallel_loop3A_209 : i32 to index
        %parallel_loop3A_220 = arith.constant 16 : index
        %parallel_loop3A_221 = tpu.vector_load %arg7[%parallel_loop3A_219, %parallel_loop3A_220] {strides = array<i32>} : memref<64x512xf32, #tpu.memory_space<vmem>>, vector<1x16xf32>,
        %parallel_loop3A_222 = vector.shape_cast %parallel_loop3A_221 : vector<1x16xf32> to vector<16xf32>
        %parallel_loop3A_223 = arith.index_cast %parallel_loop3A_208 : i32 to index
        %parallel_loop3A_224 = arith.constant 16 : index
        %parallel_loop3A_225 = tpu.vector_load %arg9[%parallel_loop3A_223, %parallel_loop3A_224] {strides = array<i32>} : memref<64x512xf32, #tpu.memory_space<vmem>>, vector<1x16xf32>,
        %parallel_loop3A_226 = vector.shape_cast %parallel_loop3A_225 : vector<1x16xf32> to vector<16xf32>
        %parallel_loop3A_227 = vector.shape_cast %parallel_loop3A_222 : vector<16xf32> to vector<1x16xf32>
        tpu.vector_store %arg9[%parallel_loop3A_223, %parallel_loop3A_224], %parallel_loop3A_227 {add = true, strides = array<i32>} : memref<64x512xf32, #tpu.memory_space<vmem>>, vector<1x16xf32>,
        %parallel_loop3A_228 = arith.index_cast %parallel_loop3A_209 : i32 to index
        %parallel_loop3A_229 = arith.constant 32 : index
        %parallel_loop3A_230 = tpu.vector_load %arg7[%parallel_loop3A_228, %parallel_loop3A_229] {strides = array<i32>} : memref<64x512xf32, #tpu.memory_space<vmem>>, vector<1x16xf32>,
        %parallel_loop3A_231 = vector.shape_cast %parallel_loop3A_230 : vector<1x16xf32> to vector<16xf32>
        %parallel_loop3A_232 = arith.index_cast %parallel_loop3A_208 : i32 to index
        %parallel_loop3A_233 = arith.constant 32 : index
        %parallel_loop3A_234 = tpu.vector_load %arg9[%parallel_loop3A_232, %parallel_loop3A_233] {strides = array<i32>} : memref<64x512xf32, #tpu.memory_space<vmem>>, vector<1x16xf32>,
        %parallel_loop3A_235 = vector.shape_cast %parallel_loop3A_234 : vector<1x16xf32> to vector<16xf32>
        %parallel_loop3A_236 = vector.shape_cast %parallel_loop3A_231 : vector<16xf32> to vector<1x16xf32>
        tpu.vector_store %arg9[%parallel_loop3A_232, %parallel_loop3A_233], %parallel_loop3A_236 {add = true, strides = array<i32>} : memref<64x512xf32, #tpu.memory_space<vmem>>, vector<1x16xf32>,
        %parallel_loop3A_237 = arith.index_cast %parallel_loop3A_209 : i32 to index
        %parallel_loop3A_238 = arith.constant 48 : index
        %parallel_loop3A_239 = tpu.vector_load %arg7[%parallel_loop3A_237, %parallel_loop3A_238] {strides = array<i32>} : memref<64x512xf32, #tpu.memory_space<vmem>>, vector<1x16xf32>,
        %parallel_loop3A_240 = vector.shape_cast %parallel_loop3A_239 : vector<1x16xf32> to vector<16xf32>
        %parallel_loop3A_241 = arith.index_cast %parallel_loop3A_208 : i32 to index
        %parallel_loop3A_242 = arith.constant 48 : index
        %parallel_loop3A_243 = tpu.vector_load %arg9[%parallel_loop3A_241, %parallel_loop3A_242] {strides = array<i32>} : memref<64x512xf32, #tpu.memory_space<vmem>>, vector<1x16xf32>,
        %parallel_loop3A_244 = vector.shape_cast %parallel_loop3A_243 : vector<1x16xf32> to vector<16xf32>
        %parallel_loop3A_245 = vector.shape_cast %parallel_loop3A_240 : vector<16xf32> to vector<1x16xf32>
        tpu.vector_store %arg9[%parallel_loop3A_241, %parallel_loop3A_242], %parallel_loop3A_245 {add = true, strides = array<i32>} : memref<64x512xf32, #tpu.memory_space<vmem>>, vector<1x16xf32>,
        %parallel_loop3A_246 = arith.index_cast %parallel_loop3A_209 : i32 to index
        %parallel_loop3A_247 = arith.constant 64 : index
        %parallel_loop3A_248 = tpu.vector_load %arg7[%parallel_loop3A_246, %parallel_loop3A_247] {strides = array<i32>} : memref<64x512xf32, #tpu.memory_space<vmem>>, vector<1x16xf32>,
        %parallel_loop3A_249 = vector.shape_cast %parallel_loop3A_248 : vector<1x16xf32> to vector<16xf32>
        %parallel_loop3A_250 = arith.index_cast %parallel_loop3A_208 : i32 to index
        %parallel_loop3A_251 = arith.constant 64 : index
        %parallel_loop3A_252 = tpu.vector_load %arg9[%parallel_loop3A_250, %parallel_loop3A_251] {strides = array<i32>} : memref<64x512xf32, #tpu.memory_space<vmem>>, vector<1x16xf32>,
        %parallel_loop3A_253 = vector.shape_cast %parallel_loop3A_252 : vector<1x16xf32> to vector<16xf32>
        %parallel_loop3A_254 = vector.shape_cast %parallel_loop3A_249 : vector<16xf32> to vector<1x16xf32>
        tpu.vector_store %arg9[%parallel_loop3A_250, %parallel_loop3A_251], %parallel_loop3A_254 {add = true, strides = array<i32>} : memref<64x512xf32, #tpu.memory_space<vmem>>, vector<1x16xf32>,
        %parallel_loop3A_255 = arith.index_cast %parallel_loop3A_209 : i32 to index
        %parallel_loop3A_256 = arith.constant 80 : index
        %parallel_loop3A_257 = tpu.vector_load %arg7[%parallel_loop3A_255, %parallel_loop3A_256] {strides = array<i32>} : memref<64x512xf32, #tpu.memory_space<vmem>>, vector<1x16xf32>,
        %parallel_loop3A_258 = vector.shape_cast %parallel_loop3A_257 : vector<1x16xf32> to vector<16xf32>
        %parallel_loop3A_259 = arith.index_cast %parallel_loop3A_208 : i32 to index
        %parallel_loop3A_260 = arith.constant 80 : index
        %parallel_loop3A_261 = tpu.vector_load %arg9[%parallel_loop3A_259, %parallel_loop3A_260] {strides = array<i32>} : memref<64x512xf32, #tpu.memory_space<vmem>>, vector<1x16xf32>,
        %parallel_loop3A_262 = vector.shape_cast %parallel_loop3A_261 : vector<1x16xf32> to vector<16xf32>
        %parallel_loop3A_263 = vector.shape_cast %parallel_loop3A_258 : vector<16xf32> to vector<1x16xf32>
        tpu.vector_store %arg9[%parallel_loop3A_259, %parallel_loop3A_260], %parallel_loop3A_263 {add = true, strides = array<i32>} : memref<64x512xf32, #tpu.memory_space<vmem>>, vector<1x16xf32>,
        %parallel_loop3A_264 = arith.index_cast %parallel_loop3A_209 : i32 to index
        %parallel_loop3A_265 = arith.constant 96 : index
        %parallel_loop3A_266 = tpu.vector_load %arg7[%parallel_loop3A_264, %parallel_loop3A_265] {strides = array<i32>} : memref<64x512xf32, #tpu.memory_space<vmem>>, vector<1x16xf32>,
        %parallel_loop3A_267 = vector.shape_cast %parallel_loop3A_266 : vector<1x16xf32> to vector<16xf32>
        %parallel_loop3A_268 = arith.index_cast %parallel_loop3A_208 : i32 to index
        %parallel_loop3A_269 = arith.constant 96 : index
        %parallel_loop3A_270 = tpu.vector_load %arg9[%parallel_loop3A_268, %parallel_loop3A_269] {strides = array<i32>} : memref<64x512xf32, #tpu.memory_space<vmem>>, vector<1x16xf32>,
        %parallel_loop3A_271 = vector.shape_cast %parallel_loop3A_270 : vector<1x16xf32> to vector<16xf32>
        %parallel_loop3A_272 = vector.shape_cast %parallel_loop3A_267 : vector<16xf32> to vector<1x16xf32>
        tpu.vector_store %arg9[%parallel_loop3A_268, %parallel_loop3A_269], %parallel_loop3A_272 {add = true, strides = array<i32>} : memref<64x512xf32, #tpu.memory_space<vmem>>, vector<1x16xf32>,
        %parallel_loop3A_273 = arith.index_cast %parallel_loop3A_209 : i32 to index
        %parallel_loop3A_274 = arith.constant 112 : index
        %parallel_loop3A_275 = tpu.vector_load %arg7[%parallel_loop3A_273, %parallel_loop3A_274] {strides = array<i32>} : memref<64x512xf32, #tpu.memory_space<vmem>>, vector<1x16xf32>,
        %parallel_loop3A_276 = vector.shape_cast %parallel_loop3A_275 : vector<1x16xf32> to vector<16xf32>
        %parallel_loop3A_277 = arith.index_cast %parallel_loop3A_208 : i32 to index
        %parallel_loop3A_278 = arith.constant 112 : index
        %parallel_loop3A_279 = tpu.vector_load %arg9[%parallel_loop3A_277, %parallel_loop3A_278] {strides = array<i32>} : memref<64x512xf32, #tpu.memory_space<vmem>>, vector<1x16xf32>,
        %parallel_loop3A_280 = vector.shape_cast %parallel_loop3A_279 : vector<1x16xf32> to vector<16xf32>
        %parallel_loop3A_281 = vector.shape_cast %parallel_loop3A_276 : vector<16xf32> to vector<1x16xf32>
        tpu.vector_store %arg9[%parallel_loop3A_277, %parallel_loop3A_278], %parallel_loop3A_281 {add = true, strides = array<i32>} : memref<64x512xf32, #tpu.memory_space<vmem>>, vector<1x16xf32>,
        %parallel_loop3A_282 = arith.index_cast %parallel_loop3A_209 : i32 to index
        %parallel_loop3A_283 = arith.constant 128 : index
        %parallel_loop3A_284 = tpu.vector_load %arg7[%parallel_loop3A_282, %parallel_loop3A_283] {strides = array<i32>} : memref<64x512xf32, #tpu.memory_space<vmem>>, vector<1x16xf32>,
        %parallel_loop3A_285 = vector.shape_cast %parallel_loop3A_284 : vector<1x16xf32> to vector<16xf32>
        %parallel_loop3A_286 = arith.index_cast %parallel_loop3A_208 : i32 to index
        %parallel_loop3A_287 = arith.constant 128 : index
        %parallel_loop3A_288 = tpu.vector_load %arg9[%parallel_loop3A_286, %parallel_loop3A_287] {strides = array<i32>} : memref<64x512xf32, #tpu.memory_space<vmem>>, vector<1x16xf32>,
        %parallel_loop3A_289 = vector.shape_cast %parallel_loop3A_288 : vector<1x16xf32> to vector<16xf32>
        %parallel_loop3A_290 = vector.shape_cast %parallel_loop3A_285 : vector<16xf32> to vector<1x16xf32>
        tpu.vector_store %arg9[%parallel_loop3A_286, %parallel_loop3A_287], %parallel_loop3A_290 {add = true, strides = array<i32>} : memref<64x512xf32, #tpu.memory_space<vmem>>, vector<1x16xf32>,
        %parallel_loop3A_291 = arith.index_cast %parallel_loop3A_209 : i32 to index
        %parallel_loop3A_292 = arith.constant 144 : index
        %parallel_loop3A_293 = tpu.vector_load %arg7[%parallel_loop3A_291, %parallel_loop3A_292] {strides = array<i32>} : memref<64x512xf32, #tpu.memory_space<vmem>>, vector<1x16xf32>,
        %parallel_loop3A_294 = vector.shape_cast %parallel_loop3A_293 : vector<1x16xf32> to vector<16xf32>
        %parallel_loop3A_295 = arith.index_cast %parallel_loop3A_208 : i32 to index
        %parallel_loop3A_296 = arith.constant 144 : index
        %parallel_loop3A_297 = tpu.vector_load %arg9[%parallel_loop3A_295, %parallel_loop3A_296] {strides = array<i32>} : memref<64x512xf32, #tpu.memory_space<vmem>>, vector<1x16xf32>,
        %parallel_loop3A_298 = vector.shape_cast %parallel_loop3A_297 : vector<1x16xf32> to vector<16xf32>
        %parallel_loop3A_299 = vector.shape_cast %parallel_loop3A_294 : vector<16xf32> to vector<1x16xf32>
        tpu.vector_store %arg9[%parallel_loop3A_295, %parallel_loop3A_296], %parallel_loop3A_299 {add = true, strides = array<i32>} : memref<64x512xf32, #tpu.memory_space<vmem>>, vector<1x16xf32>,
        %parallel_loop3A_300 = arith.index_cast %parallel_loop3A_209 : i32 to index
        %parallel_loop3A_301 = arith.constant 160 : index
        %parallel_loop3A_302 = tpu.vector_load %arg7[%parallel_loop3A_300, %parallel_loop3A_301] {strides = array<i32>} : memref<64x512xf32, #tpu.memory_space<vmem>>, vector<1x16xf32>,
        %parallel_loop3A_303 = vector.shape_cast %parallel_loop3A_302 : vector<1x16xf32> to vector<16xf32>
        %parallel_loop3A_304 = arith.index_cast %parallel_loop3A_208 : i32 to index
        %parallel_loop3A_305 = arith.constant 160 : index
        %parallel_loop3A_306 = tpu.vector_load %arg9[%parallel_loop3A_304, %parallel_loop3A_305] {strides = array<i32>} : memref<64x512xf32, #tpu.memory_space<vmem>>, vector<1x16xf32>,
        %parallel_loop3A_307 = vector.shape_cast %parallel_loop3A_306 : vector<1x16xf32> to vector<16xf32>
        %parallel_loop3A_308 = vector.shape_cast %parallel_loop3A_303 : vector<16xf32> to vector<1x16xf32>
        tpu.vector_store %arg9[%parallel_loop3A_304, %parallel_loop3A_305], %parallel_loop3A_308 {add = true, strides = array<i32>} : memref<64x512xf32, #tpu.memory_space<vmem>>, vector<1x16xf32>,
        %parallel_loop3A_309 = arith.index_cast %parallel_loop3A_209 : i32 to index
        %parallel_loop3A_310 = arith.constant 176 : index
        %parallel_loop3A_311 = tpu.vector_load %arg7[%parallel_loop3A_309, %parallel_loop3A_310] {strides = array<i32>} : memref<64x512xf32, #tpu.memory_space<vmem>>, vector<1x16xf32>,
        %parallel_loop3A_312 = vector.shape_cast %parallel_loop3A_311 : vector<1x16xf32> to vector<16xf32>
        %parallel_loop3A_313 = arith.index_cast %parallel_loop3A_208 : i32 to index
        %parallel_loop3A_314 = arith.constant 176 : index
        %parallel_loop3A_315 = tpu.vector_load %arg9[%parallel_loop3A_313, %parallel_loop3A_314] {strides = array<i32>} : memref<64x512xf32, #tpu.memory_space<vmem>>, vector<1x16xf32>,
        %parallel_loop3A_316 = vector.shape_cast %parallel_loop3A_315 : vector<1x16xf32> to vector<16xf32>
        %parallel_loop3A_317 = vector.shape_cast %parallel_loop3A_312 : vector<16xf32> to vector<1x16xf32>
        tpu.vector_store %arg9[%parallel_loop3A_313, %parallel_loop3A_314], %parallel_loop3A_317 {add = true, strides = array<i32>} : memref<64x512xf32, #tpu.memory_space<vmem>>, vector<1x16xf32>,
        %parallel_loop3A_318 = arith.index_cast %parallel_loop3A_209 : i32 to index
        %parallel_loop3A_319 = arith.constant 192 : index
        %parallel_loop3A_320 = tpu.vector_load %arg7[%parallel_loop3A_318, %parallel_loop3A_319] {strides = array<i32>} : memref<64x512xf32, #tpu.memory_space<vmem>>, vector<1x16xf32>,
        %parallel_loop3A_321 = vector.shape_cast %parallel_loop3A_320 : vector<1x16xf32> to vector<16xf32>
        %parallel_loop3A_322 = arith.index_cast %parallel_loop3A_208 : i32 to index
        %parallel_loop3A_323 = arith.constant 192 : index
        %parallel_loop3A_324 = tpu.vector_load %arg9[%parallel_loop3A_322, %parallel_loop3A_323] {strides = array<i32>} : memref<64x512xf32, #tpu.memory_space<vmem>>, vector<1x16xf32>,
        %parallel_loop3A_325 = vector.shape_cast %parallel_loop3A_324 : vector<1x16xf32> to vector<16xf32>
        %parallel_loop3A_326 = vector.shape_cast %parallel_loop3A_321 : vector<16xf32> to vector<1x16xf32>
        tpu.vector_store %arg9[%parallel_loop3A_322, %parallel_loop3A_323], %parallel_loop3A_326 {add = true, strides = array<i32>} : memref<64x512xf32, #tpu.memory_space<vmem>>, vector<1x16xf32>,
        %parallel_loop3A_327 = arith.index_cast %parallel_loop3A_209 : i32 to index
        %parallel_loop3A_328 = arith.constant 208 : index
        %parallel_loop3A_329 = tpu.vector_load %arg7[%parallel_loop3A_327, %parallel_loop3A_328] {strides = array<i32>} : memref<64x512xf32, #tpu.memory_space<vmem>>, vector<1x16xf32>,
        %parallel_loop3A_330 = vector.shape_cast %parallel_loop3A_329 : vector<1x16xf32> to vector<16xf32>
        %parallel_loop3A_331 = arith.index_cast %parallel_loop3A_208 : i32 to index
        %parallel_loop3A_332 = arith.constant 208 : index
        %parallel_loop3A_333 = tpu.vector_load %arg9[%parallel_loop3A_331, %parallel_loop3A_332] {strides = array<i32>} : memref<64x512xf32, #tpu.memory_space<vmem>>, vector<1x16xf32>,
        %parallel_loop3A_334 = vector.shape_cast %parallel_loop3A_333 : vector<1x16xf32> to vector<16xf32>
        %parallel_loop3A_335 = vector.shape_cast %parallel_loop3A_330 : vector<16xf32> to vector<1x16xf32>
        tpu.vector_store %arg9[%parallel_loop3A_331, %parallel_loop3A_332], %parallel_loop3A_335 {add = true, strides = array<i32>} : memref<64x512xf32, #tpu.memory_space<vmem>>, vector<1x16xf32>,
        %parallel_loop3A_336 = arith.index_cast %parallel_loop3A_209 : i32 to index
        %parallel_loop3A_337 = arith.constant 224 : index
        %parallel_loop3A_338 = tpu.vector_load %arg7[%parallel_loop3A_336, %parallel_loop3A_337] {strides = array<i32>} : memref<64x512xf32, #tpu.memory_space<vmem>>, vector<1x16xf32>,
        %parallel_loop3A_339 = vector.shape_cast %parallel_loop3A_338 : vector<1x16xf32> to vector<16xf32>
        %parallel_loop3A_340 = arith.index_cast %parallel_loop3A_208 : i32 to index
        %parallel_loop3A_341 = arith.constant 224 : index
        %parallel_loop3A_342 = tpu.vector_load %arg9[%parallel_loop3A_340, %parallel_loop3A_341] {strides = array<i32>} : memref<64x512xf32, #tpu.memory_space<vmem>>, vector<1x16xf32>,
        %parallel_loop3A_343 = vector.shape_cast %parallel_loop3A_342 : vector<1x16xf32> to vector<16xf32>
        %parallel_loop3A_344 = vector.shape_cast %parallel_loop3A_339 : vector<16xf32> to vector<1x16xf32>
        tpu.vector_store %arg9[%parallel_loop3A_340, %parallel_loop3A_341], %parallel_loop3A_344 {add = true, strides = array<i32>} : memref<64x512xf32, #tpu.memory_space<vmem>>, vector<1x16xf32>,
        %parallel_loop3A_345 = arith.index_cast %parallel_loop3A_209 : i32 to index
        %parallel_loop3A_346 = arith.constant 240 : index
        %parallel_loop3A_347 = tpu.vector_load %arg7[%parallel_loop3A_345, %parallel_loop3A_346] {strides = array<i32>} : memref<64x512xf32, #tpu.memory_space<vmem>>, vector<1x16xf32>,
        %parallel_loop3A_348 = vector.shape_cast %parallel_loop3A_347 : vector<1x16xf32> to vector<16xf32>
        %parallel_loop3A_349 = arith.index_cast %parallel_loop3A_208 : i32 to index
        %parallel_loop3A_350 = arith.constant 240 : index
        %parallel_loop3A_351 = tpu.vector_load %arg9[%parallel_loop3A_349, %parallel_loop3A_350] {strides = array<i32>} : memref<64x512xf32, #tpu.memory_space<vmem>>, vector<1x16xf32>,
        %parallel_loop3A_352 = vector.shape_cast %parallel_loop3A_351 : vector<1x16xf32> to vector<16xf32>
        %parallel_loop3A_353 = vector.shape_cast %parallel_loop3A_348 : vector<16xf32> to vector<1x16xf32>
        tpu.vector_store %arg9[%parallel_loop3A_349, %parallel_loop3A_350], %parallel_loop3A_353 {add = true, strides = array<i32>} : memref<64x512xf32, #tpu.memory_space<vmem>>, vector<1x16xf32>,
        %parallel_loop3A_354 = arith.index_cast %parallel_loop3A_209 : i32 to index
        %parallel_loop3A_355 = arith.constant 256 : index
        %parallel_loop3A_356 = tpu.vector_load %arg7[%parallel_loop3A_354, %parallel_loop3A_355] {strides = array<i32>} : memref<64x512xf32, #tpu.memory_space<vmem>>, vector<1x16xf32>,
        %parallel_loop3A_357 = vector.shape_cast %parallel_loop3A_356 : vector<1x16xf32> to vector<16xf32>
        %parallel_loop3A_358 = arith.index_cast %parallel_loop3A_208 : i32 to index
        %parallel_loop3A_359 = arith.constant 256 : index
        %parallel_loop3A_360 = tpu.vector_load %arg9[%parallel_loop3A_358, %parallel_loop3A_359] {strides = array<i32>} : memref<64x512xf32, #tpu.memory_space<vmem>>, vector<1x16xf32>,
        %parallel_loop3A_361 = vector.shape_cast %parallel_loop3A_360 : vector<1x16xf32> to vector<16xf32>
        %parallel_loop3A_362 = vector.shape_cast %parallel_loop3A_357 : vector<16xf32> to vector<1x16xf32>
        tpu.vector_store %arg9[%parallel_loop3A_358, %parallel_loop3A_359], %parallel_loop3A_362 {add = true, strides = array<i32>} : memref<64x512xf32, #tpu.memory_space<vmem>>, vector<1x16xf32>,
        %parallel_loop3A_363 = arith.index_cast %parallel_loop3A_209 : i32 to index
        %parallel_loop3A_364 = arith.constant 272 : index
        %parallel_loop3A_365 = tpu.vector_load %arg7[%parallel_loop3A_363, %parallel_loop3A_364] {strides = array<i32>} : memref<64x512xf32, #tpu.memory_space<vmem>>, vector<1x16xf32>,
        %parallel_loop3A_366 = vector.shape_cast %parallel_loop3A_365 : vector<1x16xf32> to vector<16xf32>
        %parallel_loop3A_367 = arith.index_cast %parallel_loop3A_208 : i32 to index
        %parallel_loop3A_368 = arith.constant 272 : index
        %parallel_loop3A_369 = tpu.vector_load %arg9[%parallel_loop3A_367, %parallel_loop3A_368] {strides = array<i32>} : memref<64x512xf32, #tpu.memory_space<vmem>>, vector<1x16xf32>,
        %parallel_loop3A_370 = vector.shape_cast %parallel_loop3A_369 : vector<1x16xf32> to vector<16xf32>
        %parallel_loop3A_371 = vector.shape_cast %parallel_loop3A_366 : vector<16xf32> to vector<1x16xf32>
        tpu.vector_store %arg9[%parallel_loop3A_367, %parallel_loop3A_368], %parallel_loop3A_371 {add = true, strides = array<i32>} : memref<64x512xf32, #tpu.memory_space<vmem>>, vector<1x16xf32>,
        %parallel_loop3A_372 = arith.index_cast %parallel_loop3A_209 : i32 to index
        %parallel_loop3A_373 = arith.constant 288 : index
        %parallel_loop3A_374 = tpu.vector_load %arg7[%parallel_loop3A_372, %parallel_loop3A_373] {strides = array<i32>} : memref<64x512xf32, #tpu.memory_space<vmem>>, vector<1x16xf32>,
        %parallel_loop3A_375 = vector.shape_cast %parallel_loop3A_374 : vector<1x16xf32> to vector<16xf32>
        %parallel_loop3A_376 = arith.index_cast %parallel_loop3A_208 : i32 to index
        %parallel_loop3A_377 = arith.constant 288 : index
        %parallel_loop3A_378 = tpu.vector_load %arg9[%parallel_loop3A_376, %parallel_loop3A_377] {strides = array<i32>} : memref<64x512xf32, #tpu.memory_space<vmem>>, vector<1x16xf32>,
        %parallel_loop3A_379 = vector.shape_cast %parallel_loop3A_378 : vector<1x16xf32> to vector<16xf32>
        %parallel_loop3A_380 = vector.shape_cast %parallel_loop3A_375 : vector<16xf32> to vector<1x16xf32>
        tpu.vector_store %arg9[%parallel_loop3A_376, %parallel_loop3A_377], %parallel_loop3A_380 {add = true, strides = array<i32>} : memref<64x512xf32, #tpu.memory_space<vmem>>, vector<1x16xf32>,
        %parallel_loop3A_381 = arith.index_cast %parallel_loop3A_209 : i32 to index
        %parallel_loop3A_382 = arith.constant 304 : index
        %parallel_loop3A_383 = tpu.vector_load %arg7[%parallel_loop3A_381, %parallel_loop3A_382] {strides = array<i32>} : memref<64x512xf32, #tpu.memory_space<vmem>>, vector<1x16xf32>,
        %parallel_loop3A_384 = vector.shape_cast %parallel_loop3A_383 : vector<1x16xf32> to vector<16xf32>
        %parallel_loop3A_385 = arith.index_cast %parallel_loop3A_208 : i32 to index
        %parallel_loop3A_386 = arith.constant 304 : index
        %parallel_loop3A_387 = tpu.vector_load %arg9[%parallel_loop3A_385, %parallel_loop3A_386] {strides = array<i32>} : memref<64x512xf32, #tpu.memory_space<vmem>>, vector<1x16xf32>,
        %parallel_loop3A_388 = vector.shape_cast %parallel_loop3A_387 : vector<1x16xf32> to vector<16xf32>
        %parallel_loop3A_389 = vector.shape_cast %parallel_loop3A_384 : vector<16xf32> to vector<1x16xf32>
        tpu.vector_store %arg9[%parallel_loop3A_385, %parallel_loop3A_386], %parallel_loop3A_389 {add = true, strides = array<i32>} : memref<64x512xf32, #tpu.memory_space<vmem>>, vector<1x16xf32>,
        %parallel_loop3A_390 = arith.index_cast %parallel_loop3A_209 : i32 to index
        %parallel_loop3A_391 = arith.constant 320 : index
        %parallel_loop3A_392 = tpu.vector_load %arg7[%parallel_loop3A_390, %parallel_loop3A_391] {strides = array<i32>} : memref<64x512xf32, #tpu.memory_space<vmem>>, vector<1x16xf32>,
        %parallel_loop3A_393 = vector.shape_cast %parallel_loop3A_392 : vector<1x16xf32> to vector<16xf32>
        %parallel_loop3A_394 = arith.index_cast %parallel_loop3A_208 : i32 to index
        %parallel_loop3A_395 = arith.constant 320 : index
        %parallel_loop3A_396 = tpu.vector_load %arg9[%parallel_loop3A_394, %parallel_loop3A_395] {strides = array<i32>} : memref<64x512xf32, #tpu.memory_space<vmem>>, vector<1x16xf32>,
        %parallel_loop3A_397 = vector.shape_cast %parallel_loop3A_396 : vector<1x16xf32> to vector<16xf32>
        %parallel_loop3A_398 = vector.shape_cast %parallel_loop3A_393 : vector<16xf32> to vector<1x16xf32>
        tpu.vector_store %arg9[%parallel_loop3A_394, %parallel_loop3A_395], %parallel_loop3A_398 {add = true, strides = array<i32>} : memref<64x512xf32, #tpu.memory_space<vmem>>, vector<1x16xf32>,
        %parallel_loop3A_399 = arith.index_cast %parallel_loop3A_209 : i32 to index
        %parallel_loop3A_400 = arith.constant 336 : index
        %parallel_loop3A_401 = tpu.vector_load %arg7[%parallel_loop3A_399, %parallel_loop3A_400] {strides = array<i32>} : memref<64x512xf32, #tpu.memory_space<vmem>>, vector<1x16xf32>,
        %parallel_loop3A_402 = vector.shape_cast %parallel_loop3A_401 : vector<1x16xf32> to vector<16xf32>
        %parallel_loop3A_403 = arith.index_cast %parallel_loop3A_208 : i32 to index
        %parallel_loop3A_404 = arith.constant 336 : index
        %parallel_loop3A_405 = tpu.vector_load %arg9[%parallel_loop3A_403, %parallel_loop3A_404] {strides = array<i32>} : memref<64x512xf32, #tpu.memory_space<vmem>>, vector<1x16xf32>,
        %parallel_loop3A_406 = vector.shape_cast %parallel_loop3A_405 : vector<1x16xf32> to vector<16xf32>
        %parallel_loop3A_407 = vector.shape_cast %parallel_loop3A_402 : vector<16xf32> to vector<1x16xf32>
        tpu.vector_store %arg9[%parallel_loop3A_403, %parallel_loop3A_404], %parallel_loop3A_407 {add = true, strides = array<i32>} : memref<64x512xf32, #tpu.memory_space<vmem>>, vector<1x16xf32>,
        %parallel_loop3A_408 = arith.index_cast %parallel_loop3A_209 : i32 to index
        %parallel_loop3A_409 = arith.constant 352 : index
        %parallel_loop3A_410 = tpu.vector_load %arg7[%parallel_loop3A_408, %parallel_loop3A_409] {strides = array<i32>} : memref<64x512xf32, #tpu.memory_space<vmem>>, vector<1x16xf32>,
        %parallel_loop3A_411 = vector.shape_cast %parallel_loop3A_410 : vector<1x16xf32> to vector<16xf32>
        %parallel_loop3A_412 = arith.index_cast %parallel_loop3A_208 : i32 to index
        %parallel_loop3A_413 = arith.constant 352 : index
        %parallel_loop3A_414 = tpu.vector_load %arg9[%parallel_loop3A_412, %parallel_loop3A_413] {strides = array<i32>} : memref<64x512xf32, #tpu.memory_space<vmem>>, vector<1x16xf32>,
        %parallel_loop3A_415 = vector.shape_cast %parallel_loop3A_414 : vector<1x16xf32> to vector<16xf32>
        %parallel_loop3A_416 = vector.shape_cast %parallel_loop3A_411 : vector<16xf32> to vector<1x16xf32>
        tpu.vector_store %arg9[%parallel_loop3A_412, %parallel_loop3A_413], %parallel_loop3A_416 {add = true, strides = array<i32>} : memref<64x512xf32, #tpu.memory_space<vmem>>, vector<1x16xf32>,
        %parallel_loop3A_417 = arith.index_cast %parallel_loop3A_209 : i32 to index
        %parallel_loop3A_418 = arith.constant 368 : index
        %parallel_loop3A_419 = tpu.vector_load %arg7[%parallel_loop3A_417, %parallel_loop3A_418] {strides = array<i32>} : memref<64x512xf32, #tpu.memory_space<vmem>>, vector<1x16xf32>,
        %parallel_loop3A_420 = vector.shape_cast %parallel_loop3A_419 : vector<1x16xf32> to vector<16xf32>
        %parallel_loop3A_421 = arith.index_cast %parallel_loop3A_208 : i32 to index
        %parallel_loop3A_422 = arith.constant 368 : index
        %parallel_loop3A_423 = tpu.vector_load %arg9[%parallel_loop3A_421, %parallel_loop3A_422] {strides = array<i32>} : memref<64x512xf32, #tpu.memory_space<vmem>>, vector<1x16xf32>,
        %parallel_loop3A_424 = vector.shape_cast %parallel_loop3A_423 : vector<1x16xf32> to vector<16xf32>
        %parallel_loop3A_425 = vector.shape_cast %parallel_loop3A_420 : vector<16xf32> to vector<1x16xf32>
        tpu.vector_store %arg9[%parallel_loop3A_421, %parallel_loop3A_422], %parallel_loop3A_425 {add = true, strides = array<i32>} : memref<64x512xf32, #tpu.memory_space<vmem>>, vector<1x16xf32>,
        %parallel_loop3A_426 = arith.index_cast %parallel_loop3A_209 : i32 to index
        %parallel_loop3A_427 = arith.constant 384 : index
        %parallel_loop3A_428 = tpu.vector_load %arg7[%parallel_loop3A_426, %parallel_loop3A_427] {strides = array<i32>} : memref<64x512xf32, #tpu.memory_space<vmem>>, vector<1x16xf32>,
        %parallel_loop3A_429 = vector.shape_cast %parallel_loop3A_428 : vector<1x16xf32> to vector<16xf32>
        %parallel_loop3A_430 = arith.index_cast %parallel_loop3A_208 : i32 to index
        %parallel_loop3A_431 = arith.constant 384 : index
        %parallel_loop3A_432 = tpu.vector_load %arg9[%parallel_loop3A_430, %parallel_loop3A_431] {strides = array<i32>} : memref<64x512xf32, #tpu.memory_space<vmem>>, vector<1x16xf32>,
        %parallel_loop3A_433 = vector.shape_cast %parallel_loop3A_432 : vector<1x16xf32> to vector<16xf32>
        %parallel_loop3A_434 = vector.shape_cast %parallel_loop3A_429 : vector<16xf32> to vector<1x16xf32>
        tpu.vector_store %arg9[%parallel_loop3A_430, %parallel_loop3A_431], %parallel_loop3A_434 {add = true, strides = array<i32>} : memref<64x512xf32, #tpu.memory_space<vmem>>, vector<1x16xf32>,
        %parallel_loop3A_435 = arith.index_cast %parallel_loop3A_209 : i32 to index
        %parallel_loop3A_436 = arith.constant 400 : index
        %parallel_loop3A_437 = tpu.vector_load %arg7[%parallel_loop3A_435, %parallel_loop3A_436] {strides = array<i32>} : memref<64x512xf32, #tpu.memory_space<vmem>>, vector<1x16xf32>,
        %parallel_loop3A_438 = vector.shape_cast %parallel_loop3A_437 : vector<1x16xf32> to vector<16xf32>
        %parallel_loop3A_439 = arith.index_cast %parallel_loop3A_208 : i32 to index
        %parallel_loop3A_440 = arith.constant 400 : index
        %parallel_loop3A_441 = tpu.vector_load %arg9[%parallel_loop3A_439, %parallel_loop3A_440] {strides = array<i32>} : memref<64x512xf32, #tpu.memory_space<vmem>>, vector<1x16xf32>,
        %parallel_loop3A_442 = vector.shape_cast %parallel_loop3A_441 : vector<1x16xf32> to vector<16xf32>
        %parallel_loop3A_443 = vector.shape_cast %parallel_loop3A_438 : vector<16xf32> to vector<1x16xf32>
        tpu.vector_store %arg9[%parallel_loop3A_439, %parallel_loop3A_440], %parallel_loop3A_443 {add = true, strides = array<i32>} : memref<64x512xf32, #tpu.memory_space<vmem>>, vector<1x16xf32>,
        %parallel_loop3A_444 = arith.index_cast %parallel_loop3A_209 : i32 to index
        %parallel_loop3A_445 = arith.constant 416 : index
        %parallel_loop3A_446 = tpu.vector_load %arg7[%parallel_loop3A_444, %parallel_loop3A_445] {strides = array<i32>} : memref<64x512xf32, #tpu.memory_space<vmem>>, vector<1x16xf32>,
        %parallel_loop3A_447 = vector.shape_cast %parallel_loop3A_446 : vector<1x16xf32> to vector<16xf32>
        %parallel_loop3A_448 = arith.index_cast %parallel_loop3A_208 : i32 to index
        %parallel_loop3A_449 = arith.constant 416 : index
        %parallel_loop3A_450 = tpu.vector_load %arg9[%parallel_loop3A_448, %parallel_loop3A_449] {strides = array<i32>} : memref<64x512xf32, #tpu.memory_space<vmem>>, vector<1x16xf32>,
        %parallel_loop3A_451 = vector.shape_cast %parallel_loop3A_450 : vector<1x16xf32> to vector<16xf32>
        %parallel_loop3A_452 = vector.shape_cast %parallel_loop3A_447 : vector<16xf32> to vector<1x16xf32>
        tpu.vector_store %arg9[%parallel_loop3A_448, %parallel_loop3A_449], %parallel_loop3A_452 {add = true, strides = array<i32>} : memref<64x512xf32, #tpu.memory_space<vmem>>, vector<1x16xf32>,
        %parallel_loop3A_453 = arith.index_cast %parallel_loop3A_209 : i32 to index
        %parallel_loop3A_454 = arith.constant 432 : index
        %parallel_loop3A_455 = tpu.vector_load %arg7[%parallel_loop3A_453, %parallel_loop3A_454] {strides = array<i32>} : memref<64x512xf32, #tpu.memory_space<vmem>>, vector<1x16xf32>,
        %parallel_loop3A_456 = vector.shape_cast %parallel_loop3A_455 : vector<1x16xf32> to vector<16xf32>
        %parallel_loop3A_457 = arith.index_cast %parallel_loop3A_208 : i32 to index
        %parallel_loop3A_458 = arith.constant 432 : index
        %parallel_loop3A_459 = tpu.vector_load %arg9[%parallel_loop3A_457, %parallel_loop3A_458] {strides = array<i32>} : memref<64x512xf32, #tpu.memory_space<vmem>>, vector<1x16xf32>,
        %parallel_loop3A_460 = vector.shape_cast %parallel_loop3A_459 : vector<1x16xf32> to vector<16xf32>
        %parallel_loop3A_461 = vector.shape_cast %parallel_loop3A_456 : vector<16xf32> to vector<1x16xf32>
        tpu.vector_store %arg9[%parallel_loop3A_457, %parallel_loop3A_458], %parallel_loop3A_461 {add = true, strides = array<i32>} : memref<64x512xf32, #tpu.memory_space<vmem>>, vector<1x16xf32>,
        %parallel_loop3A_462 = arith.index_cast %parallel_loop3A_209 : i32 to index
        %parallel_loop3A_463 = arith.constant 448 : index
        %parallel_loop3A_464 = tpu.vector_load %arg7[%parallel_loop3A_462, %parallel_loop3A_463] {strides = array<i32>} : memref<64x512xf32, #tpu.memory_space<vmem>>, vector<1x16xf32>,
        %parallel_loop3A_465 = vector.shape_cast %parallel_loop3A_464 : vector<1x16xf32> to vector<16xf32>
        %parallel_loop3A_466 = arith.index_cast %parallel_loop3A_208 : i32 to index
        %parallel_loop3A_467 = arith.constant 448 : index
        %parallel_loop3A_468 = tpu.vector_load %arg9[%parallel_loop3A_466, %parallel_loop3A_467] {strides = array<i32>} : memref<64x512xf32, #tpu.memory_space<vmem>>, vector<1x16xf32>,
        %parallel_loop3A_469 = vector.shape_cast %parallel_loop3A_468 : vector<1x16xf32> to vector<16xf32>
        %parallel_loop3A_470 = vector.shape_cast %parallel_loop3A_465 : vector<16xf32> to vector<1x16xf32>
        tpu.vector_store %arg9[%parallel_loop3A_466, %parallel_loop3A_467], %parallel_loop3A_470 {add = true, strides = array<i32>} : memref<64x512xf32, #tpu.memory_space<vmem>>, vector<1x16xf32>,
        %parallel_loop3A_471 = arith.index_cast %parallel_loop3A_209 : i32 to index
        %parallel_loop3A_472 = arith.constant 464 : index
        %parallel_loop3A_473 = tpu.vector_load %arg7[%parallel_loop3A_471, %parallel_loop3A_472] {strides = array<i32>} : memref<64x512xf32, #tpu.memory_space<vmem>>, vector<1x16xf32>,
        %parallel_loop3A_474 = vector.shape_cast %parallel_loop3A_473 : vector<1x16xf32> to vector<16xf32>
        %parallel_loop3A_475 = arith.index_cast %parallel_loop3A_208 : i32 to index
        %parallel_loop3A_476 = arith.constant 464 : index
        %parallel_loop3A_477 = tpu.vector_load %arg9[%parallel_loop3A_475, %parallel_loop3A_476] {strides = array<i32>} : memref<64x512xf32, #tpu.memory_space<vmem>>, vector<1x16xf32>,
        %parallel_loop3A_478 = vector.shape_cast %parallel_loop3A_477 : vector<1x16xf32> to vector<16xf32>
        %parallel_loop3A_479 = vector.shape_cast %parallel_loop3A_474 : vector<16xf32> to vector<1x16xf32>
        tpu.vector_store %arg9[%parallel_loop3A_475, %parallel_loop3A_476], %parallel_loop3A_479 {add = true, strides = array<i32>} : memref<64x512xf32, #tpu.memory_space<vmem>>, vector<1x16xf32>,
        %parallel_loop3A_480 = arith.index_cast %parallel_loop3A_209 : i32 to index
        %parallel_loop3A_481 = arith.constant 480 : index
        %parallel_loop3A_482 = tpu.vector_load %arg7[%parallel_loop3A_480, %parallel_loop3A_481] {strides = array<i32>} : memref<64x512xf32, #tpu.memory_space<vmem>>, vector<1x16xf32>,
        %parallel_loop3A_483 = vector.shape_cast %parallel_loop3A_482 : vector<1x16xf32> to vector<16xf32>
        %parallel_loop3A_484 = arith.index_cast %parallel_loop3A_208 : i32 to index
        %parallel_loop3A_485 = arith.constant 480 : index
        %parallel_loop3A_486 = tpu.vector_load %arg9[%parallel_loop3A_484, %parallel_loop3A_485] {strides = array<i32>} : memref<64x512xf32, #tpu.memory_space<vmem>>, vector<1x16xf32>,
        %parallel_loop3A_487 = vector.shape_cast %parallel_loop3A_486 : vector<1x16xf32> to vector<16xf32>
        %parallel_loop3A_488 = vector.shape_cast %parallel_loop3A_483 : vector<16xf32> to vector<1x16xf32>
        tpu.vector_store %arg9[%parallel_loop3A_484, %parallel_loop3A_485], %parallel_loop3A_488 {add = true, strides = array<i32>} : memref<64x512xf32, #tpu.memory_space<vmem>>, vector<1x16xf32>,
        %parallel_loop3A_489 = arith.index_cast %parallel_loop3A_209 : i32 to index
        %parallel_loop3A_490 = arith.constant 496 : index
        %parallel_loop3A_491 = tpu.vector_load %arg7[%parallel_loop3A_489, %parallel_loop3A_490] {strides = array<i32>} : memref<64x512xf32, #tpu.memory_space<vmem>>, vector<1x16xf32>,
        %parallel_loop3A_492 = vector.shape_cast %parallel_loop3A_491 : vector<1x16xf32> to vector<16xf32>
        %parallel_loop3A_493 = arith.index_cast %parallel_loop3A_208 : i32 to index
        %parallel_loop3A_494 = arith.constant 496 : index
        %parallel_loop3A_495 = tpu.vector_load %arg9[%parallel_loop3A_493, %parallel_loop3A_494] {strides = array<i32>} : memref<64x512xf32, #tpu.memory_space<vmem>>, vector<1x16xf32>,
        %parallel_loop3A_496 = vector.shape_cast %parallel_loop3A_495 : vector<1x16xf32> to vector<16xf32>
        %parallel_loop3A_497 = vector.shape_cast %parallel_loop3A_492 : vector<16xf32> to vector<1x16xf32>
        tpu.vector_store %arg9[%parallel_loop3A_493, %parallel_loop3A_494], %parallel_loop3A_497 {add = true, strides = array<i32>} : memref<64x512xf32, #tpu.memory_space<vmem>>, vector<1x16xf32>,
      } {sc.loop_unroll_factor = 4 : i64, sc.parallel_access}
      %jit3A_158 = arith.constant 1 : i32
      %div3A_159 = arith.divsi %add3A_123, %jit3A_158 : i32
      %sign3A_160 = arith.constant 0 : i32
      %sign3A_161 = arith.cmpi sgt, %add3A_123, %sign3A_160 : i32
      %sign3A_162 = arith.extui %sign3A_161 : i1 to i32
      %sign3A_163 = arith.constant 0 : i32
      %sign3A_164 = arith.cmpi slt, %add3A_123, %sign3A_163 : i32
      %sign3A_165 = arith.extui %sign3A_164 : i1 to i32
      %sign3A_166 = arith.subi %sign3A_162, %sign3A_165 : i32
      %sign3A_167 = arith.constant 0 : i32
      %sign3A_168 = arith.cmpi sgt, %jit3A_158, %sign3A_167 : i32
      %sign3A_169 = arith.extui %sign3A_168 : i1 to i32
      %sign3A_170 = arith.constant 0 : i32
      %sign3A_171 = arith.cmpi slt, %jit3A_158, %sign3A_170 : i32
      %sign3A_172 = arith.extui %sign3A_171 : i1 to i32
      %sign3A_173 = arith.subi %sign3A_169, %sign3A_172 : i32
      %ne3A_174 = arith.cmpi ne, %sign3A_166, %sign3A_173 : i32
      %rem3A_175 = arith.remsi %add3A_123, %jit3A_158 : i32
      %ne3A_176 = arith.constant 0 : i32
      %ne3A_177 = arith.cmpi ne, %rem3A_175, %ne3A_176 : i32
      %and3A_178 = arith.andi %ne3A_174, %ne3A_177 : i1
      %sub3A_179 = arith.constant 1 : i32
      %sub3A_180 = arith.subi %div3A_159, %sub3A_179 : i32
      %select_n3A_181 = arith.select %and3A_178, %sub3A_180, %div3A_159 : i32
      %jit3A_182 = arith.constant 1 : i32
      %eq3A_183 = arith.constant 0 : i32
      %eq3A_184 = arith.cmpi eq, %jit3A_182, %eq3A_183 : i32
      %jit3A_185 = arith.constant 1 : i32
      %select_n3A_186 = arith.select %eq3A_184, %jit3A_185, %jit3A_182 : i32
      %rem3A_187 = arith.remsi %add3A_123, %select_n3A_186 : i32
      %ne3A_188 = arith.constant 0 : i32
      %ne3A_189 = arith.cmpi ne, %rem3A_187, %ne3A_188 : i32
      %lt3A_190 = arith.constant 0 : i32
      %lt3A_191 = arith.cmpi slt, %rem3A_187, %lt3A_190 : i32
      %lt3A_192 = arith.constant 0 : i32
      %lt3A_193 = arith.cmpi slt, %select_n3A_186, %lt3A_192 : i32
      %ne3A_194 = arith.xori %lt3A_191, %lt3A_193 : i1
      %and3A_195 = arith.andi %ne3A_194, %ne3A_189 : i1
      %add3A_196 = arith.addi %rem3A_187, %select_n3A_186 : i32
      %select_n3A_197 = arith.select %and3A_195, %add3A_196, %rem3A_187 : i32
      %mul3A_198 = arith.constant 2048 : i32
      %mul3A_199 = arith.muli %select_n3A_181, %mul3A_198 : i32
      %add3A_200 = arith.addi %mul3A_199, %mul3A_2 : i32
      %mul3A_201 = arith.constant 64 : i32
      %mul3A_202 = arith.muli %select_n3A_197, %mul3A_201 : i32
      %add3A_203 = arith.addi %add3A_200, %mul3A_202 : i32
      %dma_start3A_204 = arith.constant 0 : i32
      %dma_start3A_205 = tpu.memref_slice %arg5[%add3A_203, %dma_start3A_204] : memref<65536x512xf32, #tpu.memory_space<hbm>> -> memref<64x512xf32, #tpu.memory_space<hbm>>
      %dma_start3A_206 = arith.constant 0 : i32
      %dma_start3A_207 = tpu.memref_slice %arg5[%add3A_203, %dma_start3A_206] : memref<65536x512xf32, #tpu.memory_space<hbm>> -> memref<64x512xf32, #tpu.memory_space<hbm>>
      tpu.enqueue_dma source(%arg9 : memref<64x512xf32, #tpu.memory_space<vmem>>) target(%dma_start3A_207 : memref<64x512xf32, #tpu.memory_space<hbm>>) target_semaphore(%arg13 : memref<!tpu.dma_semaphore, #tpu.memory_space<semaphore_mem>>)
    }
    %scan3A_31 = arith.constant 16 : i32
    %dma_wait3A_32 = arith.constant 0 : i32
    %dma_wait3A_33 = arith.constant 0 : i32
    %dma_wait3A_34 = tpu.memref_slice %arg5[%dma_wait3A_32, %dma_wait3A_33] : memref<65536x512xf32, #tpu.memory_space<hbm>> -> memref<64x512xf32, #tpu.memory_space<hbm>>
    %dma_wait3A_35 = arith.constant 0 : i32
    %dma_wait3A_36 = arith.constant 0 : i32
    %dma_wait3A_37 = tpu.memref_slice %arg5[%dma_wait3A_35, %dma_wait3A_36] : memref<65536x512xf32, #tpu.memory_space<hbm>> -> memref<64x512xf32, #tpu.memory_space<hbm>>
    tpu.wait_dma2 semaphore(%arg12 : memref<!tpu.dma_semaphore, #tpu.memory_space<semaphore_mem>>) src(%dma_wait3A_37 : memref<64x512xf32, #tpu.memory_space<hbm>>) dst(%arg8 : memref<64x512xf32, #tpu.memory_space<vmem>>)
    %dma_wait3A_38 = arith.constant 0 : i32
    %dma_wait3A_39 = arith.constant 0 : i32
    %dma_wait3A_40 = tpu.memref_slice %arg5[%dma_wait3A_38, %dma_wait3A_39] : memref<65536x512xf32, #tpu.memory_space<hbm>> -> memref<64x512xf32, #tpu.memory_space<hbm>>
    %dma_wait3A_41 = arith.constant 0 : i32
    %dma_wait3A_42 = arith.constant 0 : i32
    %dma_wait3A_43 = tpu.memref_slice %arg5[%dma_wait3A_41, %dma_wait3A_42] : memref<65536x512xf32, #tpu.memory_space<hbm>> -> memref<64x512xf32, #tpu.memory_space<hbm>>
    tpu.wait_dma2 semaphore(%arg13 : memref<!tpu.dma_semaphore, #tpu.memory_space<semaphore_mem>>) src(%dma_wait3A_43 : memref<64x512xf32, #tpu.memory_space<hbm>>) dst(%arg9 : memref<64x512xf32, #tpu.memory_space<vmem>>)
    return
  }
}

</mosaic_0001>

<sc_bundles>
// kernel: kernel.3.cloned.1.call-start
scs
__scs_entry_jumppad:
0x0: {  	(pc) =	sbr.rel $0x88, $3  }
0x1: {  	(tag) =	ssettag $0x0;
	lr =	simm.s32 $0x1  }
0x2: {  	[smem:$0x3F9F] =	sst lr;
	_ =	strace $0xD0000000  }
0x3: {  	_ = 	snop  }
0x4: {  	_ = 	snop  }
0x5: {  	_ = 	snop  }
0x6: {  	_ = 	snop  }
0x7: {  	_ = 	snop  }
__scs_overlays_trampoline_lowered:
0x8: {  	[smem:$0x3FAE] =	sst s0  }
0x9: {  	[smem:$0x3FAF] =	sst s1  }
0xa: {  	[smem:$0x3FB0] =	sst s2  }
0xb: {  	[smem:$0x3FB1] =	sst s3  }
0xc: {  	[smem:$0x3FB2] =	sst s4  }
0xd: {  	[smem:$0x3FB3] =	sst s5  }
0xe: {  	[smem:$0x3FB4] =	sst s6  }
0xf: {  	[smem:$0x3FB5] =	sst s7  }
0x10: {  	[smem:$0x3FB6] =	sst s8  }
0x11: {  	[smem:$0x3FB7] =	sst s9;
	s0 =	simm.s32 @!p0 $0x0  }
0x12: {  	s1 =	sld [smem:$0x3F9D];
	s0 =	simm.s32 @p0 $0x1  }
0x13: {  	[smem:$0x3FB8] =	sst s0;
	s0 =	simm.s32 @!p1 $0x0  }
0x14: {  	s2 =	sld [smem:$0x3F9C];
	s0 =	simm.s32 @p1 $0x1  }
0x15: {  	[smem:$0x3FB9] =	sst s0;
	s0 =	simm.s32 @!p2 $0x0  }
0x16: {  	s3 =	sld [smem:$0x3FDB];
	s0 =	simm.s32 @p2 $0x1  }
0x17: {  	s4 =	simm.s32 $0x1BF5;
	[smem:$0x3FBB] =	sst s0  }
0x18: {  	s0 =	sld [smem:$0x3F9E];
	_ =	swait.ge [sflag:s4], $0x0  }
0x19: {  	s7 =	sld [smem:$0x3F9F]  }
0x1a: {  	s8 =	sadd.s32 $0xFFFFE003, lr  }
0x1b: {  	s9 =	sadd.s32 $0xFFFFFEF7, lr;
	s5 =	simm.s32 $0xFFFFFFFF;
	p2 =	slt.u32 s8, $0xFFFFF086  }
0x1c: {  	p1 =	slt.u32 s9, $0xF7A;
	s5 =	simm.s32 @!p2 $0x0  }
0x1d: {  	s5 =	simm.s32 @p1 $0x1;
	p0 =	seq.s32 s7, s2  }
0x1e: {  	s7 =	smul.u32 @!p0 $0xF7A, s2;
	p2 =	seq.s32 @!p0 s5, $0x0  }
0x1f: {  	s9 =	smul.u32 $0xF7A, s1;
	s8 =	simm.s32 @!p0 $0x1BF5;
	p2 =	por !p2, p0  }
0x20: {  	[sflag:s8] =	ssyncset.s32 @!p0 $0xFFFFF086;
	s6 =	sadd.s32 @!p0 s3, s7;
	s7 =	simm.s32 @!p0 $0x108  }
0x21: {  	s3 =	sadd.s32 s3, s9;
	s6 =	sadd.s32 @!p0 $0x88, s6;
	s7 =	simm.s32 @p2 $0x1082  }
0x22: {  	[simem:s7], [sflag:s8] =	dma.local @!p0 [hbm:s6], $0xF7A  }
0x23: {  	s9 =	sor.u32 $0xD0000000, s2;
	s6 =	simm.s32 $0x108;
	_ =	swait.ge @!p0 [sflag:s8], $0x0  }
0x24: {  	s3 =	sadd.s32 $0x88, s3;
	s6 =	simm.s32 @!p1 $0x1082;
	[sflag:s4] =	ssyncset.s32 $0xFFFFF086  }
0x25: {  	[simem:s6], [sflag:s4] =	dma.local [hbm:s3], $0xF7A  }
0x26: {  	[smem:$0x3F9F] =	sst s1;
	(tag) =	ssettag s2;
	_ =	strace s9  }
0x27: {  	s1 =	sld [smem:$0x3FAF]  }
0x28: {  	s2 =	sld [smem:$0x3FB0]  }
0x29: {  	s4 =	sld [smem:$0x3FB2]  }
0x2a: {  	p0 =	seq.s32 s5, $0x0;
	s5 =	sld [smem:$0x3FB3]  }
0x2b: {  	s6 =	sld [smem:$0x3FB4]  }
0x2c: {  	s7 =	sld [smem:$0x3FB5]  }
0x2d: {  	s3 =	simm.s32 $0x108;
	s8 =	sld [smem:$0x3FB6]  }
0x2e: {  	s3 =	simm.s32 @!p0 $0x1082;
	s9 =	sld [smem:$0x3FB7]  }
0x2f: {  	lr =	sadd.s32 s0, s3;
	s0 =	sld [smem:$0x3FAE]  }
0x30: {  	s3 =	sld [smem:$0x3FB1]  }
0x31: {  	[smem:$0x3FBA] =	sst s10  }
0x32: {  	s10 =	sld [smem:$0x3FB8];
	_ =	sdelay $0x3  }
0x33: {  	p0 =	seq.s32 s10, $0x1;
	s10 =	sld [smem:$0x3FBA];
	_ =	sdelay $0x3  }
0x34: {  	[smem:$0x3FBA] =	sst s10  }
0x35: {  	s10 =	sld [smem:$0x3FB9];
	_ =	sdelay $0x3  }
0x36: {  	p1 =	seq.s32 s10, $0x1;
	s10 =	sld [smem:$0x3FBA];
	_ =	sdelay $0x3  }
0x37: {  	[smem:$0x3FBA] =	sst s10  }
0x38: {  	s10 =	sld [smem:$0x3FBB]  }
0x39: {  	_ = 	snop;
	(pc) =	sbr.ind lr, $3  }
0x3a: {  	_ = 	snop  }
0x3b: {  	_ = 	snop  }
0x3c: {  	p2 =	seq.s32 s10, $0x1;
	s10 =	sld [smem:$0x3FBA]  }
0x3d: {  	_ =	shalt  }
0x3e: {  	_ =	shalt  }
0x3f: {  	_ =	shalt  }
0x40: {  	_ =	shalt  }
0x41: {  	_ =	shalt  }
0x42: {  	_ =	shalt  }
0x43: {  	_ =	shalt  }
0x44: {  	_ =	shalt  }
0x45: {  	_ =	shalt  }
0x46: {  	_ =	shalt  }
0x47: {  	_ =	shalt  }
0x48: {  	_ =	shalt  }
0x49: {  	_ =	shalt  }
0x4a: {  	_ =	shalt  }
0x4b: {  	_ =	shalt  }
0x4c: {  	_ =	shalt  }
0x4d: {  	_ =	shalt  }
0x4e: {  	_ =	shalt  }
0x4f: {  	_ =	shalt  }
0x50: {  	_ =	shalt  }
0x51: {  	_ =	shalt  }
0x52: {  	_ =	shalt  }
0x53: {  	_ =	shalt  }
0x54: {  	_ =	shalt  }
0x55: {  	_ =	shalt  }
0x56: {  	_ =	shalt  }
0x57: {  	_ =	shalt  }
0x58: {  	_ =	shalt  }
0x59: {  	_ =	shalt  }
0x5a: {  	_ =	shalt  }
0x5b: {  	_ =	shalt  }
0x5c: {  	_ =	shalt  }
0x5d: {  	_ =	shalt  }
0x5e: {  	_ =	shalt  }
0x5f: {  	_ =	shalt  }
0x60: {  	_ =	shalt  }
0x61: {  	_ =	shalt  }
0x62: {  	_ =	shalt  }
0x63: {  	_ =	shalt  }
0x64: {  	_ =	shalt  }
0x65: {  	_ =	shalt  }
0x66: {  	_ =	shalt  }
0x67: {  	_ =	shalt  }
0x68: {  	_ =	shalt  }
0x69: {  	_ =	shalt  }
0x6a: {  	_ =	shalt  }
0x6b: {  	_ =	shalt  }
0x6c: {  	_ =	shalt  }
0x6d: {  	_ =	shalt  }
0x6e: {  	_ =	shalt  }
0x6f: {  	_ =	shalt  }
0x70: {  	_ =	shalt  }
0x71: {  	_ =	shalt  }
0x72: {  	_ =	shalt  }
0x73: {  	_ =	shalt  }
0x74: {  	_ =	shalt  }
0x75: {  	_ =	shalt  }
0x76: {  	_ =	shalt  }
0x77: {  	_ =	shalt  }
0x78: {  	_ =	shalt  }
0x79: {  	_ =	shalt  }
0x7a: {  	_ =	shalt  }
0x7b: {  	_ =	shalt  }
0x7c: {  	_ =	shalt  }
0x7d: {  	_ =	shalt  }
0x7e: {  	_ =	shalt  }
0x7f: {  	_ =	shalt  }
0x80: {  	_ =	shalt  }
0x81: {  	_ =	shalt  }
0x82: {  	_ =	shalt  }
0x83: {  	_ =	shalt  }
0x84: {  	_ =	shalt  }
0x85: {  	_ =	shalt  }
0x86: {  	_ =	shalt  }
0x87: {  	_ =	shalt  }
.Lfunc_end0:
.L_simem_size_0:
called_computation_lowered:
.L_overlay_start_0:
0x88: {  	s2 =	sld [smem:$0x3FD9]  }
0x89: {  	s3 =	sld [smem:$0x3FFE];
	_ =	sdelay $0x1  }
0x8a: {  	s1 =	srdreg.scid  }
0x8b: {  	s0 =	sand.u32 $0x1, s1  }
0x8c: {  	s17 =	sshll.u32 s0, $0xA;
	s2 =	sadd.s32 s3, s2  }
0x8d: {  	s2 =	sadd.s32 s2, s17  }
0x8e: {  	[smem:$0x3FC6] =	sst s2  }
0x8f: {  	_ = 	snop  }
0x90: {  	s2 =	sld [smem:$0x3FC8]  }
0x91: {  	s18 =	sld [smem:$0x3FD0];
	(tm) =	ssettm $0x1  }
0x92: {  	s4 =	sld [smem:$0x3FFB];
	_ =	sdelay $0x3  }
0x93: {  	_ =	strace s4  }
0x94: {  	s4 =	sld [smem:$0x3FFC];
	_ =	sdelay $0x3  }
0x95: {  	_ =	strace s4  }
0x96: {  	s4 =	sld [smem:$0x3FFD];
	_ =	sdelay $0x3  }
0x97: {  	_ =	strace s4  }
0x98: {  	_ =	strace $0x8FFFFFFF  }
0x99: {  	s19 =	sld [smem:$0x3FDB];
	_ =	sdelay $0x1  }
0x9a: {  	s5 =	simm.s32 $_scs_section_size  }
0x9b: {  	s6 =	simm.s32 $_size__tile_overlayer_lowered;
	s7 =	simm.s32 $_tile_overlayer_lowered  }
0x9c: {  	s22 =	simm.s32 $0x1BFF;
	s21 =	sshll.u32 s7, $0x1;
	s4 =	sadd.s32 s5, s19  }
0x9d: {  	s8 =	simm.s32 $0x0;
	s20 =	sshll.u32 s6, $0x1;
	s6 =	sadd.s32 s21, s4  }
0x9e: {  	[timem:s8], [sflag:s22] =	dma.local [hbm:s6], s20  }
0x9f: {  	_ =	swait.ge [sflag:s22], s20  }
0xa0: {  	s5 =	ssub.s32 $0x0, s20;
	[sflag:s22] =	ssyncset.done $0x0  }
0xa1: {  	[sflag:s22] =	ssyncadd.s32 s5;
	_ =	sdelay $0x1  }
0xa2: {  	s23 =	simm.s32 $0x1B8B  }
0xa3: {  	_ =	swait.ge [sflag:s23], $0x1  }
0xa4: {  	[sflag:s23] =	ssyncset.done $0x0  }
0xa5: {  	s25 =	simm.s32 $0x1B8E;
	s24 =	sld [smem:$0x3FFE];
	[sflag:s23] =	ssyncadd.s32 $0xFFFFFFFF  }
0xa6: {  	s26 =	simm.s32 $execute0_lowered;
	[smem:$0x3FD2] =	sst s25  }
0xa7: {  	s6 =	sshll.u32 s26, $0x1;
	_ =	strace $0x80000046;
	[dreg:$0x1] =	wrdreg $0xFFFFFFFF  }
0xa8: {  	s28 =	simm.s32 $_size_execute0_lowered;
	s4 =	sadd.s32 s4, s6;
	[dreg:$0x0] =	wrdreg $0x0  }
0xa9: {  	s6 =	sshll.u32 s28, $0x1;
	[dreg:$0x2] =	wrdreg s4  }
0xaa: {  	[dreg:$0x3] =	wrdreg s6  }
0xab: {  	[dreg:$0x4] =	wrdreg $0xC0  }
0xac: {  	_ =	task [dreg:s8], $0x5FFFF  }
0xad: {  	[dreg:$0x1] =	wrdreg $0xFFFFFFFF  }
0xae: {  	[dreg:$0x0] =	wrdreg $0x60  }
0xaf: {  	[dreg:$0x2] =	wrdreg s24  }
0xb0: {  	[dreg:$0x3] =	wrdreg s2  }
0xb1: {  	[dreg:$0x4] =	wrdreg s18  }
0xb2: {  	[dreg:$0x5] =	wrdreg $0x9  }
0xb3: {  	_ =	task.clear_ibuf [dreg:s8], $0x6FFFF;
	_ =	strace $0x90000046  }
0xb4: {  	s29 =	simm.s32 $0x9;
	_ =	strace $0x80000048  }
0xb5: {  	_ =	swait.ge [sflag:s29], $0x1  }
0xb6: {  	[sflag:s29] =	ssyncadd.s32 $0xFFFFFFFF  }
0xb7: {  	_ =	strace $0x90000048  }
0xb8: {  	_ =	sfence  }
0xb9: {  	s30 =	sld [smem:$0x0];
	_ =	sdelay $0x2  }
0xba: {  	s31 =	sshll.u32 s1, $0xD;
	s1 =	sshrl.u32 s1, $0x2  }
0xbb: {  	s3 =	sand.u32 $0x4000, s31;
	s1 =	sadd.s32 s1, s30  }
0xbc: {  	s0 =	sor.u32 s3, s0;
	s1 =	sshll.u32 s1, $0x11  }
0xbd: {  	s0 =	sor.u32 s1, s0  }
0xbe: {  	s0 =	sadd.s32 $0x8F2B, s0  }
0xbf: {  	[sflag:s0] =	ssyncadd.remote.s32 $0x1  }
0xc0: {  	_ =	sfence.sel $0xFFFF  }
0xc1: {  	[dreg:$0x0] =	wrdreg $0xFFFFFFFF;
	(pc) =	sbr.abs _section_cstart, $3  }
0xc2: {  	[dreg:$0x1] =	wrdreg $0xFFFFFFFF  }
0xc3: {  	_ =	task.clear_ibuf [dreg:s8], $0x2FFFF;
	_ =	strace $0x9FFFFFFF  }
0xc4: {  	(tm) =	ssettm $0x7FFFFFFF  }
0xc5: {  	_ =	shalt  }
tec
execute0_lowered:
.L_overlay_start_1:
0x0: {  	(tag) =	ssettag $0x1  }
0x1: {  	s0 =	rddreg [dreg:$0x0]  }
0x2: {  	s6 =	rddreg [dreg:$0x1]  }
0x3: {  	s1 =	rddreg [dreg:$0x2]  }
0x4: {  	s2 =	srdreg.scid;
	s7 =	simm.s32 $0x0;
	s3 =	stileid.u32  }
0x5: {  	s2 =	sand.u32 $0x1, s2;
	[smem:$0x7FF] =	sst s7;
	s3 =	sshll.u32 s3, $0x7  }
0x6: {  	s29 =	sadd.s32 $0x100, s6;
	s4 =	sshll.u32 s2, $0x6;
	_ =	strace $0x80000047  }
0x7: {  	s2 =	ssub.s32 $0x2, s2;
	[smem:$0x7FA] =	sst s29;
	s3 =	sor.u32 s4, s3  }
0x8: {  	s5 =	sshrl.u32 s2, $0x1;
	s4 =	sshrl.u32 s3, $0x3;
	s3 =	sshll.u32 s3, $0x6  }
0x9: {  	s2 =	ssub.s32 s2, s5;
	s4 =	sadd.s32 s4, s0;
	s30 =	sadd.s32 s1, s3  }
0xa: {  	s0 =	sadd.s32 s3, s0;
	s31 =	smax.u32 s2, $0x1;
	[smem:$0x7FB] =	sst s30  }
0xb: {  	v2 =	vlaneseq.u32;
	s0 =	sadd.s32 $0x2400, s0;
	[smem:$0x7FC] =	sst s31  }
0xc: {  	vm0 =	vmmov $0xffff;
	v1 =	vshrl.u32 v2, $0x3;
	s4 =	sadd.s32 $0x400, s4;
	[smem:$0x7F9] =	sst s0  }
0xd: {  	v0 =	vand.u32 $0x7, v2;
	v2 =	vor.u32 $0x8, v2;
	v1 =	vmul.u32 $0x8, v1;
	s5 =	simm.s32 $0x11000;
	s2 =	simm.s32 $0x0;
	[smem:$0x7FD] =	sst s4  }
.LBB2_1:
0xe: {  	s0 =	sld [smem:$0x7F9];
	_ =	sdelay $0x1  }
0xf: {  	[smem:$0x7F8] =	sst s2;
	s1 =	simm.s32 $0x1000;
	s3 =	sadd.s32 $0x0, s4  }
0x10: {  	[tilespmem:s1], [sflag:$0x6] =	stream.linear.gather [hbm4b:s0+s7], $0x8000, $0x38;
	[tilespmem:$0x19000] =	vst v63  }
0x11: {  	s2 =	simm.s32 $0x0;
	s0 =	simm.s32 $0x100;
	s1 =	simm.s32 $0x80  }
.LBB2_2:
0x12: {  	[tilespmem:s2], [sflag:$0x5] =	stream.linear.gather [hbm4b:s3+s7], $0x40, $0x38;
	[tilespmem:$0x19000] =	vst v63  }
0x13: {  	s3 =	smov.u32 s0;
	s2 =	smov.u32 s1;
	p0 =	sne.s32 s0, $0x1F00  }
.Ltmp0:
0x14: {  	s0 =	sadd.s32 $0x100, s0;
	(pc) =	sbr.rel @p0 .LBB2_2-.Ltmp0, $2  }
0x15: {  	_ =	sdelay $0x2  }
0x16: {  	s1 =	sadd.s32 $0x80, s1;
	s3 =	sadd.s32 s3, s4  }
0x17: {  	[tilespmem:s2], [sflag:$0x5] =	stream.linear.gather [hbm4b:s3+s7], $0x40, $0x38;
	[tilespmem:$0x19000] =	vst v63  }
0x18: {  	s0 =	simm.s32 $0x5  }
0x19: {  	_ =	swait.ge [sflag:s0], $0x40  }
0x1a: {  	[sflag:s0] =	ssyncset.done $0x0  }
0x1b: {  	[sflag:s0] =	ssyncadd.s32 $0xFFFFFFC0  }
0x1c: {  	_ =	swait.ge [sflag:s0], $0x40  }
0x1d: {  	[sflag:s0] =	ssyncset.done $0x0  }
0x1e: {  	[sflag:s0] =	ssyncadd.s32 $0xFFFFFFC0  }
0x1f: {  	_ =	swait.ge [sflag:s0], $0x40  }
0x20: {  	[sflag:s0] =	ssyncset.done $0x0  }
0x21: {  	[sflag:s0] =	ssyncadd.s32 $0xFFFFFFC0  }
0x22: {  	_ =	swait.ge [sflag:s0], $0x40  }
0x23: {  	[sflag:s0] =	ssyncset.done $0x0  }
0x24: {  	[sflag:s0] =	ssyncadd.s32 $0xFFFFFFC0  }
0x25: {  	_ =	swait.ge [sflag:s0], $0x40  }
0x26: {  	[sflag:s0] =	ssyncset.done $0x0  }
0x27: {  	[sflag:s0] =	ssyncadd.s32 $0xFFFFFFC0  }
0x28: {  	_ =	swait.ge [sflag:s0], $0x40  }
0x29: {  	[sflag:s0] =	ssyncset.done $0x0  }
0x2a: {  	[sflag:s0] =	ssyncadd.s32 $0xFFFFFFC0  }
0x2b: {  	_ =	swait.ge [sflag:s0], $0x40  }
0x2c: {  	[sflag:s0] =	ssyncset.done $0x0  }
0x2d: {  	[sflag:s0] =	ssyncadd.s32 $0xFFFFFFC0  }
0x2e: {  	_ =	swait.ge [sflag:s0], $0x40  }
0x2f: {  	[sflag:s0] =	ssyncset.done $0x0  }
0x30: {  	[sflag:s0] =	ssyncadd.s32 $0xFFFFFFC0  }
0x31: {  	_ =	swait.ge [sflag:s0], $0x40  }
0x32: {  	[sflag:s0] =	ssyncset.done $0x0  }
0x33: {  	[sflag:s0] =	ssyncadd.s32 $0xFFFFFFC0  }
0x34: {  	_ =	swait.ge [sflag:s0], $0x40  }
0x35: {  	[sflag:s0] =	ssyncset.done $0x0  }
0x36: {  	[sflag:s0] =	ssyncadd.s32 $0xFFFFFFC0  }
0x37: {  	_ =	swait.ge [sflag:s0], $0x40  }
0x38: {  	[sflag:s0] =	ssyncset.done $0x0  }
0x39: {  	[sflag:s0] =	ssyncadd.s32 $0xFFFFFFC0  }
0x3a: {  	_ =	swait.ge [sflag:s0], $0x40  }
0x3b: {  	[sflag:s0] =	ssyncset.done $0x0  }
0x3c: {  	[sflag:s0] =	ssyncadd.s32 $0xFFFFFFC0  }
0x3d: {  	_ =	swait.ge [sflag:s0], $0x40  }
0x3e: {  	[sflag:s0] =	ssyncset.done $0x0  }
0x3f: {  	[sflag:s0] =	ssyncadd.s32 $0xFFFFFFC0  }
0x40: {  	_ =	swait.ge [sflag:s0], $0x40  }
0x41: {  	[sflag:s0] =	ssyncset.done $0x0  }
0x42: {  	[sflag:s0] =	ssyncadd.s32 $0xFFFFFFC0  }
0x43: {  	_ =	swait.ge [sflag:s0], $0x40  }
0x44: {  	[sflag:s0] =	ssyncset.done $0x0  }
0x45: {  	[sflag:s0] =	ssyncadd.s32 $0xFFFFFFC0  }
0x46: {  	_ =	swait.ge [sflag:s0], $0x40  }
0x47: {  	[sflag:s0] =	ssyncset.done $0x0  }
0x48: {  	[sflag:s0] =	ssyncadd.s32 $0xFFFFFFC0  }
0x49: {  	_ =	swait.ge [sflag:s0], $0x40  }
0x4a: {  	[sflag:s0] =	ssyncset.done $0x0  }
0x4b: {  	[sflag:s0] =	ssyncadd.s32 $0xFFFFFFC0  }
0x4c: {  	_ =	swait.ge [sflag:s0], $0x40  }
0x4d: {  	[sflag:s0] =	ssyncset.done $0x0  }
0x4e: {  	[sflag:s0] =	ssyncadd.s32 $0xFFFFFFC0  }
0x4f: {  	_ =	swait.ge [sflag:s0], $0x40  }
0x50: {  	[sflag:s0] =	ssyncset.done $0x0  }
0x51: {  	[sflag:s0] =	ssyncadd.s32 $0xFFFFFFC0  }
0x52: {  	_ =	swait.ge [sflag:s0], $0x40  }
0x53: {  	[sflag:s0] =	ssyncset.done $0x0  }
0x54: {  	[sflag:s0] =	ssyncadd.s32 $0xFFFFFFC0  }
0x55: {  	_ =	swait.ge [sflag:s0], $0x40  }
0x56: {  	[sflag:s0] =	ssyncset.done $0x0  }
0x57: {  	[sflag:s0] =	ssyncadd.s32 $0xFFFFFFC0  }
0x58: {  	_ =	swait.ge [sflag:s0], $0x40  }
0x59: {  	[sflag:s0] =	ssyncset.done $0x0  }
0x5a: {  	[sflag:s0] =	ssyncadd.s32 $0xFFFFFFC0  }
0x5b: {  	_ =	swait.ge [sflag:s0], $0x40  }
0x5c: {  	[sflag:s0] =	ssyncset.done $0x0  }
0x5d: {  	[sflag:s0] =	ssyncadd.s32 $0xFFFFFFC0  }
0x5e: {  	_ =	swait.ge [sflag:s0], $0x40  }
0x5f: {  	[sflag:s0] =	ssyncset.done $0x0  }
0x60: {  	[sflag:s0] =	ssyncadd.s32 $0xFFFFFFC0  }
0x61: {  	_ =	swait.ge [sflag:s0], $0x40  }
0x62: {  	[sflag:s0] =	ssyncset.done $0x0  }
0x63: {  	[sflag:s0] =	ssyncadd.s32 $0xFFFFFFC0  }
0x64: {  	_ =	swait.ge [sflag:s0], $0x40  }
0x65: {  	[sflag:s0] =	ssyncset.done $0x0  }
0x66: {  	[sflag:s0] =	ssyncadd.s32 $0xFFFFFFC0  }
0x67: {  	_ =	swait.ge [sflag:s0], $0x40  }
0x68: {  	[sflag:s0] =	ssyncset.done $0x0  }
0x69: {  	[sflag:s0] =	ssyncadd.s32 $0xFFFFFFC0  }
0x6a: {  	_ =	swait.ge [sflag:s0], $0x40  }
0x6b: {  	[sflag:s0] =	ssyncset.done $0x0  }
0x6c: {  	[sflag:s0] =	ssyncadd.s32 $0xFFFFFFC0  }
0x6d: {  	_ =	swait.ge [sflag:s0], $0x40  }
0x6e: {  	[sflag:s0] =	ssyncset.done $0x0  }
0x6f: {  	[sflag:s0] =	ssyncadd.s32 $0xFFFFFFC0  }
0x70: {  	_ =	swait.ge [sflag:s0], $0x40  }
0x71: {  	[sflag:s0] =	ssyncset.done $0x0  }
0x72: {  	[sflag:s0] =	ssyncadd.s32 $0xFFFFFFC0  }
0x73: {  	_ =	swait.ge [sflag:s0], $0x40  }
0x74: {  	[sflag:s0] =	ssyncset.done $0x0  }
0x75: {  	[sflag:s0] =	ssyncadd.s32 $0xFFFFFFC0  }
0x76: {  	_ =	swait.ge [sflag:s0], $0x40  }
0x77: {  	[sflag:s0] =	ssyncset.done $0x0  }
0x78: {  	[sflag:s0] =	ssyncadd.s32 $0xFFFFFFC0  }
0x79: {  	v3 =	vld [tilespmem:$0x0];
	_ =	sdelay $0x4  }
0x7a: {  	v4 =	vshll.u32 v3, $0x2  }
0x7b: {  	v3 =	vand.u32 $0x7, v3;
	v4 =	vand.u32 $0xFFFFFFE0, v4  }
0x7c: {  	v3 =	vor.u32 v3, v4  }
0x7d: {  	v4 =	vperm.xlane v3, v0;
	_ =	sdelay $0x1  }
0x7e: {  	v4 =	vadd.s32 v1, v4;
	_ =	sdelay $0x1  }
0x7f: {  	v3 =	vperm.xlane v3, v2  }
0x80: {  	s14 =	sld [smem:$0x7FA]  }
0x81: {  	s13 =	simm.s32 $0x0;
	s1 =	simm.s32 $0x9000;
	s0 =	rddreg [dreg:$0x1];
	v3 =	vadd.s32 v1, v3  }
0x82: {  	[tilespmem:s1], [sflag:$0x1] =	stream.indirect_vreg.gather [hbm4b:s0+s13], $0x80, v4, vm0, $0xb8;
	[tilespmem:$0x19000] =	vst v63  }
0x83: {  	s15 =	simm.s32 $0x9800  }
0x84: {  	[tilespmem:s15], [sflag:$0x1] =	stream.indirect_vreg.gather [hbm4b:s14+s13], $0x80, v4, vm0, $0xb8;
	[tilespmem:$0x19000] =	vst v63  }
0x85: {  	s16 =	simm.s32 $0xA000  }
0x86: {  	[tilespmem:s16], [sflag:$0x1] =	stream.indirect_vreg.gather [hbm4b:s0+s13], $0x80, v3, vm0, $0xb8;
	[tilespmem:$0x19000] =	vst v63  }
0x87: {  	s17 =	simm.s32 $0xA800  }
0x88: {  	[tilespmem:s17], [sflag:$0x1] =	stream.indirect_vreg.gather [hbm4b:s14+s13], $0x80, v3, vm0, $0xb8;
	[tilespmem:$0x19000] =	vst v63  }
0x89: {  	v3 =	vld [tilespmem:$0x10];
	_ =	sdelay $0x4  }
0x8a: {  	v61 =	vshll.u32 v3, $0x2  }
0x8b: {  	v3 =	vand.u32 $0x7, v3;
	v4 =	vand.u32 $0xFFFFFFE0, v61  }
0x8c: {  	v3 =	vor.u32 v3, v4  }
0x8d: {  	v4 =	vperm.xlane v3, v0;
	_ =	sdelay $0x1  }
0x8e: {  	v4 =	vadd.s32 v1, v4;
	_ =	sdelay $0x1  }
0x8f: {  	v3 =	vperm.xlane v3, v2;
	_ =	sdelay $0x1  }
0x90: {  	s18 =	simm.s32 $0xB000;
	v3 =	vadd.s32 v1, v3  }
0x91: {  	[tilespmem:s18], [sflag:$0x1] =	stream.indirect_vreg.gather [hbm4b:s0+s13], $0x80, v4, vm0, $0xb8;
	[tilespmem:$0x19000] =	vst v63  }
0x92: {  	s19 =	simm.s32 $0xB800  }
0x93: {  	[tilespmem:s19], [sflag:$0x1] =	stream.indirect_vreg.gather [hbm4b:s14+s13], $0x80, v4, vm0, $0xb8;
	[tilespmem:$0x19000] =	vst v63  }
0x94: {  	s20 =	simm.s32 $0xC000  }
0x95: {  	[tilespmem:s20], [sflag:$0x1] =	stream.indirect_vreg.gather [hbm4b:s0+s13], $0x80, v3, vm0, $0xb8;
	[tilespmem:$0x19000] =	vst v63  }
0x96: {  	s21 =	simm.s32 $0xC800  }
0x97: {  	[tilespmem:s21], [sflag:$0x1] =	stream.indirect_vreg.gather [hbm4b:s14+s13], $0x80, v3, vm0, $0xb8;
	[tilespmem:$0x19000] =	vst v63  }
0x98: {  	v3 =	vld [tilespmem:$0x20];
	_ =	sdelay $0x4  }
0x99: {  	v62 =	vshll.u32 v3, $0x2  }
0x9a: {  	v3 =	vand.u32 $0x7, v3;
	v4 =	vand.u32 $0xFFFFFFE0, v62  }
0x9b: {  	v3 =	vor.u32 v3, v4  }
0x9c: {  	v4 =	vperm.xlane v3, v0;
	_ =	sdelay $0x1  }
0x9d: {  	v4 =	vadd.s32 v1, v4;
	_ =	sdelay $0x1  }
0x9e: {  	v3 =	vperm.xlane v3, v2;
	_ =	sdelay $0x1  }
0x9f: {  	s22 =	simm.s32 $0xD000;
	v3 =	vadd.s32 v1, v3  }
0xa0: {  	[tilespmem:s22], [sflag:$0x1] =	stream.indirect_vreg.gather [hbm4b:s0+s13], $0x80, v4, vm0, $0xb8;
	[tilespmem:$0x19000] =	vst v63  }
0xa1: {  	s23 =	simm.s32 $0xD800  }
0xa2: {  	[tilespmem:s23], [sflag:$0x1] =	stream.indirect_vreg.gather [hbm4b:s14+s13], $0x80, v4, vm0, $0xb8;
	[tilespmem:$0x19000] =	vst v63  }
0xa3: {  	s24 =	simm.s32 $0xE000  }
0xa4: {  	[tilespmem:s24], [sflag:$0x1] =	stream.indirect_vreg.gather [hbm4b:s0+s13], $0x80, v3, vm0, $0xb8;
	[tilespmem:$0x19000] =	vst v63  }
0xa5: {  	s25 =	simm.s32 $0xE800  }
0xa6: {  	[tilespmem:s25], [sflag:$0x1] =	stream.indirect_vreg.gather [hbm4b:s14+s13], $0x80, v3, vm0, $0xb8;
	[tilespmem:$0x19000] =	vst v63  }
0xa7: {  	v3 =	vld [tilespmem:$0x30];
	_ =	sdelay $0x4  }
0xa8: {  	v63 =	vshll.u32 v3, $0x2  }
0xa9: {  	v3 =	vand.u32 $0x7, v3;
	v4 =	vand.u32 $0xFFFFFFE0, v63  }
0xaa: {  	v3 =	vor.u32 v3, v4  }
0xab: {  	v4 =	vperm.xlane v3, v0;
	_ =	sdelay $0x1  }
0xac: {  	v4 =	vadd.s32 v1, v4;
	_ =	sdelay $0x1  }
0xad: {  	v3 =	vperm.xlane v3, v2;
	_ =	sdelay $0x1  }
0xae: {  	s26 =	simm.s32 $0xF000;
	v3 =	vadd.s32 v1, v3  }
0xaf: {  	[tilespmem:s26], [sflag:$0x1] =	stream.indirect_vreg.gather [hbm4b:s0+s13], $0x80, v4, vm0, $0xb8;
	[tilespmem:$0x19000] =	vst v63  }
0xb0: {  	s28 =	simm.s32 $0xF800  }
0xb1: {  	[tilespmem:s28], [sflag:$0x1] =	stream.indirect_vreg.gather [hbm4b:s14+s13], $0x80, v4, vm0, $0xb8;
	[tilespmem:$0x19000] =	vst v63  }
0xb2: {  	s29 =	simm.s32 $0x10000  }
0xb3: {  	[tilespmem:s29], [sflag:$0x1] =	stream.indirect_vreg.gather [hbm4b:s0+s13], $0x80, v3, vm0, $0xb8;
	[tilespmem:$0x19000] =	vst v63  }
0xb4: {  	s30 =	simm.s32 $0x10800;
	s31 =	simm.s32 $0x6  }
0xb5: {  	[tilespmem:s30], [sflag:$0x1] =	stream.indirect_vreg.gather [hbm4b:s14+s13], $0x80, v3, vm0, $0xb8;
	[tilespmem:$0x19000] =	vst v63  }
0xb6: {  	_ =	swait.ge [sflag:s31], $0x8000  }
0xb7: {  	[sflag:s31] =	ssyncset.done $0x0  }
0xb8: {  	s1 =	simm.s32 $0x0;
	[sflag:s31] =	ssyncadd.s32 $0xFFFF8000  }
.LBB2_4:
0xb9: {  	s0 =	simm.s32 $0x1  }
0xba: {  	_ =	swait.ge [sflag:s0], $0x8000  }
0xbb: {  	p0 =	seq.s32 s1, $0x0;
	[sflag:s0] =	ssyncset.done $0x0  }
0xbc: {  	[smem:$0x7F6] =	sst s1;
	[sflag:s0] =	ssyncadd.s32 $0xFFFF8000;
	s0 =	simm.s32 @!p0 $0x4  }
0xbd: {  	s14 =	sshllo.u32 s1, $0x1;
	_ =	swait.ge @!p0 [sflag:s0], $0x8000  }
0xbe: {  	s1 =	sshll.u32 s14, $0x7;
	[sflag:s0] =	ssyncset.done @!p0 $0x0  }
0xbf: {  	s15 =	sand.u32 $0x3FFFFF80, s1;
	[sflag:s0] =	ssyncadd.s32 @!p0 $0xFFFF8000  }
0xc0: {  	v3 =	vld [tilespmem:s15+$0x0];
	_ =	sdelay $0x4  }
0xc1: {  	v4 =	vshll.u32 v3, $0x2  }
0xc2: {  	v3 =	vand.u32 $0x7, v3;
	v4 =	vand.u32 $0xFFFFFFE0, v4  }
0xc3: {  	v3 =	vor.u32 v3, v4  }
0xc4: {  	v4 =	vperm.xlane v3, v0;
	_ =	sdelay $0x1  }
0xc5: {  	v4 =	vadd.s32 v1, v4;
	_ =	sdelay $0x1  }
0xc6: {  	v3 =	vperm.xlane v3, v2  }
0xc7: {  	s2 =	sld [smem:$0x7FA]  }
0xc8: {  	s4 =	simm.s32 $0x0;
	s16 =	rddreg [dreg:$0x1];
	v3 =	vadd.s32 v1, v3  }
0xc9: {  	[tilespmem:s5], [sflag:$0x2] =	stream.indirect_vreg.gather [hbm4b:s16+s4], $0x80, v4, vm0, $0xb8;
	[tilespmem:$0x19000] =	vst v63  }
0xca: {  	s3 =	simm.s32 $0x11800  }
0xcb: {  	[tilespmem:s3], [sflag:$0x2] =	stream.indirect_vreg.gather [hbm4b:s2+s4], $0x80, v4, vm0, $0xb8;
	[tilespmem:$0x19000] =	vst v63  }
0xcc: {  	s17 =	simm.s32 $0x12000  }
0xcd: {  	[tilespmem:s17], [sflag:$0x2] =	stream.indirect_vreg.gather [hbm4b:s16+s4], $0x80, v3, vm0, $0xb8;
	[tilespmem:$0x19000] =	vst v63  }
0xce: {  	s18 =	simm.s32 $0x12800  }
0xcf: {  	[tilespmem:s18], [sflag:$0x2] =	stream.indirect_vreg.gather [hbm4b:s2+s4], $0x80, v3, vm0, $0xb8;
	[tilespmem:$0x19000] =	vst v63  }
0xd0: {  	v3 =	vld [tilespmem:s15+$0x10];
	_ =	sdelay $0x4  }
0xd1: {  	v4 =	vshll.u32 v3, $0x2  }
0xd2: {  	v3 =	vand.u32 $0x7, v3;
	v4 =	vand.u32 $0xFFFFFFE0, v4  }
0xd3: {  	v3 =	vor.u32 v3, v4  }
0xd4: {  	v4 =	vperm.xlane v3, v0;
	_ =	sdelay $0x1  }
0xd5: {  	v4 =	vadd.s32 v1, v4;
	_ =	sdelay $0x1  }
0xd6: {  	v3 =	vperm.xlane v3, v2;
	_ =	sdelay $0x1  }
0xd7: {  	s19 =	simm.s32 $0x13000;
	v3 =	vadd.s32 v1, v3  }
0xd8: {  	[tilespmem:s19], [sflag:$0x2] =	stream.indirect_vreg.gather [hbm4b:s16+s4], $0x80, v4, vm0, $0xb8;
	[tilespmem:$0x19000] =	vst v63  }
0xd9: {  	s20 =	simm.s32 $0x13800  }
0xda: {  	[tilespmem:s20], [sflag:$0x2] =	stream.indirect_vreg.gather [hbm4b:s2+s4], $0x80, v4, vm0, $0xb8;
	[tilespmem:$0x19000] =	vst v63  }
0xdb: {  	s21 =	simm.s32 $0x14000  }
0xdc: {  	[tilespmem:s21], [sflag:$0x2] =	stream.indirect_vreg.gather [hbm4b:s16+s4], $0x80, v3, vm0, $0xb8;
	[tilespmem:$0x19000] =	vst v63  }
0xdd: {  	s22 =	simm.s32 $0x14800  }
0xde: {  	[tilespmem:s22], [sflag:$0x2] =	stream.indirect_vreg.gather [hbm4b:s2+s4], $0x80, v3, vm0, $0xb8;
	[tilespmem:$0x19000] =	vst v63  }
0xdf: {  	v3 =	vld [tilespmem:s15+$0x20];
	_ =	sdelay $0x4  }
0xe0: {  	v4 =	vshll.u32 v3, $0x2  }
0xe1: {  	v3 =	vand.u32 $0x7, v3;
	v4 =	vand.u32 $0xFFFFFFE0, v4  }
0xe2: {  	v3 =	vor.u32 v3, v4  }
0xe3: {  	v4 =	vperm.xlane v3, v0;
	_ =	sdelay $0x1  }
0xe4: {  	v4 =	vadd.s32 v1, v4;
	_ =	sdelay $0x1  }
0xe5: {  	v3 =	vperm.xlane v3, v2;
	_ =	sdelay $0x1  }
0xe6: {  	s23 =	simm.s32 $0x15000;
	v3 =	vadd.s32 v1, v3  }
0xe7: {  	[tilespmem:s23], [sflag:$0x2] =	stream.indirect_vreg.gather [hbm4b:s16+s4], $0x80, v4, vm0, $0xb8;
	[tilespmem:$0x19000] =	vst v63  }
0xe8: {  	s24 =	simm.s32 $0x15800  }
0xe9: {  	[tilespmem:s24], [sflag:$0x2] =	stream.indirect_vreg.gather [hbm4b:s2+s4], $0x80, v4, vm0, $0xb8;
	[tilespmem:$0x19000] =	vst v63  }
0xea: {  	s25 =	simm.s32 $0x16000  }
0xeb: {  	[tilespmem:s25], [sflag:$0x2] =	stream.indirect_vreg.gather [hbm4b:s16+s4], $0x80, v3, vm0, $0xb8;
	[tilespmem:$0x19000] =	vst v63  }
0xec: {  	s26 =	simm.s32 $0x16800  }
0xed: {  	[tilespmem:s26], [sflag:$0x2] =	stream.indirect_vreg.gather [hbm4b:s2+s4], $0x80, v3, vm0, $0xb8;
	[tilespmem:$0x19000] =	vst v63  }
0xee: {  	v3 =	vld [tilespmem:s15+$0x30];
	_ =	sdelay $0x4  }
0xef: {  	v4 =	vshll.u32 v3, $0x2  }
0xf0: {  	v3 =	vand.u32 $0x7, v3;
	v4 =	vand.u32 $0xFFFFFFE0, v4  }
0xf1: {  	v3 =	vor.u32 v3, v4  }
0xf2: {  	v4 =	vperm.xlane v3, v0;
	_ =	sdelay $0x1  }
0xf3: {  	v4 =	vadd.s32 v1, v4;
	_ =	sdelay $0x1  }
0xf4: {  	v3 =	vperm.xlane v3, v2;
	_ =	sdelay $0x1  }
0xf5: {  	s29 =	simm.s32 $0x17000;
	v3 =	vadd.s32 v1, v3  }
0xf6: {  	[tilespmem:s29], [sflag:$0x2] =	stream.indirect_vreg.gather [hbm4b:s16+s4], $0x80, v4, vm0, $0xb8;
	[tilespmem:$0x19000] =	vst v63  }
0xf7: {  	s30 =	simm.s32 $0x17800  }
0xf8: {  	[tilespmem:s30], [sflag:$0x2] =	stream.indirect_vreg.gather [hbm4b:s2+s4], $0x80, v4, vm0, $0xb8;
	[tilespmem:$0x19000] =	vst v63  }
0xf9: {  	s31 =	simm.s32 $0x18000  }
0xfa: {  	[tilespmem:s31], [sflag:$0x2] =	stream.indirect_vreg.gather [hbm4b:s16+s4], $0x80, v3, vm0, $0xb8;
	[tilespmem:$0x19000] =	vst v63  }
0xfb: {  	s1 =	simm.s32 $0x18800  }
0xfc: {  	[tilespmem:s1], [sflag:$0x2] =	stream.indirect_vreg.gather [hbm4b:s2+s4], $0x80, v3, vm0, $0xb8;
	[tilespmem:$0x19000] =	vst v63  }
0xfd: {  	s3 =	sand.u32 $0x200, s4;
	s2 =	sand.u32 $0x7000, s4  }
0xfe: {  	[smem:$0x7F7] =	sst s14;
	s4 =	sor.u32 s3, s2  }
0xff: {  	v3 =	vld [tilespmem:s4+$0x1180]  }
0x100: {  	v4 =	vld [tilespmem:s4+$0x1190]  }
0x101: {  	v5 =	vld [tilespmem:s4+$0x11A0]  }
0x102: {  	v6 =	vld [tilespmem:s4+$0x11B0]  }
0x103: {  	v7 =	vld [tilespmem:s4+$0x11C0]  }
0x104: {  	v8 =	vld [tilespmem:s4+$0x11D0]  }
0x105: {  	v9 =	vld [tilespmem:s4+$0x11E0]  }
0x106: {  	v10 =	vld [tilespmem:s4+$0x11F0]  }
0x107: {  	v11 =	vld [tilespmem:s4+$0x1580]  }
0x108: {  	v12 =	vld [tilespmem:s4+$0x1590]  }
0x109: {  	v13 =	vld [tilespmem:s4+$0x15A0]  }
0x10a: {  	v14 =	vld [tilespmem:s4+$0x15B0]  }
0x10b: {  	v15 =	vld [tilespmem:s4+$0x15C0]  }
0x10c: {  	v16 =	vld [tilespmem:s4+$0x15D0]  }
0x10d: {  	v17 =	vld [tilespmem:s4+$0x15E0]  }
0x10e: {  	v18 =	vld [tilespmem:s4+$0x15F0]  }
0x10f: {  	v53 =	vld [tilespmem:s4+$0x1040]  }
0x110: {  	v54 =	vld [tilespmem:s4+$0x1050]  }
0x111: {  	v55 =	vld [tilespmem:s4+$0x1060]  }
0x112: {  	v56 =	vld [tilespmem:s4+$0x1070]  }
0x113: {  	v57 =	vld [tilespmem:s4+$0x1400]  }
0x114: {  	v58 =	vld [tilespmem:s4+$0x1410]  }
0x115: {  	v59 =	vld [tilespmem:s4+$0x1420]  }
0x116: {  	v60 =	vld [tilespmem:s4+$0x1430]  }
0x117: {  	v61 =	vld [tilespmem:s4+$0x1440]  }
0x118: {  	v62 =	vld [tilespmem:s4+$0x1450]  }
0x119: {  	v63 =	vld [tilespmem:s4+$0x1460]  }
0x11a: {  	v19 =	vld [tilespmem:s4+$0x1470]  }
0x11b: {  	v20 =	vld [tilespmem:s4+$0x1080]  }
0x11c: {  	v21 =	vld [tilespmem:s4+$0x1090]  }
0x11d: {  	v22 =	vld [tilespmem:s4+$0x10A0]  }
0x11e: {  	v23 =	vld [tilespmem:s4+$0x10B0]  }
0x11f: {  	v24 =	vld [tilespmem:s4+$0x10C0]  }
0x120: {  	v25 =	vld [tilespmem:s4+$0x10D0]  }
0x121: {  	v26 =	vld [tilespmem:s4+$0x10E0]  }
0x122: {  	v27 =	vld [tilespmem:s4+$0x10F0]  }
0x123: {  	v28 =	vld [tilespmem:s4+$0x1480]  }
0x124: {  	v29 =	vld [tilespmem:s4+$0x1490]  }
0x125: {  	v30 =	vld [tilespmem:s4+$0x14A0]  }
0x126: {  	v31 =	vld [tilespmem:s4+$0x14B0]  }
0x127: {  	v32 =	vld [tilespmem:s4+$0x14C0]  }
0x128: {  	v33 =	vld [tilespmem:s4+$0x14D0]  }
0x129: {  	v34 =	vld [tilespmem:s4+$0x14E0]  }
0x12a: {  	v35 =	vld [tilespmem:s4+$0x14F0]  }
0x12b: {  	v36 =	vld [tilespmem:s4+$0x1100]  }
0x12c: {  	v37 =	vld [tilespmem:s4+$0x1110]  }
0x12d: {  	v38 =	vld [tilespmem:s4+$0x1120]  }
0x12e: {  	v39 =	vld [tilespmem:s4+$0x1130]  }
0x12f: {  	v40 =	vld [tilespmem:s4+$0x1140]  }
0x130: {  	v41 =	vld [tilespmem:s4+$0x1150]  }
0x131: {  	v42 =	vld [tilespmem:s4+$0x1160]  }
0x132: {  	v43 =	vld [tilespmem:s4+$0x1170]  }
0x133: {  	v44 =	vld [tilespmem:s4+$0x1500]  }
0x134: {  	v45 =	vld [tilespmem:s4+$0x1510]  }
0x135: {  	v46 =	vld [tilespmem:s4+$0x1520]  }
0x136: {  	v47 =	vld [tilespmem:s4+$0x1530]  }
0x137: {  	v48 =	vld [tilespmem:s4+$0x1550]  }
0x138: {  	v49 =	vld [tilespmem:s4+$0x1560]  }
0x139: {  	v50 =	vld [tilespmem:s4+$0x1570]  }
0x13a: {  	[tilespmem:s4+$0x9180] =	vst.add.f32.msk $0xffff, v3  }
0x13b: {  	[tilespmem:s4+$0x9190] =	vst.add.f32.msk $0xffff, v4  }
0x13c: {  	[tilespmem:s4+$0x91A0] =	vst.add.f32.msk $0xffff, v5  }
0x13d: {  	[tilespmem:s4+$0x91B0] =	vst.add.f32.msk $0xffff, v6  }
0x13e: {  	[tilespmem:s4+$0x91C0] =	vst.add.f32.msk $0xffff, v7  }
0x13f: {  	[tilespmem:s4+$0x91D0] =	vst.add.f32.msk $0xffff, v8  }
0x140: {  	[tilespmem:s4+$0x91E0] =	vst.add.f32.msk $0xffff, v9  }
0x141: {  	[tilespmem:s4+$0x91F0] =	vst.add.f32.msk $0xffff, v10  }
0x142: {  	[tilespmem:s4+$0x9580] =	vst.add.f32.msk $0xffff, v11  }
0x143: {  	[tilespmem:s4+$0x9590] =	vst.add.f32.msk $0xffff, v12  }
0x144: {  	[tilespmem:s4+$0x95A0] =	vst.add.f32.msk $0xffff, v13  }
0x145: {  	[tilespmem:s4+$0x95B0] =	vst.add.f32.msk $0xffff, v14  }
0x146: {  	[tilespmem:s4+$0x95C0] =	vst.add.f32.msk $0xffff, v15  }
0x147: {  	[tilespmem:s4+$0x95D0] =	vst.add.f32.msk $0xffff, v16  }
0x148: {  	[tilespmem:s4+$0x95E0] =	vst.add.f32.msk $0xffff, v17  }
0x149: {  	[tilespmem:s4+$0x95F0] =	vst.add.f32.msk $0xffff, v18  }
0x14a: {  	v4 =	vld [tilespmem:s4+$0x1000]  }
0x14b: {  	v5 =	vld [tilespmem:s4+$0x1010]  }
0x14c: {  	v6 =	vld [tilespmem:s4+$0x1020]  }
0x14d: {  	v7 =	vld [tilespmem:s4+$0x1030]  }
0x14e: {  	[tilespmem:s4+$0x9040] =	vst.add.f32.msk $0xffff, v53  }
0x14f: {  	p0 =	por $0x0, $0x0;
	s0 =	simm.s32 $0x1;
	[tilespmem:s4+$0x9050] =	vst.add.f32.msk $0xffff, v54  }
0x150: {  	s0 =	simm.s32 @!p0 $0x0;
	[tilespmem:s4+$0x9060] =	vst.add.f32.msk $0xffff, v55  }
0x151: {  	s0 =	sshll.u32 s0, $0x9;
	[tilespmem:s4+$0x9070] =	vst.add.f32.msk $0xffff, v56  }
0x152: {  	s1 =	sadd.s32 $0x0, s0;
	[tilespmem:s4+$0x9400] =	vst.add.f32.msk $0xffff, v57  }
0x153: {  	s0 =	sadd.s32 $0x180, s1;
	[tilespmem:s4+$0x9410] =	vst.add.f32.msk $0xffff, v58  }
0x154: {  	s7 =	sor.u32 $0x800, s0;
	[tilespmem:s4+$0x9420] =	vst.add.f32.msk $0xffff, v59  }
0x155: {  	v3 =	vld [tilespmem:s7+$0x1000]  }
0x156: {  	[tilespmem:s4+$0x9430] =	vst.add.f32.msk $0xffff, v60  }
0x157: {  	[tilespmem:s4+$0x9440] =	vst.add.f32.msk $0xffff, v61  }
0x158: {  	[tilespmem:s4+$0x9450] =	vst.add.f32.msk $0xffff, v62  }
0x159: {  	[tilespmem:s4+$0x9460] =	vst.add.f32.msk $0xffff, v63  }
0x15a: {  	s8 =	sor.u32 $0x810, s0;
	[tilespmem:s7+$0x9000] =	vst.add.f32.msk $0xffff, v3  }
0x15b: {  	v3 =	vld [tilespmem:s8+$0x1000]  }
0x15c: {  	[tilespmem:s4+$0x9470] =	vst.add.f32.msk $0xffff, v19  }
0x15d: {  	[tilespmem:s4+$0x9080] =	vst.add.f32.msk $0xffff, v20  }
0x15e: {  	[tilespmem:s4+$0x9090] =	vst.add.f32.msk $0xffff, v21  }
0x15f: {  	[tilespmem:s4+$0x90A0] =	vst.add.f32.msk $0xffff, v22  }
0x160: {  	s9 =	sor.u32 $0x820, s0;
	[tilespmem:s8+$0x9000] =	vst.add.f32.msk $0xffff, v3  }
0x161: {  	v3 =	vld [tilespmem:s9+$0x1000]  }
0x162: {  	[tilespmem:s4+$0x90B0] =	vst.add.f32.msk $0xffff, v23  }
0x163: {  	[tilespmem:s4+$0x90C0] =	vst.add.f32.msk $0xffff, v24  }
0x164: {  	[tilespmem:s4+$0x90D0] =	vst.add.f32.msk $0xffff, v25  }
0x165: {  	[tilespmem:s4+$0x90E0] =	vst.add.f32.msk $0xffff, v26  }
0x166: {  	s10 =	sor.u32 $0x830, s0;
	[tilespmem:s9+$0x9000] =	vst.add.f32.msk $0xffff, v3  }
0x167: {  	v3 =	vld [tilespmem:s10+$0x1000]  }
0x168: {  	[tilespmem:s4+$0x90F0] =	vst.add.f32.msk $0xffff, v27  }
0x169: {  	[tilespmem:s4+$0x9480] =	vst.add.f32.msk $0xffff, v28  }
0x16a: {  	[tilespmem:s4+$0x9490] =	vst.add.f32.msk $0xffff, v29  }
0x16b: {  	[tilespmem:s4+$0x94A0] =	vst.add.f32.msk $0xffff, v30  }
0x16c: {  	s11 =	sor.u32 $0x840, s0;
	[tilespmem:s10+$0x9000] =	vst.add.f32.msk $0xffff, v3  }
0x16d: {  	v3 =	vld [tilespmem:s11+$0x1000]  }
0x16e: {  	[tilespmem:s4+$0x94B0] =	vst.add.f32.msk $0xffff, v31  }
0x16f: {  	[tilespmem:s4+$0x94C0] =	vst.add.f32.msk $0xffff, v32  }
0x170: {  	[tilespmem:s4+$0x94D0] =	vst.add.f32.msk $0xffff, v33  }
0x171: {  	[tilespmem:s4+$0x94E0] =	vst.add.f32.msk $0xffff, v34  }
0x172: {  	s12 =	sor.u32 $0x850, s0;
	[tilespmem:s11+$0x9000] =	vst.add.f32.msk $0xffff, v3  }
0x173: {  	v3 =	vld [tilespmem:s12+$0x1000]  }
0x174: {  	[tilespmem:s4+$0x94F0] =	vst.add.f32.msk $0xffff, v35  }
0x175: {  	[tilespmem:s4+$0x9100] =	vst.add.f32.msk $0xffff, v36  }
0x176: {  	[tilespmem:s4+$0x9110] =	vst.add.f32.msk $0xffff, v37  }
0x177: {  	[tilespmem:s4+$0x9120] =	vst.add.f32.msk $0xffff, v38  }
0x178: {  	s13 =	sor.u32 $0x860, s0;
	[tilespmem:s12+$0x9000] =	vst.add.f32.msk $0xffff, v3  }
0x179: {  	v3 =	vld [tilespmem:s13+$0x1000]  }
0x17a: {  	[tilespmem:s4+$0x9130] =	vst.add.f32.msk $0xffff, v39  }
0x17b: {  	[tilespmem:s4+$0x9140] =	vst.add.f32.msk $0xffff, v40  }
0x17c: {  	[tilespmem:s4+$0x9150] =	vst.add.f32.msk $0xffff, v41  }
0x17d: {  	[tilespmem:s4+$0x9160] =	vst.add.f32.msk $0xffff, v42  }
0x17e: {  	s14 =	sor.u32 $0x870, s0;
	[tilespmem:s13+$0x9000] =	vst.add.f32.msk $0xffff, v3  }
0x17f: {  	s3 =	sadd.s32 $0x80, s1;
	v3 =	vld [tilespmem:s14+$0x1000]  }
0x180: {  	s6 =	sor.u32 $0x800, s3;
	[tilespmem:s4+$0x9000] =	vst.add.f32.msk $0xffff, v4  }
0x181: {  	v4 =	vld [tilespmem:s6+$0x1000]  }
0x182: {  	[tilespmem:s4+$0x9170] =	vst.add.f32.msk $0xffff, v43  }
0x183: {  	[tilespmem:s4+$0x9500] =	vst.add.f32.msk $0xffff, v44  }
0x184: {  	s15 =	sor.u32 $0xC00, s0;
	[tilespmem:s14+$0x9000] =	vst.add.f32.msk $0xffff, v3  }
0x185: {  	v3 =	vld [tilespmem:s15+$0x1000]  }
0x186: {  	s20 =	sor.u32 $0x810, s3;
	[tilespmem:s6+$0x9000] =	vst.add.f32.msk $0xffff, v4  }
0x187: {  	v4 =	vld [tilespmem:s20+$0x1000]  }
0x188: {  	[tilespmem:s4+$0x9510] =	vst.add.f32.msk $0xffff, v45  }
0x189: {  	[tilespmem:s4+$0x9520] =	vst.add.f32.msk $0xffff, v46  }
0x18a: {  	s16 =	sor.u32 $0xC10, s0;
	[tilespmem:s15+$0x9000] =	vst.add.f32.msk $0xffff, v3  }
0x18b: {  	v3 =	vld [tilespmem:s16+$0x1000]  }
0x18c: {  	s23 =	sor.u32 $0x820, s3;
	[tilespmem:s20+$0x9000] =	vst.add.f32.msk $0xffff, v4  }
0x18d: {  	v4 =	vld [tilespmem:s23+$0x1000]  }
0x18e: {  	[tilespmem:s4+$0x9530] =	vst.add.f32.msk $0xffff, v47  }
0x18f: {  	[tilespmem:s4+$0x9550] =	vst.add.f32.msk $0xffff, v48  }
0x190: {  	s17 =	sor.u32 $0xC20, s0;
	[tilespmem:s16+$0x9000] =	vst.add.f32.msk $0xffff, v3  }
0x191: {  	v3 =	vld [tilespmem:s17+$0x1000]  }
0x192: {  	s26 =	sor.u32 $0x830, s3;
	[tilespmem:s23+$0x9000] =	vst.add.f32.msk $0xffff, v4  }
0x193: {  	v4 =	vld [tilespmem:s26+$0x1000]  }
0x194: {  	[tilespmem:s4+$0x9560] =	vst.add.f32.msk $0xffff, v49  }
0x195: {  	[tilespmem:s4+$0x9010] =	vst.add.f32.msk $0xffff, v5  }
0x196: {  	[tilespmem:s17+$0x9000] =	vst.add.f32.msk $0xffff, v3  }
0x197: {  	v3 =	vld [tilespmem:s4+$0x1540]  }
0x198: {  	s6 =	sor.u32 $0x840, s3;
	[tilespmem:s26+$0x9000] =	vst.add.f32.msk $0xffff, v4  }
0x199: {  	v4 =	vld [tilespmem:s6+$0x1000]  }
0x19a: {  	[tilespmem:s4+$0x9020] =	vst.add.f32.msk $0xffff, v6  }
0x19b: {  	[tilespmem:s4+$0x9030] =	vst.add.f32.msk $0xffff, v7  }
0x19c: {  	s18 =	sor.u32 $0x800, s1;
	[tilespmem:s4+$0x9540] =	vst.add.f32.msk $0xffff, v3  }
0x19d: {  	v3 =	vld [tilespmem:s18+$0x1000]  }
0x19e: {  	s10 =	sor.u32 $0x850, s3;
	[tilespmem:s6+$0x9000] =	vst.add.f32.msk $0xffff, v4  }
0x19f: {  	s5 =	sadd.s32 $0x100, s1;
	v4 =	vld [tilespmem:s10+$0x1000]  }
0x1a0: {  	[tilespmem:s4+$0x9570] =	vst.add.f32.msk $0xffff, v50;
	s7 =	sor.u32 $0x800, s5  }
0x1a1: {  	v5 =	vld [tilespmem:s7+$0x1000]  }
0x1a2: {  	s19 =	sor.u32 $0x810, s1;
	[tilespmem:s18+$0x9000] =	vst.add.f32.msk $0xffff, v3  }
0x1a3: {  	v3 =	vld [tilespmem:s19+$0x1000]  }
0x1a4: {  	[tilespmem:s10+$0x9000] =	vst.add.f32.msk $0xffff, v4;
	s14 =	sor.u32 $0x860, s3  }
0x1a5: {  	v4 =	vld [tilespmem:s14+$0x1000]  }
0x1a6: {  	s8 =	sor.u32 $0x810, s5;
	[tilespmem:s7+$0x9000] =	vst.add.f32.msk $0xffff, v5  }
0x1a7: {  	v5 =	vld [tilespmem:s8+$0x1000]  }
0x1a8: {  	s22 =	sor.u32 $0x820, s1;
	[tilespmem:s19+$0x9000] =	vst.add.f32.msk $0xffff, v3  }
0x1a9: {  	v3 =	vld [tilespmem:s22+$0x1000]  }
0x1aa: {  	s21 =	sor.u32 $0xC30, s0;
	[tilespmem:s14+$0x9000] =	vst.add.f32.msk $0xffff, v4  }
0x1ab: {  	v6 =	vld [tilespmem:s21+$0x1000]  }
0x1ac: {  	s24 =	sor.u32 $0x820, s5;
	[tilespmem:s8+$0x9000] =	vst.add.f32.msk $0xffff, v5  }
0x1ad: {  	v5 =	vld [tilespmem:s24+$0x1000]  }
0x1ae: {  	s25 =	sor.u32 $0x830, s1;
	[tilespmem:s22+$0x9000] =	vst.add.f32.msk $0xffff, v3  }
0x1af: {  	s17 =	sor.u32 $0x870, s3;
	v3 =	vld [tilespmem:s25+$0x1000]  }
0x1b0: {  	v4 =	vld [tilespmem:s17+$0x1000]  }
0x1b1: {  	[tilespmem:s21+$0x9000] =	vst.add.f32.msk $0xffff, v6  }
0x1b2: {  	s30 =	sor.u32 $0x830, s5;
	[tilespmem:s24+$0x9000] =	vst.add.f32.msk $0xffff, v5  }
0x1b3: {  	v5 =	vld [tilespmem:s30+$0x1000]  }
0x1b4: {  	s31 =	sor.u32 $0x840, s1;
	[tilespmem:s25+$0x9000] =	vst.add.f32.msk $0xffff, v3  }
0x1b5: {  	v3 =	vld [tilespmem:s31+$0x1000]  }
0x1b6: {  	s29 =	sor.u32 $0xC40, s0;
	[tilespmem:s17+$0x9000] =	vst.add.f32.msk $0xffff, v4  }
0x1b7: {  	v6 =	vld [tilespmem:s29+$0x1000]  }
0x1b8: {  	s7 =	sor.u32 $0x840, s5;
	[tilespmem:s30+$0x9000] =	vst.add.f32.msk $0xffff, v5  }
0x1b9: {  	v5 =	vld [tilespmem:s7+$0x1000]  }
0x1ba: {  	s9 =	sor.u32 $0x850, s1;
	[tilespmem:s31+$0x9000] =	vst.add.f32.msk $0xffff, v3  }
0x1bb: {  	s21 =	sor.u32 $0xC00, s3;
	v3 =	vld [tilespmem:s9+$0x1000]  }
0x1bc: {  	v4 =	vld [tilespmem:s21+$0x1000]  }
0x1bd: {  	[tilespmem:s29+$0x9000] =	vst.add.f32.msk $0xffff, v6  }
0x1be: {  	s12 =	sor.u32 $0x850, s5;
	[tilespmem:s7+$0x9000] =	vst.add.f32.msk $0xffff, v5  }
0x1bf: {  	v5 =	vld [tilespmem:s12+$0x1000]  }
0x1c0: {  	s13 =	sor.u32 $0x860, s1;
	[tilespmem:s9+$0x9000] =	vst.add.f32.msk $0xffff, v3  }
0x1c1: {  	v3 =	vld [tilespmem:s13+$0x1000]  }
0x1c2: {  	s11 =	sor.u32 $0xC50, s0;
	[tilespmem:s21+$0x9000] =	vst.add.f32.msk $0xffff, v4  }
0x1c3: {  	v6 =	vld [tilespmem:s11+$0x1000]  }
0x1c4: {  	s15 =	sor.u32 $0x860, s5;
	[tilespmem:s12+$0x9000] =	vst.add.f32.msk $0xffff, v5  }
0x1c5: {  	v5 =	vld [tilespmem:s15+$0x1000]  }
0x1c6: {  	s16 =	sor.u32 $0x870, s1;
	[tilespmem:s13+$0x9000] =	vst.add.f32.msk $0xffff, v3  }
0x1c7: {  	v3 =	vld [tilespmem:s16+$0x1000]  }
0x1c8: {  	s18 =	sor.u32 $0xC60, s0;
	[tilespmem:s11+$0x9000] =	vst.add.f32.msk $0xffff, v6  }
0x1c9: {  	v6 =	vld [tilespmem:s18+$0x1000]  }
0x1ca: {  	s19 =	sor.u32 $0x870, s5;
	[tilespmem:s15+$0x9000] =	vst.add.f32.msk $0xffff, v5  }
0x1cb: {  	v5 =	vld [tilespmem:s19+$0x1000]  }
0x1cc: {  	s20 =	sor.u32 $0xC00, s1;
	[tilespmem:s16+$0x9000] =	vst.add.f32.msk $0xffff, v3  }
0x1cd: {  	v3 =	vld [tilespmem:s20+$0x1000]  }
0x1ce: {  	s24 =	sor.u32 $0xC10, s3;
	[tilespmem:s18+$0x9000] =	vst.add.f32.msk $0xffff, v6  }
0x1cf: {  	v4 =	vld [tilespmem:s24+$0x1000]  }
0x1d0: {  	s22 =	sor.u32 $0xC00, s5;
	[tilespmem:s19+$0x9000] =	vst.add.f32.msk $0xffff, v5  }
0x1d1: {  	v5 =	vld [tilespmem:s22+$0x1000]  }
0x1d2: {  	s23 =	sor.u32 $0xC10, s1;
	[tilespmem:s20+$0x9000] =	vst.add.f32.msk $0xffff, v3  }
0x1d3: {  	s0 =	sor.u32 $0xC70, s0;
	v3 =	vld [tilespmem:s23+$0x1000]  }
0x1d4: {  	v6 =	vld [tilespmem:s0+$0x1000]  }
0x1d5: {  	[tilespmem:s24+$0x9000] =	vst.add.f32.msk $0xffff, v4  }
0x1d6: {  	s25 =	sor.u32 $0xC10, s5;
	[tilespmem:s22+$0x9000] =	vst.add.f32.msk $0xffff, v5  }
0x1d7: {  	v5 =	vld [tilespmem:s25+$0x1000]  }
0x1d8: {  	s26 =	sor.u32 $0xC20, s1;
	[tilespmem:s23+$0x9000] =	vst.add.f32.msk $0xffff, v3  }
0x1d9: {  	s29 =	sor.u32 $0xC20, s3;
	v3 =	vld [tilespmem:s26+$0x1000]  }
0x1da: {  	v4 =	vld [tilespmem:s29+$0x1000]  }
0x1db: {  	[tilespmem:s0+$0x9000] =	vst.add.f32.msk $0xffff, v6  }
0x1dc: {  	s30 =	sor.u32 $0xC20, s5;
	[tilespmem:s25+$0x9000] =	vst.add.f32.msk $0xffff, v5  }
0x1dd: {  	v5 =	vld [tilespmem:s30+$0x1000]  }
0x1de: {  	s31 =	sor.u32 $0xC30, s1;
	[tilespmem:s26+$0x9000] =	vst.add.f32.msk $0xffff, v3  }
0x1df: {  	s28 =	sor.u32 $0xC50, s5;
	s6 =	sor.u32 $0xC60, s1;
	v6 =	vld [tilespmem:s31+$0x1000]  }
0x1e0: {  	s14 =	sor.u32 $0xC40, s5;
	s4 =	sor.u32 $0xC50, s1;
	s18 =	sor.u32 $0xC30, s3;
	[tilespmem:s29+$0x9000] =	vst.add.f32.msk $0xffff, v4  }
0x1e1: {  	s17 =	simm.s32 $0x800;
	s0 =	sor.u32 $0xC70, s1;
	s7 =	sor.u32 $0xC50, s3;
	v3 =	vld [tilespmem:s18+$0x1000]  }
0x1e2: {  	s9 =	sor.u32 $0xC60, s5;
	s12 =	sor.u32 $0xC40, s1;
	s19 =	sor.u32 $0xC30, s5;
	[tilespmem:s30+$0x9000] =	vst.add.f32.msk $0xffff, v5  }
0x1e3: {  	s1 =	sor.u32 $0xC70, s3;
	s13 =	sor.u32 $0xC40, s3;
	s15 =	simm.s32 $0x0;
	v4 =	vld [tilespmem:s19+$0x1000]  }
0x1e4: {  	s16 =	simm.s32 $0x200;
	s5 =	sor.u32 $0xC70, s5;
	s20 =	sor.u32 $0xC60, s3;
	[tilespmem:s31+$0x9000] =	vst.add.f32.msk $0xffff, v6  }
.LBB2_5:
0x1e5: {  	s11 =	sand.u32 $0x7000, s17;
	s3 =	sand.u32 $0x200, s16  }
0x1e6: {  	s25 =	sor.u32 s3, s11  }
0x1e7: {  	v5 =	vld [tilespmem:s25+$0x11A0]  }
0x1e8: {  	v6 =	vld [tilespmem:s25+$0x11B0]  }
0x1e9: {  	v7 =	vld [tilespmem:s25+$0x11C0]  }
0x1ea: {  	v8 =	vld [tilespmem:s25+$0x11D0]  }
0x1eb: {  	v9 =	vld [tilespmem:s25+$0x11E0]  }
0x1ec: {  	v10 =	vld [tilespmem:s25+$0x11F0]  }
0x1ed: {  	v11 =	vld [tilespmem:s25+$0x1580]  }
0x1ee: {  	v12 =	vld [tilespmem:s25+$0x1590]  }
0x1ef: {  	v13 =	vld [tilespmem:s25+$0x15A0]  }
0x1f0: {  	v14 =	vld [tilespmem:s25+$0x15B0]  }
0x1f1: {  	v15 =	vld [tilespmem:s25+$0x15C0]  }
0x1f2: {  	v16 =	vld [tilespmem:s25+$0x15D0]  }
0x1f3: {  	v17 =	vld [tilespmem:s25+$0x15E0]  }
0x1f4: {  	v18 =	vld [tilespmem:s25+$0x15F0]  }
0x1f5: {  	v63 =	vld [tilespmem:s25+$0x1430]  }
0x1f6: {  	v54 =	vld [tilespmem:s25+$0x1440]  }
0x1f7: {  	v55 =	vld [tilespmem:s25+$0x1450]  }
0x1f8: {  	v56 =	vld [tilespmem:s25+$0x1460]  }
0x1f9: {  	v57 =	vld [tilespmem:s25+$0x1470]  }
0x1fa: {  	[tilespmem:s18+$0x9000] =	vst.add.f32.msk $0xffff, v3  }
0x1fb: {  	[tilespmem:s19+$0x9000] =	vst.add.f32.msk $0xffff, v4  }
0x1fc: {  	v3 =	vld [tilespmem:s25+$0x1180]  }
0x1fd: {  	v4 =	vld [tilespmem:s25+$0x1190]  }
0x1fe: {  	v58 =	vld [tilespmem:s25+$0x1080]  }
0x1ff: {  	v20 =	vld [tilespmem:s25+$0x1090]  }
0x200: {  	v21 =	vld [tilespmem:s25+$0x10A0]  }
0x201: {  	v22 =	vld [tilespmem:s25+$0x10B0]  }
0x202: {  	v59 =	vld [tilespmem:s25+$0x10C0]  }
0x203: {  	v24 =	vld [tilespmem:s25+$0x10D0]  }
0x204: {  	v25 =	vld [tilespmem:s25+$0x10E0]  }
0x205: {  	v26 =	vld [tilespmem:s25+$0x10F0]  }
0x206: {  	v60 =	vld [tilespmem:s25+$0x1480]  }
0x207: {  	v28 =	vld [tilespmem:s25+$0x1490]  }
0x208: {  	v29 =	vld [tilespmem:s25+$0x14A0]  }
0x209: {  	v30 =	vld [tilespmem:s25+$0x14B0]  }
0x20a: {  	v61 =	vld [tilespmem:s25+$0x14C0]  }
0x20b: {  	v32 =	vld [tilespmem:s25+$0x14D0]  }
0x20c: {  	v33 =	vld [tilespmem:s25+$0x14E0]  }
0x20d: {  	v34 =	vld [tilespmem:s25+$0x14F0]  }
0x20e: {  	v62 =	vld [tilespmem:s25+$0x1100]  }
0x20f: {  	v36 =	vld [tilespmem:s25+$0x1110]  }
0x210: {  	v37 =	vld [tilespmem:s25+$0x1120]  }
0x211: {  	v38 =	vld [tilespmem:s25+$0x1130]  }
0x212: {  	v40 =	vld [tilespmem:s25+$0x1140]  }
0x213: {  	v41 =	vld [tilespmem:s25+$0x1150]  }
0x214: {  	v42 =	vld [tilespmem:s25+$0x1160]  }
0x215: {  	v43 =	vld [tilespmem:s25+$0x1170]  }
0x216: {  	v44 =	vld [tilespmem:s25+$0x1500]  }
0x217: {  	v45 =	vld [tilespmem:s25+$0x1510]  }
0x218: {  	v46 =	vld [tilespmem:s25+$0x1520]  }
0x219: {  	v47 =	vld [tilespmem:s25+$0x1530]  }
0x21a: {  	v48 =	vld [tilespmem:s25+$0x1540]  }
0x21b: {  	v49 =	vld [tilespmem:s25+$0x1550]  }
0x21c: {  	v50 =	vld [tilespmem:s25+$0x1560]  }
0x21d: {  	v51 =	vld [tilespmem:s25+$0x1570]  }
0x21e: {  	[tilespmem:s25+$0x91A0] =	vst.add.f32.msk $0xffff, v5  }
0x21f: {  	[tilespmem:s25+$0x91B0] =	vst.add.f32.msk $0xffff, v6  }
0x220: {  	[tilespmem:s25+$0x91C0] =	vst.add.f32.msk $0xffff, v7  }
0x221: {  	[tilespmem:s25+$0x91D0] =	vst.add.f32.msk $0xffff, v8  }
0x222: {  	[tilespmem:s25+$0x91E0] =	vst.add.f32.msk $0xffff, v9  }
0x223: {  	[tilespmem:s25+$0x91F0] =	vst.add.f32.msk $0xffff, v10  }
0x224: {  	[tilespmem:s25+$0x9580] =	vst.add.f32.msk $0xffff, v11  }
0x225: {  	[tilespmem:s25+$0x9590] =	vst.add.f32.msk $0xffff, v12  }
0x226: {  	[tilespmem:s25+$0x95A0] =	vst.add.f32.msk $0xffff, v13  }
0x227: {  	[tilespmem:s25+$0x95B0] =	vst.add.f32.msk $0xffff, v14  }
0x228: {  	[tilespmem:s25+$0x95C0] =	vst.add.f32.msk $0xffff, v15  }
0x229: {  	[tilespmem:s25+$0x95D0] =	vst.add.f32.msk $0xffff, v16  }
0x22a: {  	[dreg:$0x5] =	wrdreg s1;
	p0 =	por !p0, !p0;
	s1 =	simm.s32 $0x1;
	[tilespmem:s25+$0x95E0] =	vst.add.f32.msk $0xffff, v17  }
0x22b: {  	s1 =	simm.s32 @!p0 $0x0;
	[tilespmem:s25+$0x95F0] =	vst.add.f32.msk $0xffff, v18  }
0x22c: {  	s1 =	sshll.u32 s1, $0x9;
	v5 =	vld [tilespmem:s25+$0x1020]  }
0x22d: {  	[smem:$0x7ED] =	sst s20;
	s1 =	sadd.s32 s1, s17;
	v6 =	vld [tilespmem:s25+$0x1030]  }
0x22e: {  	[dreg:$0x14] =	wrdreg s6;
	s30 =	sadd.s32 $0x80, s1;
	v8 =	vld [tilespmem:s25+$0x1050]  }
0x22f: {  	[dreg:$0x8] =	wrdreg s0;
	s31 =	sadd.s32 $0x100, s1;
	s19 =	sor.u32 $0x840, s30;
	v9 =	vld [tilespmem:s25+$0x1060]  }
0x230: {  	s2 =	sor.u32 $0x840, s31;
	[smem:$0x7E2] =	sst s19;
	v10 =	vld [tilespmem:s25+$0x1070]  }
0x231: {  	[smem:$0x7E3] =	sst s2;
	s19 =	sor.u32 $0x840, s1;
	v12 =	vld [tilespmem:s25+$0x1410]  }
0x232: {  	s2 =	sor.u32 $0x850, s30;
	[smem:$0x7E1] =	sst s19;
	v13 =	vld [tilespmem:s25+$0x1420]  }
0x233: {  	[smem:$0x7E6] =	sst s2;
	s19 =	sor.u32 $0x850, s31;
	[tilespmem:s25+$0x9430] =	vst.add.f32.msk $0xffff, v63  }
0x234: {  	s2 =	sor.u32 $0x850, s1;
	[tilespmem:s25+$0x9440] =	vst.add.f32.msk $0xffff, v54;
	[smem:$0x7E7] =	sst s19  }
0x235: {  	[tilespmem:s25+$0x9450] =	vst.add.f32.msk $0xffff, v55;
	[smem:$0x7E5] =	sst s2;
	s19 =	sor.u32 $0x860, s30  }
0x236: {  	[tilespmem:s25+$0x9460] =	vst.add.f32.msk $0xffff, v56;
	s2 =	sor.u32 $0x860, s1;
	[smem:$0x7EB] =	sst s19  }
0x237: {  	[tilespmem:s25+$0x9470] =	vst.add.f32.msk $0xffff, v57;
	[smem:$0x7EA] =	sst s2;
	s2 =	sor.u32 $0x870, s30  }
0x238: {  	[tilespmem:s25+$0x9180] =	vst.add.f32.msk $0xffff, v3;
	s19 =	sor.u32 $0x860, s31;
	[smem:$0x7EF] =	sst s2  }
0x239: {  	[tilespmem:s25+$0x9190] =	vst.add.f32.msk $0xffff, v4;
	[smem:$0x7EC] =	sst s19;
	s2 =	sor.u32 $0x870, s1  }
0x23a: {  	s3 =	sadd.s32 $0x180, s1;
	v3 =	vld [tilespmem:s25+$0x1000];
	s19 =	sor.u32 $0xC00, s30;
	[smem:$0x7EE] =	sst s2  }
0x23b: {  	s18 =	sor.u32 $0x800, s3;
	v4 =	vld [tilespmem:s25+$0x1010];
	[dreg:$0x1e] =	wrdreg s19;
	s2 =	sor.u32 $0x870, s31  }
0x23c: {  	v7 =	vld [tilespmem:s18+$0x1000];
	s19 =	sor.u32 $0xC00, s1;
	[smem:$0x7F0] =	sst s2  }
0x23d: {  	[tilespmem:s25+$0x9080] =	vst.add.f32.msk $0xffff, v58;
	[smem:$0x7F2] =	sst s19;
	s2 =	sor.u32 $0xC10, s30  }
0x23e: {  	[tilespmem:s25+$0x9090] =	vst.add.f32.msk $0xffff, v20;
	s19 =	sor.u32 $0xC00, s31;
	[dreg:$0x16] =	wrdreg s2  }
0x23f: {  	[tilespmem:s25+$0x90A0] =	vst.add.f32.msk $0xffff, v21;
	[smem:$0x7F3] =	sst s19;
	s2 =	sor.u32 $0xC10, s1  }
0x240: {  	[tilespmem:s25+$0x90B0] =	vst.add.f32.msk $0xffff, v22;
	s19 =	sor.u32 $0xC20, s30;
	[dreg:$0x1a] =	wrdreg s2  }
0x241: {  	s6 =	sor.u32 $0x800, s30;
	[tilespmem:s25+$0x90C0] =	vst.add.f32.msk $0xffff, v59;
	[dreg:$0xc] =	wrdreg s19;
	s2 =	sor.u32 $0xC10, s31  }
0x242: {  	s0 =	sor.u32 $0x810, s3;
	s19 =	sor.u32 $0xC20, s1;
	[tilespmem:s18+$0x9000] =	vst.add.f32.msk $0xffff, v7;
	[dreg:$0x18] =	wrdreg s2  }
0x243: {  	s8 =	sor.u32 $0x800, s31;
	[dreg:$0x10] =	wrdreg s19;
	s2 =	sor.u32 $0xC20, s31;
	v11 =	vld [tilespmem:s0+$0x1000]  }
0x244: {  	s11 =	sor.u32 $0x810, s30;
	[tilespmem:s25+$0x90D0] =	vst.add.f32.msk $0xffff, v24;
	[dreg:$0xe] =	wrdreg s2;
	s2 =	sor.u32 $0xC30, s1  }
0x245: {  	s20 =	sor.u32 $0x810, s31;
	[tilespmem:s25+$0x90E0] =	vst.add.f32.msk $0xffff, v25;
	[dreg:$0xa] =	wrdreg s2;
	s2 =	sor.u32 $0xC40, s1  }
0x246: {  	s22 =	sor.u32 $0x820, s30;
	[tilespmem:s25+$0x90F0] =	vst.add.f32.msk $0xffff, v26;
	[smem:$0x7DE] =	sst s2;
	s2 =	sor.u32 $0xC40, s30  }
0x247: {  	s23 =	sor.u32 $0x820, s31;
	[tilespmem:s25+$0x9480] =	vst.add.f32.msk $0xffff, v60;
	[smem:$0x7DF] =	sst s2;
	s2 =	sor.u32 $0xC40, s31  }
0x248: {  	[smem:$0x7E0] =	sst s2;
	s2 =	sor.u32 $0xC50, s1;
	[tilespmem:s0+$0x9000] =	vst.add.f32.msk $0xffff, v11;
	s0 =	sor.u32 $0x820, s3  }
0x249: {  	s29 =	sor.u32 $0x830, s30;
	[smem:$0x7E4] =	sst s2;
	s2 =	sor.u32 $0xC50, s30;
	v15 =	vld [tilespmem:s0+$0x1000]  }
0x24a: {  	s26 =	sor.u32 $0x830, s31;
	[tilespmem:s25+$0x9490] =	vst.add.f32.msk $0xffff, v28;
	[smem:$0x7E8] =	sst s2;
	s2 =	sor.u32 $0xC50, s31  }
0x24b: {  	[tilespmem:s25+$0x94A0] =	vst.add.f32.msk $0xffff, v29;
	s18 =	sor.u32 $0xC30, s30;
	[smem:$0x7E9] =	sst s2;
	s2 =	sor.u32 $0xC60, s1  }
0x24c: {  	[tilespmem:s25+$0x94B0] =	vst.add.f32.msk $0xffff, v30;
	s19 =	sor.u32 $0xC30, s31;
	[smem:$0x7F1] =	sst s2;
	s2 =	sor.u32 $0xC60, s30  }
0x24d: {  	[tilespmem:s25+$0x94C0] =	vst.add.f32.msk $0xffff, v61;
	s30 =	sor.u32 $0xC70, s30;
	[smem:$0x7F4] =	sst s2;
	s2 =	sor.u32 $0xC60, s31  }
0x24e: {  	[dreg:$0x12] =	wrdreg s30;
	s30 =	sor.u32 $0xC70, s31;
	s31 =	sor.u32 $0x830, s3;
	[tilespmem:s0+$0x9000] =	vst.add.f32.msk $0xffff, v15  }
0x24f: {  	v19 =	vld [tilespmem:s31+$0x1000]  }
0x250: {  	[tilespmem:s25+$0x94D0] =	vst.add.f32.msk $0xffff, v32  }
0x251: {  	[tilespmem:s25+$0x94E0] =	vst.add.f32.msk $0xffff, v33  }
0x252: {  	[dreg:$0x7] =	wrdreg s5;
	s5 =	sor.u32 $0x800, s1;
	s10 =	sor.u32 $0x810, s1;
	[tilespmem:s25+$0x94F0] =	vst.add.f32.msk $0xffff, v34  }
0x253: {  	s21 =	sor.u32 $0x820, s1;
	s24 =	sor.u32 $0x830, s1;
	[tilespmem:s25+$0x9100] =	vst.add.f32.msk $0xffff, v62;
	s1 =	sor.u32 $0xC70, s1  }
0x254: {  	[dreg:$0x1c] =	wrdreg s1;
	s1 =	sor.u32 $0x840, s3;
	[tilespmem:s31+$0x9000] =	vst.add.f32.msk $0xffff, v19  }
0x255: {  	v23 =	vld [tilespmem:s1+$0x1000]  }
0x256: {  	[tilespmem:s25+$0x9110] =	vst.add.f32.msk $0xffff, v36  }
0x257: {  	[tilespmem:s25+$0x9120] =	vst.add.f32.msk $0xffff, v37  }
0x258: {  	[tilespmem:s25+$0x9130] =	vst.add.f32.msk $0xffff, v38  }
0x259: {  	[tilespmem:s25+$0x9140] =	vst.add.f32.msk $0xffff, v40  }
0x25a: {  	[smem:$0x7F5] =	sst s2;
	s2 =	sor.u32 $0x850, s3;
	[tilespmem:s1+$0x9000] =	vst.add.f32.msk $0xffff, v23  }
0x25b: {  	v27 =	vld [tilespmem:s2+$0x1000]  }
0x25c: {  	[tilespmem:s25+$0x9150] =	vst.add.f32.msk $0xffff, v41  }
0x25d: {  	[tilespmem:s25+$0x9160] =	vst.add.f32.msk $0xffff, v42  }
0x25e: {  	[tilespmem:s25+$0x9170] =	vst.add.f32.msk $0xffff, v43  }
0x25f: {  	[tilespmem:s25+$0x9500] =	vst.add.f32.msk $0xffff, v44  }
0x260: {  	s31 =	sor.u32 $0x860, s3;
	[tilespmem:s2+$0x9000] =	vst.add.f32.msk $0xffff, v27  }
0x261: {  	v31 =	vld [tilespmem:s31+$0x1000]  }
0x262: {  	[tilespmem:s25+$0x9510] =	vst.add.f32.msk $0xffff, v45  }
0x263: {  	[tilespmem:s25+$0x9520] =	vst.add.f32.msk $0xffff, v46  }
0x264: {  	[tilespmem:s25+$0x9530] =	vst.add.f32.msk $0xffff, v47  }
0x265: {  	[tilespmem:s25+$0x9540] =	vst.add.f32.msk $0xffff, v48  }
0x266: {  	s1 =	sor.u32 $0x870, s3;
	[tilespmem:s31+$0x9000] =	vst.add.f32.msk $0xffff, v31  }
0x267: {  	v35 =	vld [tilespmem:s1+$0x1000]  }
0x268: {  	[tilespmem:s25+$0x9550] =	vst.add.f32.msk $0xffff, v49  }
0x269: {  	[tilespmem:s25+$0x9560] =	vst.add.f32.msk $0xffff, v50  }
0x26a: {  	[tilespmem:s25+$0x9570] =	vst.add.f32.msk $0xffff, v51  }
0x26b: {  	[tilespmem:s25+$0x9020] =	vst.add.f32.msk $0xffff, v5  }
0x26c: {  	s2 =	sor.u32 $0xC00, s3;
	[tilespmem:s1+$0x9000] =	vst.add.f32.msk $0xffff, v35  }
0x26d: {  	v39 =	vld [tilespmem:s2+$0x1000]  }
0x26e: {  	[tilespmem:s25+$0x9030] =	vst.add.f32.msk $0xffff, v6  }
0x26f: {  	[tilespmem:s25+$0x9050] =	vst.add.f32.msk $0xffff, v8  }
0x270: {  	[tilespmem:s25+$0x9060] =	vst.add.f32.msk $0xffff, v9  }
0x271: {  	[tilespmem:s25+$0x9070] =	vst.add.f32.msk $0xffff, v10  }
0x272: {  	s31 =	sor.u32 $0xC10, s3;
	[tilespmem:s2+$0x9000] =	vst.add.f32.msk $0xffff, v39  }
0x273: {  	v39 =	vld [tilespmem:s31+$0x1000]  }
0x274: {  	[tilespmem:s25+$0x9410] =	vst.add.f32.msk $0xffff, v12  }
0x275: {  	[tilespmem:s25+$0x9420] =	vst.add.f32.msk $0xffff, v13  }
0x276: {  	v5 =	vld [tilespmem:s8+$0x1000]  }
0x277: {  	[tilespmem:s25+$0x9000] =	vst.add.f32.msk $0xffff, v3  }
0x278: {  	s1 =	sor.u32 $0xC20, s3;
	[tilespmem:s31+$0x9000] =	vst.add.f32.msk $0xffff, v39  }
0x279: {  	v39 =	vld [tilespmem:s1+$0x1000]  }
0x27a: {  	[tilespmem:s25+$0x9010] =	vst.add.f32.msk $0xffff, v4  }
0x27b: {  	v4 =	vld [tilespmem:s6+$0x1000]  }
0x27c: {  	v7 =	vld [tilespmem:s25+$0x1040]  }
0x27d: {  	[tilespmem:s8+$0x9000] =	vst.add.f32.msk $0xffff, v5  }
0x27e: {  	s2 =	sor.u32 $0xC30, s3;
	[tilespmem:s1+$0x9000] =	vst.add.f32.msk $0xffff, v39  }
0x27f: {  	v39 =	vld [tilespmem:s2+$0x1000]  }
0x280: {  	v5 =	vld [tilespmem:s20+$0x1000]  }
0x281: {  	v63 =	vld [tilespmem:s14+$0x1000]  }
0x282: {  	[tilespmem:s25+$0x9040] =	vst.add.f32.msk $0xffff, v7  }
0x283: {  	v7 =	vld [tilespmem:s13+$0x1000]  }
0x284: {  	s31 =	sor.u32 $0xC40, s3;
	[tilespmem:s2+$0x9000] =	vst.add.f32.msk $0xffff, v39  }
0x285: {  	v39 =	vld [tilespmem:s31+$0x1000]  }
0x286: {  	[tilespmem:s6+$0x9000] =	vst.add.f32.msk $0xffff, v4  }
0x287: {  	v11 =	vld [tilespmem:s25+$0x1400]  }
0x288: {  	v4 =	vld [tilespmem:s11+$0x1000]  }
0x289: {  	[tilespmem:s20+$0x9000] =	vst.add.f32.msk $0xffff, v5  }
0x28a: {  	s1 =	sor.u32 $0xC50, s3;
	[tilespmem:s31+$0x9000] =	vst.add.f32.msk $0xffff, v39  }
0x28b: {  	v3 =	vld [tilespmem:s1+$0x1000]  }
0x28c: {  	v5 =	vld [tilespmem:s23+$0x1000]  }
0x28d: {  	[tilespmem:s14+$0x9000] =	vst.add.f32.msk $0xffff, v63  }
0x28e: {  	[tilespmem:s25+$0x9400] =	vst.add.f32.msk $0xffff, v11  }
0x28f: {  	[tilespmem:s11+$0x9000] =	vst.add.f32.msk $0xffff, v4  }
0x290: {  	s2 =	sor.u32 $0xC60, s3;
	[tilespmem:s1+$0x9000] =	vst.add.f32.msk $0xffff, v3  }
0x291: {  	v3 =	vld [tilespmem:s2+$0x1000]  }
0x292: {  	v4 =	vld [tilespmem:s22+$0x1000]  }
0x293: {  	[tilespmem:s13+$0x9000] =	vst.add.f32.msk $0xffff, v7  }
0x294: {  	[tilespmem:s23+$0x9000] =	vst.add.f32.msk $0xffff, v5  }
0x295: {  	v5 =	vld [tilespmem:s26+$0x1000]  }
0x296: {  	s3 =	sor.u32 $0xC70, s3;
	[tilespmem:s2+$0x9000] =	vst.add.f32.msk $0xffff, v3  }
0x297: {  	v3 =	vld [tilespmem:s3+$0x1000]  }
0x298: {  	[tilespmem:s22+$0x9000] =	vst.add.f32.msk $0xffff, v4;
	s22 =	sld [smem:$0x7E3]  }
0x299: {  	v6 =	vld [tilespmem:s12+$0x1000]  }
0x29a: {  	[tilespmem:s26+$0x9000] =	vst.add.f32.msk $0xffff, v5  }
0x29b: {  	v5 =	vld [tilespmem:s22+$0x1000]  }
0x29c: {  	[tilespmem:s3+$0x9000] =	vst.add.f32.msk $0xffff, v3  }
0x29d: {  	v3 =	vld [tilespmem:s5+$0x1000]  }
0x29e: {  	v4 =	vld [tilespmem:s29+$0x1000];
	s26 =	sld [smem:$0x7E7]  }
0x29f: {  	v8 =	vld [tilespmem:s28+$0x1000]  }
0x2a0: {  	[tilespmem:s22+$0x9000] =	vst.add.f32.msk $0xffff, v5  }
0x2a1: {  	s8 =	sld [smem:$0x7DE];
	v5 =	vld [tilespmem:s26+$0x1000]  }
0x2a2: {  	[tilespmem:s5+$0x9000] =	vst.add.f32.msk $0xffff, v3  }
0x2a3: {  	v3 =	vld [tilespmem:s10+$0x1000]  }
0x2a4: {  	[tilespmem:s12+$0x9000] =	vst.add.f32.msk $0xffff, v6;
	s12 =	smov.u32 s8;
	s8 =	sld [smem:$0x7EC]  }
0x2a5: {  	[tilespmem:s28+$0x9000] =	vst.add.f32.msk $0xffff, v8  }
0x2a6: {  	[tilespmem:s26+$0x9000] =	vst.add.f32.msk $0xffff, v5  }
0x2a7: {  	v5 =	vld [tilespmem:s8+$0x1000]  }
0x2a8: {  	v7 =	vld [tilespmem:s7+$0x1000]  }
0x2a9: {  	[tilespmem:s10+$0x9000] =	vst.add.f32.msk $0xffff, v3  }
0x2aa: {  	s22 =	sld [smem:$0x7F0];
	v3 =	vld [tilespmem:s21+$0x1000]  }
0x2ab: {  	[tilespmem:s29+$0x9000] =	vst.add.f32.msk $0xffff, v4  }
0x2ac: {  	[tilespmem:s8+$0x9000] =	vst.add.f32.msk $0xffff, v5  }
0x2ad: {  	v5 =	vld [tilespmem:s22+$0x1000]  }
0x2ae: {  	v8 =	vld [tilespmem:s9+$0x1000]  }
0x2af: {  	[tilespmem:s21+$0x9000] =	vst.add.f32.msk $0xffff, v3;
	s21 =	sld [smem:$0x7E2]  }
0x2b0: {  	v3 =	vld [tilespmem:s24+$0x1000]  }
0x2b1: {  	s26 =	sld [smem:$0x7F3];
	v6 =	vld [tilespmem:s4+$0x1000]  }
0x2b2: {  	v4 =	vld [tilespmem:s21+$0x1000]  }
0x2b3: {  	s20 =	sld [smem:$0x7E1];
	[tilespmem:s22+$0x9000] =	vst.add.f32.msk $0xffff, v5  }
0x2b4: {  	v5 =	vld [tilespmem:s26+$0x1000]  }
0x2b5: {  	[tilespmem:s24+$0x9000] =	vst.add.f32.msk $0xffff, v3  }
0x2b6: {  	s25 =	sld [smem:$0x7E6];
	v3 =	vld [tilespmem:s20+$0x1000]  }
0x2b7: {  	[tilespmem:s9+$0x9000] =	vst.add.f32.msk $0xffff, v8  }
0x2b8: {  	[tilespmem:s21+$0x9000] =	vst.add.f32.msk $0xffff, v4  }
0x2b9: {  	s24 =	sld [smem:$0x7E5];
	v4 =	vld [tilespmem:s25+$0x1000]  }
0x2ba: {  	s11 =	sld [smem:$0x7E0];
	[tilespmem:s4+$0x9000] =	vst.add.f32.msk $0xffff, v6  }
0x2bb: {  	[tilespmem:s20+$0x9000] =	vst.add.f32.msk $0xffff, v3  }
0x2bc: {  	s6 =	sld [smem:$0x7EB];
	v3 =	vld [tilespmem:s24+$0x1000]  }
0x2bd: {  	s14 =	smov.u32 s11;
	s11 =	sld [smem:$0x7ED];
	[tilespmem:s7+$0x9000] =	vst.add.f32.msk $0xffff, v7  }
0x2be: {  	s10 =	sld [smem:$0x7DF];
	[tilespmem:s25+$0x9000] =	vst.add.f32.msk $0xffff, v4  }
0x2bf: {  	s3 =	sld [smem:$0x7EA];
	v4 =	vld [tilespmem:s6+$0x1000]  }
0x2c0: {  	v7 =	vld [tilespmem:s11+$0x1000]  }
0x2c1: {  	s13 =	smov.u32 s10;
	s10 =	rddreg [dreg:$0x14];
	[tilespmem:s24+$0x9000] =	vst.add.f32.msk $0xffff, v3  }
0x2c2: {  	s21 =	sld [smem:$0x7EF];
	v3 =	vld [tilespmem:s3+$0x1000]  }
0x2c3: {  	v6 =	vld [tilespmem:s10+$0x1000]  }
0x2c4: {  	[tilespmem:s6+$0x9000] =	vst.add.f32.msk $0xffff, v4  }
0x2c5: {  	s20 =	sld [smem:$0x7EE];
	v4 =	vld [tilespmem:s21+$0x1000]  }
0x2c6: {  	[tilespmem:s26+$0x9000] =	vst.add.f32.msk $0xffff, v5  }
0x2c7: {  	[tilespmem:s3+$0x9000] =	vst.add.f32.msk $0xffff, v3  }
0x2c8: {  	v3 =	vld [tilespmem:s20+$0x1000]  }
0x2c9: {  	[tilespmem:s10+$0x9000] =	vst.add.f32.msk $0xffff, v6  }
0x2ca: {  	s10 =	rddreg [dreg:$0x18];
	[tilespmem:s21+$0x9000] =	vst.add.f32.msk $0xffff, v4  }
0x2cb: {  	s25 =	rddreg [dreg:$0x1e];
	v5 =	vld [tilespmem:s10+$0x1000]  }
0x2cc: {  	s24 =	sld [smem:$0x7F2];
	v4 =	vld [tilespmem:s25+$0x1000]  }
0x2cd: {  	[tilespmem:s11+$0x9000] =	vst.add.f32.msk $0xffff, v7  }
0x2ce: {  	[tilespmem:s20+$0x9000] =	vst.add.f32.msk $0xffff, v3  }
0x2cf: {  	v3 =	vld [tilespmem:s24+$0x1000]  }
0x2d0: {  	s23 =	sld [smem:$0x7E4];
	[tilespmem:s10+$0x9000] =	vst.add.f32.msk $0xffff, v5  }
0x2d1: {  	s5 =	rddreg [dreg:$0x16];
	[tilespmem:s25+$0x9000] =	vst.add.f32.msk $0xffff, v4  }
0x2d2: {  	s21 =	rddreg [dreg:$0x5];
	v4 =	vld [tilespmem:s5+$0x1000]  }
0x2d3: {  	s4 =	smov.u32 s23;
	s23 =	sld [smem:$0x7F1];
	v7 =	vld [tilespmem:s21+$0x1000]  }
0x2d4: {  	s3 =	rddreg [dreg:$0x1a];
	[tilespmem:s24+$0x9000] =	vst.add.f32.msk $0xffff, v3  }
0x2d5: {  	s11 =	rddreg [dreg:$0x8];
	v3 =	vld [tilespmem:s3+$0x1000]  }
0x2d6: {  	s24 =	rddreg [dreg:$0xe];
	v6 =	vld [tilespmem:s11+$0x1000]  }
0x2d7: {  	v5 =	vld [tilespmem:s24+$0x1000]  }
0x2d8: {  	s6 =	smov.u32 s23;
	s23 =	rddreg [dreg:$0xc];
	[tilespmem:s5+$0x9000] =	vst.add.f32.msk $0xffff, v4  }
0x2d9: {  	s29 =	sld [smem:$0x7E8];
	v4 =	vld [tilespmem:s23+$0x1000]  }
0x2da: {  	s22 =	rddreg [dreg:$0x10];
	[tilespmem:s3+$0x9000] =	vst.add.f32.msk $0xffff, v3  }
0x2db: {  	s25 =	rddreg [dreg:$0x7];
	v3 =	vld [tilespmem:s22+$0x1000]  }
0x2dc: {  	v8 =	vld [tilespmem:s25+$0x1000]  }
0x2dd: {  	s7 =	smov.u32 s29;
	s29 =	sld [smem:$0x7F4];
	[tilespmem:s24+$0x9000] =	vst.add.f32.msk $0xffff, v5  }
0x2de: {  	s31 =	sld [smem:$0x7E9];
	[tilespmem:s11+$0x9000] =	vst.add.f32.msk $0xffff, v6  }
0x2df: {  	[tilespmem:s23+$0x9000] =	vst.add.f32.msk $0xffff, v4  }
0x2e0: {  	s15 =	sadd.s32 $0x4, s15;
	s20 =	smov.u32 s29;
	s29 =	rddreg [dreg:$0xa];
	[tilespmem:s22+$0x9000] =	vst.add.f32.msk $0xffff, v3  }
0x2e1: {  	p1 =	slt.u32 s15, $0x3C;
	s28 =	smov.u32 s31;
	s31 =	sld [smem:$0x7F5];
	v5 =	vld [tilespmem:s29+$0x1000]  }
.Ltmp1:
0x2e2: {  	v4 =	vld [tilespmem:s19+$0x1000];
	(pc) =	sbr.rel @p1 .LBB2_5-.Ltmp1, $4  }
0x2e3: {  	[tilespmem:s25+$0x9000] =	vst.add.f32.msk $0xffff, v8  }
0x2e4: {  	s9 =	smov.u32 s31;
	s31 =	rddreg [dreg:$0x12];
	v3 =	vld [tilespmem:s18+$0x1000]  }
0x2e5: {  	s16 =	sadd.s32 $0x200, s16;
	s17 =	sadd.s32 $0x800, s17;
	s26 =	rddreg [dreg:$0x1c];
	[tilespmem:s21+$0x9000] =	vst.add.f32.msk $0xffff, v7  }
0x2e6: {  	s1 =	smov.u32 s31;
	s0 =	smov.u32 s26;
	s5 =	smov.u32 s30;
	[tilespmem:s29+$0x9000] =	vst.add.f32.msk $0xffff, v5  }
0x2e7: {  	[tilespmem:s19+$0x9000] =	vst.add.f32.msk $0xffff, v4  }
0x2e8: {  	v5 =	vld [tilespmem:s14+$0x1000]  }
0x2e9: {  	[tilespmem:s18+$0x9000] =	vst.add.f32.msk $0xffff, v3  }
0x2ea: {  	v3 =	vld [tilespmem:s12+$0x1000];
	_ =	sdelay $0x2  }
0x2eb: {  	v63 =	vld [tilespmem:s13+$0x1000]  }
0x2ec: {  	[tilespmem:s14+$0x9000] =	vst.add.f32.msk $0xffff, v5  }
0x2ed: {  	[tilespmem:s12+$0x9000] =	vst.add.f32.msk $0xffff, v3  }
0x2ee: {  	v5 =	vld [tilespmem:s28+$0x1000]  }
0x2ef: {  	v3 =	vld [tilespmem:s4+$0x1000]  }
0x2f0: {  	[tilespmem:s13+$0x9000] =	vst.add.f32.msk $0xffff, v63  }
0x2f1: {  	v4 =	vld [tilespmem:s7+$0x1000];
	_ =	sdelay $0x1  }
0x2f2: {  	[tilespmem:s28+$0x9000] =	vst.add.f32.msk $0xffff, v5  }
0x2f3: {  	[tilespmem:s4+$0x9000] =	vst.add.f32.msk $0xffff, v3  }
0x2f4: {  	v5 =	vld [tilespmem:s9+$0x1000]  }
0x2f5: {  	[tilespmem:s7+$0x9000] =	vst.add.f32.msk $0xffff, v4  }
0x2f6: {  	v3 =	vld [tilespmem:s6+$0x1000]  }
0x2f7: {  	v4 =	vld [tilespmem:s20+$0x1000];
	_ =	sdelay $0x2  }
0x2f8: {  	[tilespmem:s9+$0x9000] =	vst.add.f32.msk $0xffff, v5  }
0x2f9: {  	[tilespmem:s6+$0x9000] =	vst.add.f32.msk $0xffff, v3  }
0x2fa: {  	[tilespmem:s20+$0x9000] =	vst.add.f32.msk $0xffff, v4  }
0x2fb: {  	v3 =	vld [tilespmem:s0+$0x1000]  }
0x2fc: {  	v4 =	vld [tilespmem:s1+$0x1000]  }
0x2fd: {  	v5 =	vld [tilespmem:s5+$0x1000];
	_ =	sdelay $0x2  }
0x2fe: {  	[tilespmem:s0+$0x9000] =	vst.add.f32.msk $0xffff, v3  }
0x2ff: {  	[tilespmem:s1+$0x9000] =	vst.add.f32.msk $0xffff, v4  }
0x300: {  	s3 =	sld [smem:$0x7F6];
	[tilespmem:s5+$0x9000] =	vst.add.f32.msk $0xffff, v5  }
0x301: {  	s1 =	sld [smem:$0x7FB]  }
0x302: {  	s2 =	simm.s32 $0x0  }
0x303: {  	s30 =	simm.s32 $0x9000;
	s29 =	sshll.u32 s3, $0x12;
	p0 =	seq.s32 s3, $0xF  }
.Ltmp2:
0x304: {  	s31 =	simm.s32 $0x2;
	s0 =	sadd.s32 s29, s1;
	(pc) =	sbr.rel @p0 .LBB2_8-.Ltmp2, $4  }
0x305: {  	[hbm4b:s0+s2] =	stream.linear.scatter [tilespmem:s30], [sflag:$0x3], $0x8000, $0x38;
	[tilespmem:$0x19000] =	vst v63  }
0x306: {  	_ =	swait.ge [sflag:s31], $0x8000  }
0x307: {  	[sflag:s31] =	ssyncset.done $0x0  }
0x308: {  	[sflag:s31] =	ssyncadd.s32 $0xFFFF8000  }
0x309: {  	s1 =	simm.s32 $0x3  }
0x30a: {  	_ =	swait.ge [sflag:s1], $0x8000  }
0x30b: {  	s0 =	sshll.u32 s3, $0x8;
	[sflag:s1] =	ssyncset.done $0x0  }
0x30c: {  	s0 =	sand.u32 $0x3FFFFF00, s0;
	[sflag:s1] =	ssyncadd.s32 $0xFFFF8000  }
0x30d: {  	v3 =	vld [tilespmem:s0+$0x100];
	_ =	sdelay $0x4  }
0x30e: {  	v4 =	vshll.u32 v3, $0x2  }
0x30f: {  	v3 =	vand.u32 $0x7, v3;
	v4 =	vand.u32 $0xFFFFFFE0, v4  }
0x310: {  	v3 =	vor.u32 v3, v4  }
0x311: {  	v4 =	vperm.xlane v3, v0;
	_ =	sdelay $0x1  }
0x312: {  	v4 =	vadd.s32 v1, v4;
	_ =	sdelay $0x1  }
0x313: {  	v3 =	vperm.xlane v3, v2  }
0x314: {  	s16 =	sld [smem:$0x7FA]  }
0x315: {  	s15 =	simm.s32 $0x9000;
	s1 =	rddreg [dreg:$0x1];
	v3 =	vadd.s32 v1, v3  }
0x316: {  	[tilespmem:s15], [sflag:$0x1] =	stream.indirect_vreg.gather [hbm4b:s1+s2], $0x80, v4, vm0, $0xb8;
	[tilespmem:$0x19000] =	vst v63  }
0x317: {  	s4 =	simm.s32 $0x9800  }
0x318: {  	[tilespmem:s4], [sflag:$0x1] =	stream.indirect_vreg.gather [hbm4b:s16+s2], $0x80, v4, vm0, $0xb8;
	[tilespmem:$0x19000] =	vst v63  }
0x319: {  	s17 =	simm.s32 $0xA000  }
0x31a: {  	[tilespmem:s17], [sflag:$0x1] =	stream.indirect_vreg.gather [hbm4b:s1+s2], $0x80, v3, vm0, $0xb8;
	[tilespmem:$0x19000] =	vst v63  }
0x31b: {  	s18 =	simm.s32 $0xA800  }
0x31c: {  	[tilespmem:s18], [sflag:$0x1] =	stream.indirect_vreg.gather [hbm4b:s16+s2], $0x80, v3, vm0, $0xb8;
	[tilespmem:$0x19000] =	vst v63  }
0x31d: {  	v3 =	vld [tilespmem:s0+$0x110];
	_ =	sdelay $0x4  }
0x31e: {  	v61 =	vshll.u32 v3, $0x2  }
0x31f: {  	v3 =	vand.u32 $0x7, v3;
	v4 =	vand.u32 $0xFFFFFFE0, v61  }
0x320: {  	v3 =	vor.u32 v3, v4  }
0x321: {  	v4 =	vperm.xlane v3, v0;
	_ =	sdelay $0x1  }
0x322: {  	v4 =	vadd.s32 v1, v4;
	_ =	sdelay $0x1  }
0x323: {  	v3 =	vperm.xlane v3, v2;
	_ =	sdelay $0x1  }
0x324: {  	s19 =	simm.s32 $0xB000;
	v3 =	vadd.s32 v1, v3  }
0x325: {  	[tilespmem:s19], [sflag:$0x1] =	stream.indirect_vreg.gather [hbm4b:s1+s2], $0x80, v4, vm0, $0xb8;
	[tilespmem:$0x19000] =	vst v63  }
0x326: {  	s20 =	simm.s32 $0xB800  }
0x327: {  	[tilespmem:s20], [sflag:$0x1] =	stream.indirect_vreg.gather [hbm4b:s16+s2], $0x80, v4, vm0, $0xb8;
	[tilespmem:$0x19000] =	vst v63  }
0x328: {  	s21 =	simm.s32 $0xC000  }
0x329: {  	[tilespmem:s21], [sflag:$0x1] =	stream.indirect_vreg.gather [hbm4b:s1+s2], $0x80, v3, vm0, $0xb8;
	[tilespmem:$0x19000] =	vst v63  }
0x32a: {  	s22 =	simm.s32 $0xC800  }
0x32b: {  	[tilespmem:s22], [sflag:$0x1] =	stream.indirect_vreg.gather [hbm4b:s16+s2], $0x80, v3, vm0, $0xb8;
	[tilespmem:$0x19000] =	vst v63  }
0x32c: {  	v3 =	vld [tilespmem:s0+$0x120];
	_ =	sdelay $0x4  }
0x32d: {  	v62 =	vshll.u32 v3, $0x2  }
0x32e: {  	v3 =	vand.u32 $0x7, v3;
	v4 =	vand.u32 $0xFFFFFFE0, v62  }
0x32f: {  	v3 =	vor.u32 v3, v4  }
0x330: {  	v4 =	vperm.xlane v3, v0;
	_ =	sdelay $0x1  }
0x331: {  	v4 =	vadd.s32 v1, v4;
	_ =	sdelay $0x1  }
0x332: {  	v3 =	vperm.xlane v3, v2;
	_ =	sdelay $0x1  }
0x333: {  	s23 =	simm.s32 $0xD000;
	v3 =	vadd.s32 v1, v3  }
0x334: {  	[tilespmem:s23], [sflag:$0x1] =	stream.indirect_vreg.gather [hbm4b:s1+s2], $0x80, v4, vm0, $0xb8;
	[tilespmem:$0x19000] =	vst v63  }
0x335: {  	s24 =	simm.s32 $0xD800  }
0x336: {  	[tilespmem:s24], [sflag:$0x1] =	stream.indirect_vreg.gather [hbm4b:s16+s2], $0x80, v4, vm0, $0xb8;
	[tilespmem:$0x19000] =	vst v63  }
0x337: {  	s25 =	simm.s32 $0xE000  }
0x338: {  	[tilespmem:s25], [sflag:$0x1] =	stream.indirect_vreg.gather [hbm4b:s1+s2], $0x80, v3, vm0, $0xb8;
	[tilespmem:$0x19000] =	vst v63  }
0x339: {  	s26 =	simm.s32 $0xE800  }
0x33a: {  	[tilespmem:s26], [sflag:$0x1] =	stream.indirect_vreg.gather [hbm4b:s16+s2], $0x80, v3, vm0, $0xb8;
	[tilespmem:$0x19000] =	vst v63  }
0x33b: {  	v3 =	vld [tilespmem:s0+$0x130];
	_ =	sdelay $0x4  }
0x33c: {  	v63 =	vshll.u32 v3, $0x2  }
0x33d: {  	v3 =	vand.u32 $0x7, v3;
	v4 =	vand.u32 $0xFFFFFFE0, v63  }
0x33e: {  	v3 =	vor.u32 v3, v4  }
0x33f: {  	v4 =	vperm.xlane v3, v0;
	_ =	sdelay $0x1  }
0x340: {  	v4 =	vadd.s32 v1, v4;
	_ =	sdelay $0x1  }
0x341: {  	v3 =	vperm.xlane v3, v2;
	_ =	sdelay $0x1  }
0x342: {  	s28 =	simm.s32 $0xF000;
	v3 =	vadd.s32 v1, v3  }
0x343: {  	[tilespmem:s28], [sflag:$0x1] =	stream.indirect_vreg.gather [hbm4b:s1+s2], $0x80, v4, vm0, $0xb8;
	[tilespmem:$0x19000] =	vst v63  }
0x344: {  	s29 =	simm.s32 $0xF800  }
0x345: {  	[tilespmem:s29], [sflag:$0x1] =	stream.indirect_vreg.gather [hbm4b:s16+s2], $0x80, v4, vm0, $0xb8;
	[tilespmem:$0x19000] =	vst v63  }
0x346: {  	s30 =	simm.s32 $0x10000  }
0x347: {  	[tilespmem:s30], [sflag:$0x1] =	stream.indirect_vreg.gather [hbm4b:s1+s2], $0x80, v3, vm0, $0xb8;
	[tilespmem:$0x19000] =	vst v63  }
0x348: {  	s31 =	simm.s32 $0x10800  }
0x349: {  	[tilespmem:s31], [sflag:$0x1] =	stream.indirect_vreg.gather [hbm4b:s16+s2], $0x80, v3, vm0, $0xb8;
	[tilespmem:$0x19000] =	vst v63  }
.LBB2_8:
0x34a: {  	s0 =	simm.s32 $0x0  }
0x34b: {  	s1 =	sand.u32 $0x7000, s0;
	s0 =	sand.u32 $0x200, s0  }
0x34c: {  	s2 =	sor.u32 s0, s1  }
0x34d: {  	v3 =	vld [tilespmem:s2+$0x1180]  }
0x34e: {  	v4 =	vld [tilespmem:s2+$0x1190]  }
0x34f: {  	v5 =	vld [tilespmem:s2+$0x11A0]  }
0x350: {  	v6 =	vld [tilespmem:s2+$0x11B0]  }
0x351: {  	v7 =	vld [tilespmem:s2+$0x11C0]  }
0x352: {  	v8 =	vld [tilespmem:s2+$0x11D0]  }
0x353: {  	v9 =	vld [tilespmem:s2+$0x11E0]  }
0x354: {  	v10 =	vld [tilespmem:s2+$0x11F0]  }
0x355: {  	v11 =	vld [tilespmem:s2+$0x1580]  }
0x356: {  	v12 =	vld [tilespmem:s2+$0x1590]  }
0x357: {  	v13 =	vld [tilespmem:s2+$0x15A0]  }
0x358: {  	v14 =	vld [tilespmem:s2+$0x15B0]  }
0x359: {  	v15 =	vld [tilespmem:s2+$0x15C0]  }
0x35a: {  	v16 =	vld [tilespmem:s2+$0x15D0]  }
0x35b: {  	v17 =	vld [tilespmem:s2+$0x15E0]  }
0x35c: {  	v18 =	vld [tilespmem:s2+$0x15F0]  }
0x35d: {  	v53 =	vld [tilespmem:s2+$0x1040]  }
0x35e: {  	v54 =	vld [tilespmem:s2+$0x1050]  }
0x35f: {  	v55 =	vld [tilespmem:s2+$0x1060]  }
0x360: {  	v56 =	vld [tilespmem:s2+$0x1070]  }
0x361: {  	v57 =	vld [tilespmem:s2+$0x1400]  }
0x362: {  	v58 =	vld [tilespmem:s2+$0x1410]  }
0x363: {  	v59 =	vld [tilespmem:s2+$0x1420]  }
0x364: {  	v60 =	vld [tilespmem:s2+$0x1430]  }
0x365: {  	v61 =	vld [tilespmem:s2+$0x1440]  }
0x366: {  	v62 =	vld [tilespmem:s2+$0x1450]  }
0x367: {  	v63 =	vld [tilespmem:s2+$0x1460]  }
0x368: {  	v19 =	vld [tilespmem:s2+$0x1470]  }
0x369: {  	v20 =	vld [tilespmem:s2+$0x1080]  }
0x36a: {  	v21 =	vld [tilespmem:s2+$0x1090]  }
0x36b: {  	v22 =	vld [tilespmem:s2+$0x10A0]  }
0x36c: {  	v23 =	vld [tilespmem:s2+$0x10B0]  }
0x36d: {  	v24 =	vld [tilespmem:s2+$0x10C0]  }
0x36e: {  	v25 =	vld [tilespmem:s2+$0x10D0]  }
0x36f: {  	v26 =	vld [tilespmem:s2+$0x10E0]  }
0x370: {  	v27 =	vld [tilespmem:s2+$0x10F0]  }
0x371: {  	v28 =	vld [tilespmem:s2+$0x1480]  }
0x372: {  	v29 =	vld [tilespmem:s2+$0x1490]  }
0x373: {  	v30 =	vld [tilespmem:s2+$0x14A0]  }
0x374: {  	v31 =	vld [tilespmem:s2+$0x14B0]  }
0x375: {  	v32 =	vld [tilespmem:s2+$0x14C0]  }
0x376: {  	v33 =	vld [tilespmem:s2+$0x14D0]  }
0x377: {  	v34 =	vld [tilespmem:s2+$0x14E0]  }
0x378: {  	v35 =	vld [tilespmem:s2+$0x14F0]  }
0x379: {  	v36 =	vld [tilespmem:s2+$0x1100]  }
0x37a: {  	v37 =	vld [tilespmem:s2+$0x1110]  }
0x37b: {  	v38 =	vld [tilespmem:s2+$0x1120]  }
0x37c: {  	v39 =	vld [tilespmem:s2+$0x1130]  }
0x37d: {  	v40 =	vld [tilespmem:s2+$0x1140]  }
0x37e: {  	v41 =	vld [tilespmem:s2+$0x1150]  }
0x37f: {  	v42 =	vld [tilespmem:s2+$0x1160]  }
0x380: {  	v43 =	vld [tilespmem:s2+$0x1170]  }
0x381: {  	v44 =	vld [tilespmem:s2+$0x1500]  }
0x382: {  	v45 =	vld [tilespmem:s2+$0x1510]  }
0x383: {  	v46 =	vld [tilespmem:s2+$0x1520]  }
0x384: {  	v47 =	vld [tilespmem:s2+$0x1530]  }
0x385: {  	v48 =	vld [tilespmem:s2+$0x1550]  }
0x386: {  	v49 =	vld [tilespmem:s2+$0x1560]  }
0x387: {  	v50 =	vld [tilespmem:s2+$0x1570]  }
0x388: {  	[tilespmem:s2+$0x11180] =	vst.add.f32.msk $0xffff, v3  }
0x389: {  	[tilespmem:s2+$0x11190] =	vst.add.f32.msk $0xffff, v4  }
0x38a: {  	[tilespmem:s2+$0x111A0] =	vst.add.f32.msk $0xffff, v5  }
0x38b: {  	[tilespmem:s2+$0x111B0] =	vst.add.f32.msk $0xffff, v6  }
0x38c: {  	[tilespmem:s2+$0x111C0] =	vst.add.f32.msk $0xffff, v7  }
0x38d: {  	[tilespmem:s2+$0x111D0] =	vst.add.f32.msk $0xffff, v8  }
0x38e: {  	[tilespmem:s2+$0x111E0] =	vst.add.f32.msk $0xffff, v9  }
0x38f: {  	[tilespmem:s2+$0x111F0] =	vst.add.f32.msk $0xffff, v10  }
0x390: {  	[tilespmem:s2+$0x11580] =	vst.add.f32.msk $0xffff, v11  }
0x391: {  	[tilespmem:s2+$0x11590] =	vst.add.f32.msk $0xffff, v12  }
0x392: {  	[tilespmem:s2+$0x115A0] =	vst.add.f32.msk $0xffff, v13  }
0x393: {  	[tilespmem:s2+$0x115B0] =	vst.add.f32.msk $0xffff, v14  }
0x394: {  	[tilespmem:s2+$0x115C0] =	vst.add.f32.msk $0xffff, v15  }
0x395: {  	[tilespmem:s2+$0x115D0] =	vst.add.f32.msk $0xffff, v16  }
0x396: {  	[tilespmem:s2+$0x115E0] =	vst.add.f32.msk $0xffff, v17  }
0x397: {  	[tilespmem:s2+$0x115F0] =	vst.add.f32.msk $0xffff, v18  }
0x398: {  	v4 =	vld [tilespmem:s2+$0x1000]  }
0x399: {  	v5 =	vld [tilespmem:s2+$0x1010]  }
0x39a: {  	v6 =	vld [tilespmem:s2+$0x1020]  }
0x39b: {  	v7 =	vld [tilespmem:s2+$0x1030]  }
0x39c: {  	[tilespmem:s2+$0x11040] =	vst.add.f32.msk $0xffff, v53  }
0x39d: {  	p0 =	por $0x0, $0x0;
	s0 =	simm.s32 $0x1;
	[tilespmem:s2+$0x11050] =	vst.add.f32.msk $0xffff, v54  }
0x39e: {  	s0 =	simm.s32 @!p0 $0x0;
	[tilespmem:s2+$0x11060] =	vst.add.f32.msk $0xffff, v55  }
0x39f: {  	s0 =	sshll.u32 s0, $0x9;
	[tilespmem:s2+$0x11070] =	vst.add.f32.msk $0xffff, v56  }
0x3a0: {  	s1 =	sadd.s32 $0x0, s0;
	[tilespmem:s2+$0x11400] =	vst.add.f32.msk $0xffff, v57  }
0x3a1: {  	s0 =	sadd.s32 $0x180, s1;
	[tilespmem:s2+$0x11410] =	vst.add.f32.msk $0xffff, v58  }
0x3a2: {  	s3 =	sor.u32 $0x800, s0;
	[tilespmem:s2+$0x11420] =	vst.add.f32.msk $0xffff, v59  }
0x3a3: {  	v3 =	vld [tilespmem:s3+$0x1000]  }
0x3a4: {  	[tilespmem:s2+$0x11430] =	vst.add.f32.msk $0xffff, v60  }
0x3a5: {  	[tilespmem:s2+$0x11440] =	vst.add.f32.msk $0xffff, v61  }
0x3a6: {  	[tilespmem:s2+$0x11450] =	vst.add.f32.msk $0xffff, v62  }
0x3a7: {  	[tilespmem:s2+$0x11460] =	vst.add.f32.msk $0xffff, v63  }
0x3a8: {  	s9 =	sor.u32 $0x810, s0;
	[tilespmem:s3+$0x11000] =	vst.add.f32.msk $0xffff, v3  }
0x3a9: {  	v3 =	vld [tilespmem:s9+$0x1000]  }
0x3aa: {  	[tilespmem:s2+$0x11470] =	vst.add.f32.msk $0xffff, v19  }
0x3ab: {  	[tilespmem:s2+$0x11080] =	vst.add.f32.msk $0xffff, v20  }
0x3ac: {  	[tilespmem:s2+$0x11090] =	vst.add.f32.msk $0xffff, v21  }
0x3ad: {  	[tilespmem:s2+$0x110A0] =	vst.add.f32.msk $0xffff, v22  }
0x3ae: {  	s10 =	sor.u32 $0x820, s0;
	[tilespmem:s9+$0x11000] =	vst.add.f32.msk $0xffff, v3  }
0x3af: {  	v3 =	vld [tilespmem:s10+$0x1000]  }
0x3b0: {  	[tilespmem:s2+$0x110B0] =	vst.add.f32.msk $0xffff, v23  }
0x3b1: {  	[tilespmem:s2+$0x110C0] =	vst.add.f32.msk $0xffff, v24  }
0x3b2: {  	[tilespmem:s2+$0x110D0] =	vst.add.f32.msk $0xffff, v25  }
0x3b3: {  	[tilespmem:s2+$0x110E0] =	vst.add.f32.msk $0xffff, v26  }
0x3b4: {  	s11 =	sor.u32 $0x830, s0;
	[tilespmem:s10+$0x11000] =	vst.add.f32.msk $0xffff, v3  }
0x3b5: {  	v3 =	vld [tilespmem:s11+$0x1000]  }
0x3b6: {  	[tilespmem:s2+$0x110F0] =	vst.add.f32.msk $0xffff, v27  }
0x3b7: {  	[tilespmem:s2+$0x11480] =	vst.add.f32.msk $0xffff, v28  }
0x3b8: {  	[tilespmem:s2+$0x11490] =	vst.add.f32.msk $0xffff, v29  }
0x3b9: {  	[tilespmem:s2+$0x114A0] =	vst.add.f32.msk $0xffff, v30  }
0x3ba: {  	s12 =	sor.u32 $0x840, s0;
	[tilespmem:s11+$0x11000] =	vst.add.f32.msk $0xffff, v3  }
0x3bb: {  	v3 =	vld [tilespmem:s12+$0x1000]  }
0x3bc: {  	[tilespmem:s2+$0x114B0] =	vst.add.f32.msk $0xffff, v31  }
0x3bd: {  	[tilespmem:s2+$0x114C0] =	vst.add.f32.msk $0xffff, v32  }
0x3be: {  	[tilespmem:s2+$0x114D0] =	vst.add.f32.msk $0xffff, v33  }
0x3bf: {  	[tilespmem:s2+$0x114E0] =	vst.add.f32.msk $0xffff, v34  }
0x3c0: {  	s13 =	sor.u32 $0x850, s0;
	[tilespmem:s12+$0x11000] =	vst.add.f32.msk $0xffff, v3  }
0x3c1: {  	v3 =	vld [tilespmem:s13+$0x1000]  }
0x3c2: {  	[tilespmem:s2+$0x114F0] =	vst.add.f32.msk $0xffff, v35  }
0x3c3: {  	[tilespmem:s2+$0x11100] =	vst.add.f32.msk $0xffff, v36  }
0x3c4: {  	[tilespmem:s2+$0x11110] =	vst.add.f32.msk $0xffff, v37  }
0x3c5: {  	[tilespmem:s2+$0x11120] =	vst.add.f32.msk $0xffff, v38  }
0x3c6: {  	s14 =	sor.u32 $0x860, s0;
	[tilespmem:s13+$0x11000] =	vst.add.f32.msk $0xffff, v3  }
0x3c7: {  	v3 =	vld [tilespmem:s14+$0x1000]  }
0x3c8: {  	[tilespmem:s2+$0x11130] =	vst.add.f32.msk $0xffff, v39  }
0x3c9: {  	[tilespmem:s2+$0x11140] =	vst.add.f32.msk $0xffff, v40  }
0x3ca: {  	[tilespmem:s2+$0x11150] =	vst.add.f32.msk $0xffff, v41  }
0x3cb: {  	[tilespmem:s2+$0x11160] =	vst.add.f32.msk $0xffff, v42  }
0x3cc: {  	s15 =	sor.u32 $0x870, s0;
	[tilespmem:s14+$0x11000] =	vst.add.f32.msk $0xffff, v3  }
0x3cd: {  	s3 =	sadd.s32 $0x80, s1;
	v3 =	vld [tilespmem:s15+$0x1000]  }
0x3ce: {  	[tilespmem:s2+$0x11000] =	vst.add.f32.msk $0xffff, v4;
	s6 =	sor.u32 $0x800, s3  }
0x3cf: {  	v4 =	vld [tilespmem:s6+$0x1000]  }
0x3d0: {  	[tilespmem:s2+$0x11170] =	vst.add.f32.msk $0xffff, v43  }
0x3d1: {  	[tilespmem:s2+$0x11500] =	vst.add.f32.msk $0xffff, v44  }
0x3d2: {  	s16 =	sor.u32 $0xC00, s0;
	[tilespmem:s15+$0x11000] =	vst.add.f32.msk $0xffff, v3  }
0x3d3: {  	v3 =	vld [tilespmem:s16+$0x1000]  }
0x3d4: {  	s20 =	sor.u32 $0x810, s3;
	[tilespmem:s6+$0x11000] =	vst.add.f32.msk $0xffff, v4  }
0x3d5: {  	v4 =	vld [tilespmem:s20+$0x1000]  }
0x3d6: {  	[tilespmem:s2+$0x11510] =	vst.add.f32.msk $0xffff, v45  }
0x3d7: {  	[tilespmem:s2+$0x11520] =	vst.add.f32.msk $0xffff, v46  }
0x3d8: {  	s17 =	sor.u32 $0xC10, s0;
	[tilespmem:s16+$0x11000] =	vst.add.f32.msk $0xffff, v3  }
0x3d9: {  	v3 =	vld [tilespmem:s17+$0x1000]  }
0x3da: {  	s23 =	sor.u32 $0x820, s3;
	[tilespmem:s20+$0x11000] =	vst.add.f32.msk $0xffff, v4  }
0x3db: {  	v4 =	vld [tilespmem:s23+$0x1000]  }
0x3dc: {  	[tilespmem:s2+$0x11530] =	vst.add.f32.msk $0xffff, v47  }
0x3dd: {  	[tilespmem:s2+$0x11550] =	vst.add.f32.msk $0xffff, v48  }
0x3de: {  	s18 =	sor.u32 $0xC20, s0;
	[tilespmem:s17+$0x11000] =	vst.add.f32.msk $0xffff, v3  }
0x3df: {  	v3 =	vld [tilespmem:s18+$0x1000]  }
0x3e0: {  	s26 =	sor.u32 $0x830, s3;
	[tilespmem:s23+$0x11000] =	vst.add.f32.msk $0xffff, v4  }
0x3e1: {  	v4 =	vld [tilespmem:s26+$0x1000]  }
0x3e2: {  	[tilespmem:s2+$0x11560] =	vst.add.f32.msk $0xffff, v49  }
0x3e3: {  	[tilespmem:s2+$0x11010] =	vst.add.f32.msk $0xffff, v5  }
0x3e4: {  	[tilespmem:s18+$0x11000] =	vst.add.f32.msk $0xffff, v3  }
0x3e5: {  	v3 =	vld [tilespmem:s2+$0x1540]  }
0x3e6: {  	s6 =	sor.u32 $0x840, s3;
	[tilespmem:s26+$0x11000] =	vst.add.f32.msk $0xffff, v4  }
0x3e7: {  	v4 =	vld [tilespmem:s6+$0x1000]  }
0x3e8: {  	[tilespmem:s2+$0x11020] =	vst.add.f32.msk $0xffff, v6  }
0x3e9: {  	[tilespmem:s2+$0x11030] =	vst.add.f32.msk $0xffff, v7  }
0x3ea: {  	s4 =	sor.u32 $0x800, s1;
	[tilespmem:s2+$0x11540] =	vst.add.f32.msk $0xffff, v3  }
0x3eb: {  	v3 =	vld [tilespmem:s4+$0x1000]  }
0x3ec: {  	s10 =	sor.u32 $0x850, s3;
	[tilespmem:s6+$0x11000] =	vst.add.f32.msk $0xffff, v4  }
0x3ed: {  	s5 =	sadd.s32 $0x100, s1;
	v4 =	vld [tilespmem:s10+$0x1000]  }
0x3ee: {  	s7 =	sor.u32 $0x800, s5;
	[tilespmem:s2+$0x11570] =	vst.add.f32.msk $0xffff, v50  }
0x3ef: {  	v5 =	vld [tilespmem:s7+$0x1000]  }
0x3f0: {  	s19 =	sor.u32 $0x810, s1;
	[tilespmem:s4+$0x11000] =	vst.add.f32.msk $0xffff, v3  }
0x3f1: {  	v3 =	vld [tilespmem:s19+$0x1000]  }
0x3f2: {  	s14 =	sor.u32 $0x860, s3;
	[tilespmem:s10+$0x11000] =	vst.add.f32.msk $0xffff, v4  }
0x3f3: {  	v4 =	vld [tilespmem:s14+$0x1000]  }
0x3f4: {  	s8 =	sor.u32 $0x810, s5;
	[tilespmem:s7+$0x11000] =	vst.add.f32.msk $0xffff, v5  }
0x3f5: {  	v5 =	vld [tilespmem:s8+$0x1000]  }
0x3f6: {  	s22 =	sor.u32 $0x820, s1;
	[tilespmem:s19+$0x11000] =	vst.add.f32.msk $0xffff, v3  }
0x3f7: {  	v3 =	vld [tilespmem:s22+$0x1000]  }
0x3f8: {  	[tilespmem:s14+$0x11000] =	vst.add.f32.msk $0xffff, v4;
	s17 =	sor.u32 $0x870, s3  }
0x3f9: {  	v4 =	vld [tilespmem:s17+$0x1000]  }
0x3fa: {  	s24 =	sor.u32 $0x820, s5;
	[tilespmem:s8+$0x11000] =	vst.add.f32.msk $0xffff, v5  }
0x3fb: {  	v5 =	vld [tilespmem:s24+$0x1000]  }
0x3fc: {  	s25 =	sor.u32 $0x830, s1;
	[tilespmem:s22+$0x11000] =	vst.add.f32.msk $0xffff, v3  }
0x3fd: {  	v3 =	vld [tilespmem:s25+$0x1000]  }
0x3fe: {  	s21 =	sor.u32 $0xC30, s0;
	[tilespmem:s17+$0x11000] =	vst.add.f32.msk $0xffff, v4  }
0x3ff: {  	v6 =	vld [tilespmem:s21+$0x1000]  }
0x400: {  	s30 =	sor.u32 $0x830, s5;
	[tilespmem:s24+$0x11000] =	vst.add.f32.msk $0xffff, v5  }
0x401: {  	v5 =	vld [tilespmem:s30+$0x1000]  }
0x402: {  	s31 =	sor.u32 $0x840, s1;
	[tilespmem:s25+$0x11000] =	vst.add.f32.msk $0xffff, v3  }
0x403: {  	v3 =	vld [tilespmem:s31+$0x1000]  }
0x404: {  	s29 =	sor.u32 $0xC40, s0;
	[tilespmem:s21+$0x11000] =	vst.add.f32.msk $0xffff, v6  }
0x405: {  	v6 =	vld [tilespmem:s29+$0x1000]  }
0x406: {  	s7 =	sor.u32 $0x840, s5;
	[tilespmem:s30+$0x11000] =	vst.add.f32.msk $0xffff, v5  }
0x407: {  	v5 =	vld [tilespmem:s7+$0x1000]  }
0x408: {  	s9 =	sor.u32 $0x850, s1;
	[tilespmem:s31+$0x11000] =	vst.add.f32.msk $0xffff, v3  }
0x409: {  	s21 =	sor.u32 $0xC00, s3;
	v3 =	vld [tilespmem:s9+$0x1000]  }
0x40a: {  	v4 =	vld [tilespmem:s21+$0x1000]  }
0x40b: {  	[tilespmem:s29+$0x11000] =	vst.add.f32.msk $0xffff, v6  }
0x40c: {  	s12 =	sor.u32 $0x850, s5;
	[tilespmem:s7+$0x11000] =	vst.add.f32.msk $0xffff, v5  }
0x40d: {  	v5 =	vld [tilespmem:s12+$0x1000]  }
0x40e: {  	s13 =	sor.u32 $0x860, s1;
	[tilespmem:s9+$0x11000] =	vst.add.f32.msk $0xffff, v3  }
0x40f: {  	v3 =	vld [tilespmem:s13+$0x1000]  }
0x410: {  	s11 =	sor.u32 $0xC50, s0;
	[tilespmem:s21+$0x11000] =	vst.add.f32.msk $0xffff, v4  }
0x411: {  	v6 =	vld [tilespmem:s11+$0x1000]  }
0x412: {  	s15 =	sor.u32 $0x860, s5;
	[tilespmem:s12+$0x11000] =	vst.add.f32.msk $0xffff, v5  }
0x413: {  	v5 =	vld [tilespmem:s15+$0x1000]  }
0x414: {  	s16 =	sor.u32 $0x870, s1;
	[tilespmem:s13+$0x11000] =	vst.add.f32.msk $0xffff, v3  }
0x415: {  	v3 =	vld [tilespmem:s16+$0x1000]  }
0x416: {  	s18 =	sor.u32 $0xC60, s0;
	[tilespmem:s11+$0x11000] =	vst.add.f32.msk $0xffff, v6  }
0x417: {  	v6 =	vld [tilespmem:s18+$0x1000]  }
0x418: {  	s19 =	sor.u32 $0x870, s5;
	[tilespmem:s15+$0x11000] =	vst.add.f32.msk $0xffff, v5  }
0x419: {  	v5 =	vld [tilespmem:s19+$0x1000]  }
0x41a: {  	s20 =	sor.u32 $0xC00, s1;
	[tilespmem:s16+$0x11000] =	vst.add.f32.msk $0xffff, v3  }
0x41b: {  	v3 =	vld [tilespmem:s20+$0x1000]  }
0x41c: {  	s24 =	sor.u32 $0xC10, s3;
	[tilespmem:s18+$0x11000] =	vst.add.f32.msk $0xffff, v6  }
0x41d: {  	v4 =	vld [tilespmem:s24+$0x1000]  }
0x41e: {  	s22 =	sor.u32 $0xC00, s5;
	[tilespmem:s19+$0x11000] =	vst.add.f32.msk $0xffff, v5  }
0x41f: {  	v5 =	vld [tilespmem:s22+$0x1000]  }
0x420: {  	s23 =	sor.u32 $0xC10, s1;
	[tilespmem:s20+$0x11000] =	vst.add.f32.msk $0xffff, v3  }
0x421: {  	s0 =	sor.u32 $0xC70, s0;
	v3 =	vld [tilespmem:s23+$0x1000]  }
0x422: {  	v6 =	vld [tilespmem:s0+$0x1000]  }
0x423: {  	[tilespmem:s24+$0x11000] =	vst.add.f32.msk $0xffff, v4  }
0x424: {  	s25 =	sor.u32 $0xC10, s5;
	[tilespmem:s22+$0x11000] =	vst.add.f32.msk $0xffff, v5  }
0x425: {  	v5 =	vld [tilespmem:s25+$0x1000]  }
0x426: {  	s26 =	sor.u32 $0xC20, s1;
	[tilespmem:s23+$0x11000] =	vst.add.f32.msk $0xffff, v3  }
0x427: {  	s29 =	sor.u32 $0xC20, s3;
	v3 =	vld [tilespmem:s26+$0x1000]  }
0x428: {  	v4 =	vld [tilespmem:s29+$0x1000]  }
0x429: {  	[tilespmem:s0+$0x11000] =	vst.add.f32.msk $0xffff, v6  }
0x42a: {  	s30 =	sor.u32 $0xC20, s5;
	[tilespmem:s25+$0x11000] =	vst.add.f32.msk $0xffff, v5  }
0x42b: {  	v5 =	vld [tilespmem:s30+$0x1000]  }
0x42c: {  	s31 =	sor.u32 $0xC30, s1;
	[tilespmem:s26+$0x11000] =	vst.add.f32.msk $0xffff, v3  }
0x42d: {  	s28 =	sor.u32 $0xC50, s5;
	s6 =	sor.u32 $0xC60, s1;
	v6 =	vld [tilespmem:s31+$0x1000]  }
0x42e: {  	s14 =	sor.u32 $0xC40, s5;
	s17 =	simm.s32 $0x800;
	s18 =	sor.u32 $0xC30, s3;
	[tilespmem:s29+$0x11000] =	vst.add.f32.msk $0xffff, v4  }
0x42f: {  	s4 =	sor.u32 $0xC50, s1;
	s0 =	sor.u32 $0xC70, s1;
	s7 =	sor.u32 $0xC50, s3;
	v3 =	vld [tilespmem:s18+$0x1000]  }
0x430: {  	s9 =	sor.u32 $0xC60, s5;
	s12 =	sor.u32 $0xC40, s1;
	s19 =	sor.u32 $0xC30, s5;
	[tilespmem:s30+$0x11000] =	vst.add.f32.msk $0xffff, v5  }
0x431: {  	s1 =	sor.u32 $0xC70, s3;
	s13 =	sor.u32 $0xC40, s3;
	s15 =	simm.s32 $0x0;
	v4 =	vld [tilespmem:s19+$0x1000]  }
0x432: {  	s16 =	simm.s32 $0x200;
	s20 =	sor.u32 $0xC60, s3;
	s3 =	sor.u32 $0xC70, s5;
	[tilespmem:s31+$0x11000] =	vst.add.f32.msk $0xffff, v6  }
.LBB2_9:
0x433: {  	s10 =	sand.u32 $0x7000, s17;
	s11 =	sand.u32 $0x200, s16  }
0x434: {  	s25 =	sor.u32 s11, s10  }
0x435: {  	v5 =	vld [tilespmem:s25+$0x11A0]  }
0x436: {  	v6 =	vld [tilespmem:s25+$0x11B0]  }
0x437: {  	v7 =	vld [tilespmem:s25+$0x11C0]  }
0x438: {  	v8 =	vld [tilespmem:s25+$0x11D0]  }
0x439: {  	v9 =	vld [tilespmem:s25+$0x11E0]  }
0x43a: {  	v10 =	vld [tilespmem:s25+$0x11F0]  }
0x43b: {  	v11 =	vld [tilespmem:s25+$0x1580]  }
0x43c: {  	v12 =	vld [tilespmem:s25+$0x1590]  }
0x43d: {  	v13 =	vld [tilespmem:s25+$0x15A0]  }
0x43e: {  	v14 =	vld [tilespmem:s25+$0x15B0]  }
0x43f: {  	v15 =	vld [tilespmem:s25+$0x15C0]  }
0x440: {  	v16 =	vld [tilespmem:s25+$0x15D0]  }
0x441: {  	v17 =	vld [tilespmem:s25+$0x15E0]  }
0x442: {  	v18 =	vld [tilespmem:s25+$0x15F0]  }
0x443: {  	v63 =	vld [tilespmem:s25+$0x1430]  }
0x444: {  	v54 =	vld [tilespmem:s25+$0x1440]  }
0x445: {  	v55 =	vld [tilespmem:s25+$0x1450]  }
0x446: {  	v56 =	vld [tilespmem:s25+$0x1460]  }
0x447: {  	v57 =	vld [tilespmem:s25+$0x1470]  }
0x448: {  	[tilespmem:s18+$0x11000] =	vst.add.f32.msk $0xffff, v3  }
0x449: {  	[tilespmem:s19+$0x11000] =	vst.add.f32.msk $0xffff, v4  }
0x44a: {  	v3 =	vld [tilespmem:s25+$0x1180]  }
0x44b: {  	v4 =	vld [tilespmem:s25+$0x1190]  }
0x44c: {  	v58 =	vld [tilespmem:s25+$0x1080]  }
0x44d: {  	v20 =	vld [tilespmem:s25+$0x1090]  }
0x44e: {  	v21 =	vld [tilespmem:s25+$0x10A0]  }
0x44f: {  	v22 =	vld [tilespmem:s25+$0x10B0]  }
0x450: {  	v59 =	vld [tilespmem:s25+$0x10C0]  }
0x451: {  	v24 =	vld [tilespmem:s25+$0x10D0]  }
0x452: {  	v25 =	vld [tilespmem:s25+$0x10E0]  }
0x453: {  	v26 =	vld [tilespmem:s25+$0x10F0]  }
0x454: {  	v60 =	vld [tilespmem:s25+$0x1480]  }
0x455: {  	v28 =	vld [tilespmem:s25+$0x1490]  }
0x456: {  	v29 =	vld [tilespmem:s25+$0x14A0]  }
0x457: {  	v30 =	vld [tilespmem:s25+$0x14B0]  }
0x458: {  	v61 =	vld [tilespmem:s25+$0x14C0]  }
0x459: {  	v32 =	vld [tilespmem:s25+$0x14D0]  }
0x45a: {  	v33 =	vld [tilespmem:s25+$0x14E0]  }
0x45b: {  	v34 =	vld [tilespmem:s25+$0x14F0]  }
0x45c: {  	v62 =	vld [tilespmem:s25+$0x1100]  }
0x45d: {  	v36 =	vld [tilespmem:s25+$0x1110]  }
0x45e: {  	v37 =	vld [tilespmem:s25+$0x1120]  }
0x45f: {  	v38 =	vld [tilespmem:s25+$0x1130]  }
0x460: {  	v40 =	vld [tilespmem:s25+$0x1140]  }
0x461: {  	v41 =	vld [tilespmem:s25+$0x1150]  }
0x462: {  	v42 =	vld [tilespmem:s25+$0x1160]  }
0x463: {  	v43 =	vld [tilespmem:s25+$0x1170]  }
0x464: {  	v44 =	vld [tilespmem:s25+$0x1500]  }
0x465: {  	v45 =	vld [tilespmem:s25+$0x1510]  }
0x466: {  	v46 =	vld [tilespmem:s25+$0x1520]  }
0x467: {  	v47 =	vld [tilespmem:s25+$0x1530]  }
0x468: {  	v48 =	vld [tilespmem:s25+$0x1540]  }
0x469: {  	v49 =	vld [tilespmem:s25+$0x1550]  }
0x46a: {  	v50 =	vld [tilespmem:s25+$0x1560]  }
0x46b: {  	v51 =	vld [tilespmem:s25+$0x1570]  }
0x46c: {  	[tilespmem:s25+$0x111A0] =	vst.add.f32.msk $0xffff, v5  }
0x46d: {  	[tilespmem:s25+$0x111B0] =	vst.add.f32.msk $0xffff, v6  }
0x46e: {  	[tilespmem:s25+$0x111C0] =	vst.add.f32.msk $0xffff, v7  }
0x46f: {  	[tilespmem:s25+$0x111D0] =	vst.add.f32.msk $0xffff, v8  }
0x470: {  	[tilespmem:s25+$0x111E0] =	vst.add.f32.msk $0xffff, v9  }
0x471: {  	[tilespmem:s25+$0x111F0] =	vst.add.f32.msk $0xffff, v10  }
0x472: {  	[tilespmem:s25+$0x11580] =	vst.add.f32.msk $0xffff, v11  }
0x473: {  	[tilespmem:s25+$0x11590] =	vst.add.f32.msk $0xffff, v12  }
0x474: {  	[tilespmem:s25+$0x115A0] =	vst.add.f32.msk $0xffff, v13  }
0x475: {  	[tilespmem:s25+$0x115B0] =	vst.add.f32.msk $0xffff, v14  }
0x476: {  	[tilespmem:s25+$0x115C0] =	vst.add.f32.msk $0xffff, v15  }
0x477: {  	[tilespmem:s25+$0x115D0] =	vst.add.f32.msk $0xffff, v16  }
0x478: {  	[dreg:$0x6] =	wrdreg s1;
	p0 =	por !p0, !p0;
	s1 =	simm.s32 $0x1;
	[tilespmem:s25+$0x115E0] =	vst.add.f32.msk $0xffff, v17  }
0x479: {  	s1 =	simm.s32 @!p0 $0x0;
	[tilespmem:s25+$0x115F0] =	vst.add.f32.msk $0xffff, v18  }
0x47a: {  	[smem:$0x7D5] =	sst s20;
	s1 =	sshll.u32 s1, $0x9;
	v5 =	vld [tilespmem:s25+$0x1020]  }
0x47b: {  	[dreg:$0x15] =	wrdreg s6;
	s1 =	sadd.s32 s1, s17;
	v6 =	vld [tilespmem:s25+$0x1030]  }
0x47c: {  	[dreg:$0x9] =	wrdreg s0;
	s30 =	sadd.s32 $0x80, s1;
	v8 =	vld [tilespmem:s25+$0x1050]  }
0x47d: {  	[dreg:$0x4] =	wrdreg s3;
	s31 =	sadd.s32 $0x100, s1;
	s19 =	sor.u32 $0x840, s30;
	v9 =	vld [tilespmem:s25+$0x1060]  }
0x47e: {  	s2 =	sor.u32 $0x840, s31;
	[smem:$0x7CA] =	sst s19;
	v10 =	vld [tilespmem:s25+$0x1070]  }
0x47f: {  	[smem:$0x7CB] =	sst s2;
	s19 =	sor.u32 $0x840, s1;
	v12 =	vld [tilespmem:s25+$0x1410]  }
0x480: {  	s2 =	sor.u32 $0x850, s30;
	[smem:$0x7C9] =	sst s19;
	v13 =	vld [tilespmem:s25+$0x1420]  }
0x481: {  	[smem:$0x7CE] =	sst s2;
	s19 =	sor.u32 $0x850, s31;
	[tilespmem:s25+$0x11430] =	vst.add.f32.msk $0xffff, v63  }
0x482: {  	s2 =	sor.u32 $0x850, s1;
	[tilespmem:s25+$0x11440] =	vst.add.f32.msk $0xffff, v54;
	[smem:$0x7CF] =	sst s19  }
0x483: {  	[tilespmem:s25+$0x11450] =	vst.add.f32.msk $0xffff, v55;
	[smem:$0x7CD] =	sst s2;
	s19 =	sor.u32 $0x860, s30  }
0x484: {  	[tilespmem:s25+$0x11460] =	vst.add.f32.msk $0xffff, v56;
	s2 =	sor.u32 $0x860, s1;
	[smem:$0x7D3] =	sst s19  }
0x485: {  	[tilespmem:s25+$0x11470] =	vst.add.f32.msk $0xffff, v57;
	[smem:$0x7D2] =	sst s2;
	s2 =	sor.u32 $0x870, s30  }
0x486: {  	[tilespmem:s25+$0x11180] =	vst.add.f32.msk $0xffff, v3;
	s19 =	sor.u32 $0x860, s31;
	[smem:$0x7D7] =	sst s2  }
0x487: {  	[tilespmem:s25+$0x11190] =	vst.add.f32.msk $0xffff, v4;
	[smem:$0x7D4] =	sst s19;
	s2 =	sor.u32 $0x870, s1  }
0x488: {  	s3 =	sadd.s32 $0x180, s1;
	v3 =	vld [tilespmem:s25+$0x1000];
	s19 =	sor.u32 $0xC00, s30;
	[smem:$0x7D6] =	sst s2  }
0x489: {  	s18 =	sor.u32 $0x800, s3;
	v4 =	vld [tilespmem:s25+$0x1010];
	[dreg:$0x1f] =	wrdreg s19;
	s2 =	sor.u32 $0x870, s31  }
0x48a: {  	v7 =	vld [tilespmem:s18+$0x1000];
	s19 =	sor.u32 $0xC00, s1;
	[smem:$0x7D8] =	sst s2  }
0x48b: {  	[tilespmem:s25+$0x11080] =	vst.add.f32.msk $0xffff, v58;
	[smem:$0x7DA] =	sst s19;
	s2 =	sor.u32 $0xC10, s30  }
0x48c: {  	[tilespmem:s25+$0x11090] =	vst.add.f32.msk $0xffff, v20;
	s19 =	sor.u32 $0xC00, s31;
	[dreg:$0x17] =	wrdreg s2  }
0x48d: {  	[tilespmem:s25+$0x110A0] =	vst.add.f32.msk $0xffff, v21;
	[smem:$0x7DB] =	sst s19;
	s2 =	sor.u32 $0xC10, s1  }
0x48e: {  	[tilespmem:s25+$0x110B0] =	vst.add.f32.msk $0xffff, v22;
	s19 =	sor.u32 $0xC20, s30;
	[dreg:$0x1b] =	wrdreg s2  }
0x48f: {  	s6 =	sor.u32 $0x800, s30;
	[tilespmem:s25+$0x110C0] =	vst.add.f32.msk $0xffff, v59;
	[dreg:$0xd] =	wrdreg s19;
	s2 =	sor.u32 $0xC10, s31  }
0x490: {  	s0 =	sor.u32 $0x810, s3;
	s19 =	sor.u32 $0xC20, s1;
	[tilespmem:s18+$0x11000] =	vst.add.f32.msk $0xffff, v7;
	[dreg:$0x19] =	wrdreg s2  }
0x491: {  	s8 =	sor.u32 $0x800, s31;
	[dreg:$0x11] =	wrdreg s19;
	s2 =	sor.u32 $0xC20, s31;
	v11 =	vld [tilespmem:s0+$0x1000]  }
0x492: {  	s11 =	sor.u32 $0x810, s30;
	[tilespmem:s25+$0x110D0] =	vst.add.f32.msk $0xffff, v24;
	[dreg:$0xf] =	wrdreg s2;
	s2 =	sor.u32 $0xC30, s1  }
0x493: {  	s20 =	sor.u32 $0x810, s31;
	[tilespmem:s25+$0x110E0] =	vst.add.f32.msk $0xffff, v25;
	[dreg:$0xb] =	wrdreg s2;
	s2 =	sor.u32 $0xC40, s1  }
0x494: {  	s22 =	sor.u32 $0x820, s30;
	[tilespmem:s25+$0x110F0] =	vst.add.f32.msk $0xffff, v26;
	[smem:$0x7C6] =	sst s2;
	s2 =	sor.u32 $0xC40, s30  }
0x495: {  	s23 =	sor.u32 $0x820, s31;
	[tilespmem:s25+$0x11480] =	vst.add.f32.msk $0xffff, v60;
	[smem:$0x7C7] =	sst s2;
	s2 =	sor.u32 $0xC40, s31  }
0x496: {  	[smem:$0x7C8] =	sst s2;
	s2 =	sor.u32 $0xC50, s1;
	[tilespmem:s0+$0x11000] =	vst.add.f32.msk $0xffff, v11;
	s0 =	sor.u32 $0x820, s3  }
0x497: {  	s29 =	sor.u32 $0x830, s30;
	[smem:$0x7CC] =	sst s2;
	s2 =	sor.u32 $0xC50, s30;
	v15 =	vld [tilespmem:s0+$0x1000]  }
0x498: {  	s26 =	sor.u32 $0x830, s31;
	[tilespmem:s25+$0x11490] =	vst.add.f32.msk $0xffff, v28;
	[smem:$0x7D0] =	sst s2;
	s2 =	sor.u32 $0xC50, s31  }
0x499: {  	[tilespmem:s25+$0x114A0] =	vst.add.f32.msk $0xffff, v29;
	s18 =	sor.u32 $0xC30, s30;
	[smem:$0x7D1] =	sst s2;
	s2 =	sor.u32 $0xC60, s1  }
0x49a: {  	[tilespmem:s25+$0x114B0] =	vst.add.f32.msk $0xffff, v30;
	s19 =	sor.u32 $0xC30, s31;
	[smem:$0x7D9] =	sst s2;
	s2 =	sor.u32 $0xC60, s30  }
0x49b: {  	[tilespmem:s25+$0x114C0] =	vst.add.f32.msk $0xffff, v61;
	s30 =	sor.u32 $0xC70, s30;
	[smem:$0x7DC] =	sst s2;
	s2 =	sor.u32 $0xC60, s31  }
0x49c: {  	[dreg:$0x13] =	wrdreg s30;
	s30 =	sor.u32 $0xC70, s31;
	s31 =	sor.u32 $0x830, s3;
	[tilespmem:s0+$0x11000] =	vst.add.f32.msk $0xffff, v15  }
0x49d: {  	v19 =	vld [tilespmem:s31+$0x1000]  }
0x49e: {  	[tilespmem:s25+$0x114D0] =	vst.add.f32.msk $0xffff, v32  }
0x49f: {  	[tilespmem:s25+$0x114E0] =	vst.add.f32.msk $0xffff, v33  }
0x4a0: {  	s5 =	sor.u32 $0x800, s1;
	s10 =	sor.u32 $0x810, s1;
	[tilespmem:s25+$0x114F0] =	vst.add.f32.msk $0xffff, v34  }
0x4a1: {  	s21 =	sor.u32 $0x820, s1;
	s24 =	sor.u32 $0x830, s1;
	[tilespmem:s25+$0x11100] =	vst.add.f32.msk $0xffff, v62;
	s1 =	sor.u32 $0xC70, s1  }
0x4a2: {  	[dreg:$0x1d] =	wrdreg s1;
	s1 =	sor.u32 $0x840, s3;
	[tilespmem:s31+$0x11000] =	vst.add.f32.msk $0xffff, v19  }
0x4a3: {  	v23 =	vld [tilespmem:s1+$0x1000]  }
0x4a4: {  	[tilespmem:s25+$0x11110] =	vst.add.f32.msk $0xffff, v36  }
0x4a5: {  	[tilespmem:s25+$0x11120] =	vst.add.f32.msk $0xffff, v37  }
0x4a6: {  	[tilespmem:s25+$0x11130] =	vst.add.f32.msk $0xffff, v38  }
0x4a7: {  	[tilespmem:s25+$0x11140] =	vst.add.f32.msk $0xffff, v40  }
0x4a8: {  	[smem:$0x7DD] =	sst s2;
	s2 =	sor.u32 $0x850, s3;
	[tilespmem:s1+$0x11000] =	vst.add.f32.msk $0xffff, v23  }
0x4a9: {  	v27 =	vld [tilespmem:s2+$0x1000]  }
0x4aa: {  	[tilespmem:s25+$0x11150] =	vst.add.f32.msk $0xffff, v41  }
0x4ab: {  	[tilespmem:s25+$0x11160] =	vst.add.f32.msk $0xffff, v42  }
0x4ac: {  	[tilespmem:s25+$0x11170] =	vst.add.f32.msk $0xffff, v43  }
0x4ad: {  	[tilespmem:s25+$0x11500] =	vst.add.f32.msk $0xffff, v44  }
0x4ae: {  	s31 =	sor.u32 $0x860, s3;
	[tilespmem:s2+$0x11000] =	vst.add.f32.msk $0xffff, v27  }
0x4af: {  	v31 =	vld [tilespmem:s31+$0x1000]  }
0x4b0: {  	[tilespmem:s25+$0x11510] =	vst.add.f32.msk $0xffff, v45  }
0x4b1: {  	[tilespmem:s25+$0x11520] =	vst.add.f32.msk $0xffff, v46  }
0x4b2: {  	[tilespmem:s25+$0x11530] =	vst.add.f32.msk $0xffff, v47  }
0x4b3: {  	[tilespmem:s25+$0x11540] =	vst.add.f32.msk $0xffff, v48  }
0x4b4: {  	s1 =	sor.u32 $0x870, s3;
	[tilespmem:s31+$0x11000] =	vst.add.f32.msk $0xffff, v31  }
0x4b5: {  	v35 =	vld [tilespmem:s1+$0x1000]  }
0x4b6: {  	[tilespmem:s25+$0x11550] =	vst.add.f32.msk $0xffff, v49  }
0x4b7: {  	[tilespmem:s25+$0x11560] =	vst.add.f32.msk $0xffff, v50  }
0x4b8: {  	[tilespmem:s25+$0x11570] =	vst.add.f32.msk $0xffff, v51  }
0x4b9: {  	[tilespmem:s25+$0x11020] =	vst.add.f32.msk $0xffff, v5  }
0x4ba: {  	s2 =	sor.u32 $0xC00, s3;
	[tilespmem:s1+$0x11000] =	vst.add.f32.msk $0xffff, v35  }
0x4bb: {  	v39 =	vld [tilespmem:s2+$0x1000]  }
0x4bc: {  	[tilespmem:s25+$0x11030] =	vst.add.f32.msk $0xffff, v6  }
0x4bd: {  	[tilespmem:s25+$0x11050] =	vst.add.f32.msk $0xffff, v8  }
0x4be: {  	[tilespmem:s25+$0x11060] =	vst.add.f32.msk $0xffff, v9  }
0x4bf: {  	[tilespmem:s25+$0x11070] =	vst.add.f32.msk $0xffff, v10  }
0x4c0: {  	s31 =	sor.u32 $0xC10, s3;
	[tilespmem:s2+$0x11000] =	vst.add.f32.msk $0xffff, v39  }
0x4c1: {  	v39 =	vld [tilespmem:s31+$0x1000]  }
0x4c2: {  	[tilespmem:s25+$0x11410] =	vst.add.f32.msk $0xffff, v12  }
0x4c3: {  	[tilespmem:s25+$0x11420] =	vst.add.f32.msk $0xffff, v13  }
0x4c4: {  	v5 =	vld [tilespmem:s8+$0x1000]  }
0x4c5: {  	[tilespmem:s25+$0x11000] =	vst.add.f32.msk $0xffff, v3  }
0x4c6: {  	s1 =	sor.u32 $0xC20, s3;
	[tilespmem:s31+$0x11000] =	vst.add.f32.msk $0xffff, v39  }
0x4c7: {  	v39 =	vld [tilespmem:s1+$0x1000]  }
0x4c8: {  	[tilespmem:s25+$0x11010] =	vst.add.f32.msk $0xffff, v4  }
0x4c9: {  	v4 =	vld [tilespmem:s6+$0x1000]  }
0x4ca: {  	v7 =	vld [tilespmem:s25+$0x1040]  }
0x4cb: {  	[tilespmem:s8+$0x11000] =	vst.add.f32.msk $0xffff, v5  }
0x4cc: {  	s2 =	sor.u32 $0xC30, s3;
	[tilespmem:s1+$0x11000] =	vst.add.f32.msk $0xffff, v39  }
0x4cd: {  	v39 =	vld [tilespmem:s2+$0x1000]  }
0x4ce: {  	v5 =	vld [tilespmem:s20+$0x1000]  }
0x4cf: {  	v63 =	vld [tilespmem:s14+$0x1000]  }
0x4d0: {  	[tilespmem:s25+$0x11040] =	vst.add.f32.msk $0xffff, v7  }
0x4d1: {  	v7 =	vld [tilespmem:s13+$0x1000]  }
0x4d2: {  	s31 =	sor.u32 $0xC40, s3;
	[tilespmem:s2+$0x11000] =	vst.add.f32.msk $0xffff, v39  }
0x4d3: {  	v39 =	vld [tilespmem:s31+$0x1000]  }
0x4d4: {  	[tilespmem:s6+$0x11000] =	vst.add.f32.msk $0xffff, v4  }
0x4d5: {  	v11 =	vld [tilespmem:s25+$0x1400]  }
0x4d6: {  	v4 =	vld [tilespmem:s11+$0x1000]  }
0x4d7: {  	[tilespmem:s20+$0x11000] =	vst.add.f32.msk $0xffff, v5  }
0x4d8: {  	s1 =	sor.u32 $0xC50, s3;
	[tilespmem:s31+$0x11000] =	vst.add.f32.msk $0xffff, v39  }
0x4d9: {  	v3 =	vld [tilespmem:s1+$0x1000]  }
0x4da: {  	v5 =	vld [tilespmem:s23+$0x1000]  }
0x4db: {  	[tilespmem:s14+$0x11000] =	vst.add.f32.msk $0xffff, v63  }
0x4dc: {  	[tilespmem:s25+$0x11400] =	vst.add.f32.msk $0xffff, v11  }
0x4dd: {  	[tilespmem:s11+$0x11000] =	vst.add.f32.msk $0xffff, v4  }
0x4de: {  	s2 =	sor.u32 $0xC60, s3;
	[tilespmem:s1+$0x11000] =	vst.add.f32.msk $0xffff, v3  }
0x4df: {  	v3 =	vld [tilespmem:s2+$0x1000]  }
0x4e0: {  	v4 =	vld [tilespmem:s22+$0x1000]  }
0x4e1: {  	[tilespmem:s13+$0x11000] =	vst.add.f32.msk $0xffff, v7  }
0x4e2: {  	[tilespmem:s23+$0x11000] =	vst.add.f32.msk $0xffff, v5  }
0x4e3: {  	v5 =	vld [tilespmem:s26+$0x1000]  }
0x4e4: {  	s3 =	sor.u32 $0xC70, s3;
	[tilespmem:s2+$0x11000] =	vst.add.f32.msk $0xffff, v3  }
0x4e5: {  	v3 =	vld [tilespmem:s3+$0x1000]  }
0x4e6: {  	[tilespmem:s22+$0x11000] =	vst.add.f32.msk $0xffff, v4;
	s22 =	sld [smem:$0x7CB]  }
0x4e7: {  	v6 =	vld [tilespmem:s12+$0x1000]  }
0x4e8: {  	[tilespmem:s26+$0x11000] =	vst.add.f32.msk $0xffff, v5  }
0x4e9: {  	v5 =	vld [tilespmem:s22+$0x1000]  }
0x4ea: {  	[tilespmem:s3+$0x11000] =	vst.add.f32.msk $0xffff, v3  }
0x4eb: {  	v3 =	vld [tilespmem:s5+$0x1000]  }
0x4ec: {  	v4 =	vld [tilespmem:s29+$0x1000];
	s26 =	sld [smem:$0x7CF]  }
0x4ed: {  	v8 =	vld [tilespmem:s28+$0x1000]  }
0x4ee: {  	[tilespmem:s22+$0x11000] =	vst.add.f32.msk $0xffff, v5  }
0x4ef: {  	s8 =	sld [smem:$0x7C6];
	v5 =	vld [tilespmem:s26+$0x1000]  }
0x4f0: {  	[tilespmem:s5+$0x11000] =	vst.add.f32.msk $0xffff, v3  }
0x4f1: {  	v3 =	vld [tilespmem:s10+$0x1000]  }
0x4f2: {  	[tilespmem:s12+$0x11000] =	vst.add.f32.msk $0xffff, v6;
	s12 =	smov.u32 s8;
	s8 =	sld [smem:$0x7D4]  }
0x4f3: {  	[tilespmem:s28+$0x11000] =	vst.add.f32.msk $0xffff, v8  }
0x4f4: {  	[tilespmem:s26+$0x11000] =	vst.add.f32.msk $0xffff, v5  }
0x4f5: {  	v5 =	vld [tilespmem:s8+$0x1000]  }
0x4f6: {  	v7 =	vld [tilespmem:s7+$0x1000]  }
0x4f7: {  	[tilespmem:s10+$0x11000] =	vst.add.f32.msk $0xffff, v3  }
0x4f8: {  	s22 =	sld [smem:$0x7D8];
	v3 =	vld [tilespmem:s21+$0x1000]  }
0x4f9: {  	[tilespmem:s29+$0x11000] =	vst.add.f32.msk $0xffff, v4  }
0x4fa: {  	[tilespmem:s8+$0x11000] =	vst.add.f32.msk $0xffff, v5  }
0x4fb: {  	v5 =	vld [tilespmem:s22+$0x1000]  }
0x4fc: {  	v8 =	vld [tilespmem:s9+$0x1000]  }
0x4fd: {  	[tilespmem:s21+$0x11000] =	vst.add.f32.msk $0xffff, v3;
	s21 =	sld [smem:$0x7CA]  }
0x4fe: {  	v3 =	vld [tilespmem:s24+$0x1000]  }
0x4ff: {  	s26 =	sld [smem:$0x7DB];
	v6 =	vld [tilespmem:s4+$0x1000]  }
0x500: {  	v4 =	vld [tilespmem:s21+$0x1000]  }
0x501: {  	s20 =	sld [smem:$0x7C9];
	[tilespmem:s22+$0x11000] =	vst.add.f32.msk $0xffff, v5  }
0x502: {  	v5 =	vld [tilespmem:s26+$0x1000]  }
0x503: {  	[tilespmem:s24+$0x11000] =	vst.add.f32.msk $0xffff, v3  }
0x504: {  	s25 =	sld [smem:$0x7CE];
	v3 =	vld [tilespmem:s20+$0x1000]  }
0x505: {  	[tilespmem:s9+$0x11000] =	vst.add.f32.msk $0xffff, v8  }
0x506: {  	[tilespmem:s21+$0x11000] =	vst.add.f32.msk $0xffff, v4  }
0x507: {  	s24 =	sld [smem:$0x7CD];
	v4 =	vld [tilespmem:s25+$0x1000]  }
0x508: {  	s11 =	sld [smem:$0x7C8];
	[tilespmem:s4+$0x11000] =	vst.add.f32.msk $0xffff, v6  }
0x509: {  	[tilespmem:s20+$0x11000] =	vst.add.f32.msk $0xffff, v3  }
0x50a: {  	s6 =	sld [smem:$0x7D3];
	v3 =	vld [tilespmem:s24+$0x1000]  }
0x50b: {  	s14 =	smov.u32 s11;
	s11 =	sld [smem:$0x7D5];
	[tilespmem:s7+$0x11000] =	vst.add.f32.msk $0xffff, v7  }
0x50c: {  	s10 =	sld [smem:$0x7C7];
	[tilespmem:s25+$0x11000] =	vst.add.f32.msk $0xffff, v4  }
0x50d: {  	s3 =	sld [smem:$0x7D2];
	v4 =	vld [tilespmem:s6+$0x1000]  }
0x50e: {  	v7 =	vld [tilespmem:s11+$0x1000]  }
0x50f: {  	s13 =	smov.u32 s10;
	s10 =	rddreg [dreg:$0x15];
	[tilespmem:s24+$0x11000] =	vst.add.f32.msk $0xffff, v3  }
0x510: {  	s21 =	sld [smem:$0x7D7];
	v3 =	vld [tilespmem:s3+$0x1000]  }
0x511: {  	v6 =	vld [tilespmem:s10+$0x1000]  }
0x512: {  	[tilespmem:s6+$0x11000] =	vst.add.f32.msk $0xffff, v4  }
0x513: {  	s20 =	sld [smem:$0x7D6];
	v4 =	vld [tilespmem:s21+$0x1000]  }
0x514: {  	[tilespmem:s26+$0x11000] =	vst.add.f32.msk $0xffff, v5  }
0x515: {  	[tilespmem:s3+$0x11000] =	vst.add.f32.msk $0xffff, v3  }
0x516: {  	v3 =	vld [tilespmem:s20+$0x1000]  }
0x517: {  	[tilespmem:s10+$0x11000] =	vst.add.f32.msk $0xffff, v6  }
0x518: {  	s10 =	rddreg [dreg:$0x19];
	[tilespmem:s21+$0x11000] =	vst.add.f32.msk $0xffff, v4  }
0x519: {  	s25 =	rddreg [dreg:$0x1f];
	v5 =	vld [tilespmem:s10+$0x1000]  }
0x51a: {  	s24 =	sld [smem:$0x7DA];
	v4 =	vld [tilespmem:s25+$0x1000]  }
0x51b: {  	[tilespmem:s11+$0x11000] =	vst.add.f32.msk $0xffff, v7  }
0x51c: {  	[tilespmem:s20+$0x11000] =	vst.add.f32.msk $0xffff, v3  }
0x51d: {  	v3 =	vld [tilespmem:s24+$0x1000]  }
0x51e: {  	s23 =	sld [smem:$0x7CC];
	[tilespmem:s10+$0x11000] =	vst.add.f32.msk $0xffff, v5  }
0x51f: {  	s5 =	rddreg [dreg:$0x17];
	[tilespmem:s25+$0x11000] =	vst.add.f32.msk $0xffff, v4  }
0x520: {  	s21 =	rddreg [dreg:$0x6];
	v4 =	vld [tilespmem:s5+$0x1000]  }
0x521: {  	s4 =	smov.u32 s23;
	s23 =	sld [smem:$0x7D9];
	v7 =	vld [tilespmem:s21+$0x1000]  }
0x522: {  	s3 =	rddreg [dreg:$0x1b];
	[tilespmem:s24+$0x11000] =	vst.add.f32.msk $0xffff, v3  }
0x523: {  	s11 =	rddreg [dreg:$0x9];
	v3 =	vld [tilespmem:s3+$0x1000]  }
0x524: {  	s24 =	rddreg [dreg:$0xf];
	v6 =	vld [tilespmem:s11+$0x1000]  }
0x525: {  	v5 =	vld [tilespmem:s24+$0x1000]  }
0x526: {  	s6 =	smov.u32 s23;
	s23 =	rddreg [dreg:$0xd];
	[tilespmem:s5+$0x11000] =	vst.add.f32.msk $0xffff, v4  }
0x527: {  	s29 =	sld [smem:$0x7D0];
	v4 =	vld [tilespmem:s23+$0x1000]  }
0x528: {  	s22 =	rddreg [dreg:$0x11];
	[tilespmem:s3+$0x11000] =	vst.add.f32.msk $0xffff, v3  }
0x529: {  	s25 =	rddreg [dreg:$0x4];
	v3 =	vld [tilespmem:s22+$0x1000]  }
0x52a: {  	v8 =	vld [tilespmem:s25+$0x1000]  }
0x52b: {  	s7 =	smov.u32 s29;
	s29 =	sld [smem:$0x7DC];
	[tilespmem:s24+$0x11000] =	vst.add.f32.msk $0xffff, v5  }
0x52c: {  	s31 =	sld [smem:$0x7D1];
	[tilespmem:s11+$0x11000] =	vst.add.f32.msk $0xffff, v6  }
0x52d: {  	[tilespmem:s23+$0x11000] =	vst.add.f32.msk $0xffff, v4  }
0x52e: {  	s15 =	sadd.s32 $0x4, s15;
	s20 =	smov.u32 s29;
	s29 =	rddreg [dreg:$0xb];
	[tilespmem:s22+$0x11000] =	vst.add.f32.msk $0xffff, v3  }
0x52f: {  	p1 =	slt.u32 s15, $0x3C;
	s28 =	smov.u32 s31;
	s31 =	sld [smem:$0x7DD];
	v5 =	vld [tilespmem:s29+$0x1000]  }
.Ltmp3:
0x530: {  	v4 =	vld [tilespmem:s19+$0x1000];
	(pc) =	sbr.rel @p1 .LBB2_9-.Ltmp3, $4  }
0x531: {  	[tilespmem:s25+$0x11000] =	vst.add.f32.msk $0xffff, v8  }
0x532: {  	s9 =	smov.u32 s31;
	s31 =	rddreg [dreg:$0x13];
	v3 =	vld [tilespmem:s18+$0x1000]  }
0x533: {  	s16 =	sadd.s32 $0x200, s16;
	s17 =	sadd.s32 $0x800, s17;
	s26 =	rddreg [dreg:$0x1d];
	[tilespmem:s21+$0x11000] =	vst.add.f32.msk $0xffff, v7  }
0x534: {  	s1 =	smov.u32 s31;
	s0 =	smov.u32 s26;
	s3 =	smov.u32 s30;
	[tilespmem:s29+$0x11000] =	vst.add.f32.msk $0xffff, v5  }
0x535: {  	[tilespmem:s19+$0x11000] =	vst.add.f32.msk $0xffff, v4  }
0x536: {  	v5 =	vld [tilespmem:s14+$0x1000]  }
0x537: {  	[tilespmem:s18+$0x11000] =	vst.add.f32.msk $0xffff, v3  }
0x538: {  	v3 =	vld [tilespmem:s12+$0x1000];
	_ =	sdelay $0x2  }
0x539: {  	v63 =	vld [tilespmem:s13+$0x1000]  }
0x53a: {  	[tilespmem:s14+$0x11000] =	vst.add.f32.msk $0xffff, v5  }
0x53b: {  	[tilespmem:s12+$0x11000] =	vst.add.f32.msk $0xffff, v3  }
0x53c: {  	v5 =	vld [tilespmem:s28+$0x1000]  }
0x53d: {  	v3 =	vld [tilespmem:s4+$0x1000]  }
0x53e: {  	[tilespmem:s13+$0x11000] =	vst.add.f32.msk $0xffff, v63  }
0x53f: {  	v4 =	vld [tilespmem:s7+$0x1000];
	_ =	sdelay $0x1  }
0x540: {  	[tilespmem:s28+$0x11000] =	vst.add.f32.msk $0xffff, v5  }
0x541: {  	[tilespmem:s4+$0x11000] =	vst.add.f32.msk $0xffff, v3  }
0x542: {  	v5 =	vld [tilespmem:s9+$0x1000]  }
0x543: {  	[tilespmem:s7+$0x11000] =	vst.add.f32.msk $0xffff, v4  }
0x544: {  	v3 =	vld [tilespmem:s6+$0x1000]  }
0x545: {  	v4 =	vld [tilespmem:s20+$0x1000];
	_ =	sdelay $0x2  }
0x546: {  	[tilespmem:s9+$0x11000] =	vst.add.f32.msk $0xffff, v5  }
0x547: {  	[tilespmem:s6+$0x11000] =	vst.add.f32.msk $0xffff, v3  }
0x548: {  	[tilespmem:s20+$0x11000] =	vst.add.f32.msk $0xffff, v4  }
0x549: {  	v3 =	vld [tilespmem:s0+$0x1000]  }
0x54a: {  	v4 =	vld [tilespmem:s1+$0x1000]  }
0x54b: {  	v5 =	vld [tilespmem:s3+$0x1000];
	_ =	sdelay $0x2  }
0x54c: {  	[tilespmem:s0+$0x11000] =	vst.add.f32.msk $0xffff, v3  }
0x54d: {  	[tilespmem:s1+$0x11000] =	vst.add.f32.msk $0xffff, v4  }
0x54e: {  	s0 =	sld [smem:$0x7F7];
	[tilespmem:s3+$0x11000] =	vst.add.f32.msk $0xffff, v5  }
0x54f: {  	s1 =	sld [smem:$0x7FB]  }
0x550: {  	s31 =	sld [smem:$0x7F6];
	_ =	sdelay $0x1  }
0x551: {  	s0 =	sshll.u32 s0, $0x11  }
0x552: {  	s0 =	sadd.s32 s0, s1;
	s1 =	sadd.s32 $0x1, s31  }
0x553: {  	p0 =	sne.s32 s1, $0x10  }
.Ltmp4:
0x554: {  	_ = 	snop;
	(pc) =	sbr.rel @p0 .LBB2_4-.Ltmp4, $3  }
0x555: {  	_ =	sdelay $0x1  }
0x556: {  	s5 =	simm.s32 $0x11000;
	s7 =	simm.s32 $0x0  }
0x557: {  	[hbm4b:s0+s7] =	stream.linear.scatter [tilespmem:s5], [sflag:$0x4], $0x8000, $0x38;
	[tilespmem:$0x19000] =	vst v63  }
0x558: {  	s0 =	simm.s32 $0x3  }
0x559: {  	_ =	swait.ge [sflag:s0], $0x8000  }
0x55a: {  	[sflag:s0] =	ssyncset.done $0x0  }
0x55b: {  	s1 =	simm.s32 $0x4;
	[sflag:s0] =	ssyncadd.s32 $0xFFFF8000  }
0x55c: {  	_ =	swait.ge [sflag:s1], $0x8000  }
0x55d: {  	s2 =	sld [smem:$0x7F8]  }
0x55e: {  	s31 =	sld [smem:$0x7FC];
	_ =	sdelay $0x1  }
0x55f: {  	s2 =	sadd.s32 $0x1, s2  }
0x560: {  	p0 =	sne.s32 s2, s31  }
.Ltmp5:
0x561: {  	_ = 	snop;
	(pc) =	sbr.rel @p0 .LBB2_1-.Ltmp5, $3  }
0x562: {  	_ =	sdelay $0x1  }
0x563: {  	[sflag:s1] =	ssyncset.done $0x0  }
0x564: {  	s4 =	sld [smem:$0x7FD];
	[sflag:s1] =	ssyncadd.s32 $0xFFFF8000  }
0x565: {  	_ =	sfence.sel $0x180000  }
0x566: {  	[bflag:$0x0] =	sbarrier.arrive $0xFFFF  }
0x567: {  	_ =	strace $0x90000047  }
0x568: {  	s0 =	stileid.u32;
	[bflag:$0x2] =	sbarrier.arrive $0xFFFF  }
0x569: {  	p0 =	sne.s32 s0, $0x0;
	s0 =	rddreg [dreg:$0x3]  }
0x56a: {  	s0 =	sadd.s32 @!p0 $0x100000, s0  }
0x56b: {  	[sflag:s0] =	ssyncadd.tile.s32 @!p0 $0x1;
	_ =	shalt  }
.Lfunc_end2:
_tile_overlayer_lowered:
.L_overlay_start_2:
0x56c: {  	(tag) =	ssettag $0x2  }
0x56d: {  	s0 =	rddreg [dreg:$0x0];
	s2 =	stileid.u32  }
0x56e: {  	s1 =	rddreg [dreg:$0x1];
	p0 =	sne.s32 s2, $0x0  }
0x56f: {  	s3 =	rddreg [dreg:$0x2];
	[bflag:$0x3] =	sbarrier.arrive $0xFFFF;
	s2 =	simm.s32 @!p0 $0x1C07  }
0x570: {  	[timem:s3], [sflag:s2] =	dma.local @!p0 [hbm:s0], s1  }
0x571: {  	s0 =	simm.s32 @!p0 $0x7  }
0x572: {  	_ =	swait.ge @!p0 [sflag:s0], s1  }
0x573: {  	s1 =	ssub.s32 @!p0 $0x0, s1;
	[sflag:s0] =	ssyncset.done @!p0 $0x0  }
0x574: {  	[sflag:s0] =	ssyncadd.s32 @!p0 s1  }
0x575: {  	[bflag:$0x3] =	sbarrier.arrive $0xFFFF  }
0x576: {  	_ =	shalt  }

</sc_bundles>
